<compile_context>
chip_gen: v7x
topology: tpu7x:2x2x1
jax: 0.10.2.dev20260603
libtpu: 0.0.44.dev20260713+nightly
codegen_flags: <defaults>
</compile_context>

<pallas_src>
import functools

import jax
import jax.numpy as jnp
from jax import lax
from jax.experimental import pallas as pl
from jax.experimental.pallas import tpu as pltpu
from jax.experimental.pallas import tpu_sc as plsc

FEAT = 256
NCLS = 4768
NQ = 2000
NTOT = NCLS + NQ
SCALE = 30.0
B = 4096
BB = 512
NB = B // BB

NWORK = 32
BPW = B // NWORK
NLANE = 16


def _sc_dot_body(x_hbm, t_hbm, lut_hbm, dpart_hbm, idx_v, xrows, lrows, dp_v, sem):
    wid = lax.axis_index("s") * 2 + lax.axis_index("c")
    base = wid * BPW
    pltpu.sync_copy(t_hbm.at[pl.ds(base, BPW)], idx_v)
    pltpu.sync_copy(x_hbm.at[pl.ds(base, BPW)], xrows)
    pltpu.async_copy(lut_hbm.at[idx_v], lrows, sem).wait()

    def row16(rr, _):
        base_r = rr * 16
        for r2 in range(16):
            r = base_r + r2
            acc = jnp.zeros((NLANE,), jnp.float32)
            for j in range(FEAT // NLANE):
                xa = xrows[r, pl.ds(j * NLANE, NLANE)]
                la = lrows[r, pl.ds(j * NLANE, NLANE)]
                acc = acc + xa * la
            dp_v[r, :] = acc
        return _

    lax.fori_loop(0, BPW // 16, row16, 0)
    pltpu.sync_copy(dp_v, dpart_hbm.at[pl.ds(base, BPW)])


def _main_body(x_ref, wt_ref, dp_ref, logits_ref, loss_ref):
    i = pl.program_id(0)
    x = x_ref[...]
    nrm = jnp.sqrt(jnp.sum(x * x, axis=1, keepdims=True)) + 1e-12
    xn = x / nrm
    z = lax.dot_general(
        xn.astype(jnp.bfloat16), wt_ref[...],
        (((1,), (0,)), ((), ())),
        preferred_element_type=jnp.float32,
    ) * SCALE
    logits_ref[...] = z
    sumexp = jnp.sum(jnp.exp(z - SCALE), axis=1)
    tlogit = SCALE * jnp.sum(dp_ref[...], axis=1) / nrm[:, 0]
    partial = jnp.sum(SCALE + jnp.log(sumexp) - tlogit) * (1.0 / B)

    @pl.when(i == 0)
    def _():
        loss_ref[0, 0] = 0.0

    loss_ref[0, 0] += partial


def kernel(inputs, targets, lut, queue):
    wt = jnp.concatenate([lut, queue], axis=0).T.astype(jnp.bfloat16)

    mesh = plsc.VectorSubcoreMesh(core_axis_name="c", subcore_axis_name="s")
    dpart = functools.partial(
        pl.kernel,
        mesh=mesh,
        out_type=jax.ShapeDtypeStruct((B, NLANE), jnp.float32),
        scratch_types=[
            pltpu.VMEM((BPW,), jnp.int32),
            pltpu.VMEM((BPW, FEAT), jnp.float32),
            pltpu.VMEM((BPW, FEAT), jnp.float32),
            pltpu.VMEM((BPW, NLANE), jnp.float32),
            pltpu.SemaphoreType.DMA,
        ],
    )(_sc_dot_body)(inputs, targets, lut)

    logits, loss = pl.pallas_call(
        _main_body,
        grid=(NB,),
        in_specs=[
            pl.BlockSpec((BB, FEAT), lambda i: (i, 0)),
            pl.BlockSpec((FEAT, NTOT), lambda i: (0, 0)),
            pl.BlockSpec((BB, NLANE), lambda i: (i, 0)),
        ],
        out_specs=[
            pl.BlockSpec((BB, NTOT), lambda i: (i, 0)),
            pl.BlockSpec(memory_space=pltpu.SMEM),
        ],
        out_shape=[
            jax.ShapeDtypeStruct((B, NTOT), jnp.float32),
            jax.ShapeDtypeStruct((1, 1), jnp.float32),
        ],
    )(inputs, wt, dpart)
    return (loss[0, 0], logits)

# --- scband reference (transcript-rebuilt; emitter-appended) ---
"""Pipeline reference for scband-oimloss-64544768524730 (READ-ONLY COPY).

The authoritative reference and input builder live on the scoring server;
editing this copy changes nothing except your own understanding.
"""

import jax, jax.numpy as jnp
import numpy as np

FEAT_DIM = 256
NUM_CLASSES = 4768
QUEUE_SIZE = 2000
SCALAR = 30.0
BATCH = 4096


def setup_inputs(seed: int = 0) -> dict:
    key = jax.random.key(seed)
    k1, k2, k3, k4 = jax.random.split(key, 4)
    inputs = jax.random.normal(k1, (BATCH, FEAT_DIM), dtype=jnp.float32)
    targets = jax.random.randint(k2, (BATCH,), 0, NUM_CLASSES, dtype=jnp.int32)
    lut = jax.random.normal(k3, (NUM_CLASSES, FEAT_DIM), dtype=jnp.float32)
    lut = lut / (jnp.linalg.norm(lut, axis=-1, keepdims=True) + 1e-12)
    queue = jax.random.normal(k4, (QUEUE_SIZE, FEAT_DIM), dtype=jnp.float32)
    queue = queue / (jnp.linalg.norm(queue, axis=-1, keepdims=True) + 1e-12)
    return {"inputs": inputs, "targets": targets, "lut": lut, "queue": queue}


def reference(inputs, targets, lut, queue):
    # normalize_feature=True
    x = inputs / (jnp.linalg.norm(inputs, ord=2, axis=-1, keepdims=True) + 1e-12)
    # OIM forward: similarities against labeled lut and unlabeled queue
    outputs_labeled = x @ lut.T
    outputs_unlabeled = x @ queue.T
    logits = jnp.concatenate([outputs_labeled, outputs_unlabeled], axis=1)
    # margin=0.0
    margin = 0.0
    phi = logits - margin
    b = logits.shape[0]
    one_hot = jnp.zeros_like(logits).at[jnp.arange(b), targets].set(1.0)
    logits = one_hot * phi + (1.0 - one_hot) * logits
    logits = logits * SCALAR
    # weighted cross entropy, weight = ones(4768) then zeros, reduction='mean', ignore_index=-1
    weight = jnp.concatenate([
        jnp.ones((4768,), dtype=jnp.float32),
        jnp.zeros((NUM_CLASSES + QUEUE_SIZE - 4768,), dtype=jnp.float32),
    ])
    log_probs = jax.nn.log_softmax(logits, axis=1)
    nll = -jnp.take_along_axis(log_probs, targets[:, None], axis=1)[:, 0]
    w = weight[targets] * (targets != -1).astype(jnp.float32)
    loss = jnp.sum(nll * w) / jnp.sum(w)
    return (loss, logits)

if __name__ == "__main__":
    import jax
    _d = setup_inputs()
    print(jax.jit(kernel)(*tuple(_d.values())))

</pallas_src>

<mosaic_0001>
#map = affine_map<(d0, d1) -> (0, 0)>
#map1 = affine_map<(d0, d1) -> (0)>
module attributes {stable_mosaic.version = 14 : i64} {
  func.func @_sc_dot_body(%arg0: i32, %arg1: i32, %arg2: memref<4096x256xf32, #tpu.memory_space<hbm>>, %arg3: memref<4096xi32, #tpu.memory_space<hbm>>, %arg4: memref<4768x256xf32, #tpu.memory_space<hbm>>, %arg5: memref<4096x16xf32, #tpu.memory_space<hbm>>, %arg6: memref<128xi32, #tpu.memory_space<vmem>>, %arg7: memref<128x256xf32, #tpu.memory_space<vmem>>, %arg8: memref<128x256xf32, #tpu.memory_space<vmem>>, %arg9: memref<128x16xf32, #tpu.memory_space<vmem>>, %arg10: memref<!tpu.dma_semaphore, #tpu.memory_space<semaphore_mem>>) attributes {dimension_semantics = [#tpu.dimension_semantics<core_parallel>, #tpu.dimension_semantics<subcore_parallel>], iteration_bounds = array<i64: 2, 16>, scalar_prefetch = 0 : i64, scratch_operands = 5 : i64, tpu.core_type = #tpu.core_type<sc_vector_subcore>, window_params = [{transform_indices = #map}, {transform_indices = #map1}, {transform_indices = #map}, {transform_indices = #map}]} {
    %mul3A = arith.constant 2 : i32
    %mul3A_0 = arith.muli %arg1, %mul3A : i32
    %add3A = arith.addi %mul3A_0, %arg0 : i32
    %mul3A_1 = arith.constant 128 : i32
    %mul3A_2 = arith.muli %add3A, %mul3A_1 : i32
    "tpu.region"() ({
      %run_scoped3A = tpu.sem_alloc : memref<!tpu.dma_semaphore, #tpu.memory_space<semaphore_mem>>
      %dma_start3A_12 = tpu.memref_slice %arg3[%mul3A_2] : memref<4096xi32, #tpu.memory_space<hbm>> -> memref<128xi32, #tpu.memory_space<hbm>>
      %dma_start3A_13 = tpu.memref_slice %arg3[%mul3A_2] : memref<4096xi32, #tpu.memory_space<hbm>> -> memref<128xi32, #tpu.memory_space<hbm>>
      tpu.enqueue_dma source(%dma_start3A_13 : memref<128xi32, #tpu.memory_space<hbm>>) target(%arg6 : memref<128xi32, #tpu.memory_space<vmem>>) target_semaphore(%run_scoped3A : memref<!tpu.dma_semaphore, #tpu.memory_space<semaphore_mem>>)
      %dma_wait3A_14 = tpu.memref_slice %arg3[%mul3A_2] : memref<4096xi32, #tpu.memory_space<hbm>> -> memref<128xi32, #tpu.memory_space<hbm>>
      %dma_wait3A_15 = tpu.memref_slice %arg3[%mul3A_2] : memref<4096xi32, #tpu.memory_space<hbm>> -> memref<128xi32, #tpu.memory_space<hbm>>
      tpu.wait_dma2 semaphore(%run_scoped3A : memref<!tpu.dma_semaphore, #tpu.memory_space<semaphore_mem>>) src(%dma_wait3A_15 : memref<128xi32, #tpu.memory_space<hbm>>) dst(%arg6 : memref<128xi32, #tpu.memory_space<vmem>>)
      tpu.yield
    }) : () -> ()
    "tpu.region"() ({
      %run_scoped3A = tpu.sem_alloc : memref<!tpu.dma_semaphore, #tpu.memory_space<semaphore_mem>>
      %dma_start3A_12 = arith.constant 0 : i32
      %dma_start3A_13 = tpu.memref_slice %arg2[%mul3A_2, %dma_start3A_12] : memref<4096x256xf32, #tpu.memory_space<hbm>> -> memref<128x256xf32, #tpu.memory_space<hbm>>
      %dma_start3A_14 = arith.constant 0 : i32
      %dma_start3A_15 = tpu.memref_slice %arg2[%mul3A_2, %dma_start3A_14] : memref<4096x256xf32, #tpu.memory_space<hbm>> -> memref<128x256xf32, #tpu.memory_space<hbm>>
      tpu.enqueue_dma source(%dma_start3A_15 : memref<128x256xf32, #tpu.memory_space<hbm>>) target(%arg7 : memref<128x256xf32, #tpu.memory_space<vmem>>) target_semaphore(%run_scoped3A : memref<!tpu.dma_semaphore, #tpu.memory_space<semaphore_mem>>)
      %dma_wait3A_16 = arith.constant 0 : i32
      %dma_wait3A_17 = tpu.memref_slice %arg2[%mul3A_2, %dma_wait3A_16] : memref<4096x256xf32, #tpu.memory_space<hbm>> -> memref<128x256xf32, #tpu.memory_space<hbm>>
      %dma_wait3A_18 = arith.constant 0 : i32
      %dma_wait3A_19 = tpu.memref_slice %arg2[%mul3A_2, %dma_wait3A_18] : memref<4096x256xf32, #tpu.memory_space<hbm>> -> memref<128x256xf32, #tpu.memory_space<hbm>>
      tpu.wait_dma2 semaphore(%run_scoped3A : memref<!tpu.dma_semaphore, #tpu.memory_space<semaphore_mem>>) src(%dma_wait3A_19 : memref<128x256xf32, #tpu.memory_space<hbm>>) dst(%arg7 : memref<128x256xf32, #tpu.memory_space<vmem>>)
      tpu.yield
    }) : () -> ()
    %dma_start3A = arith.constant 0 : i32
    %dma_start3A_3 = arith.constant 0 : i32
    %dma_start3A_4 = tpu.memref_slice %arg4[%dma_start3A, %dma_start3A_3] : memref<4768x256xf32, #tpu.memory_space<hbm>> -> memref<4768x256xf32, #tpu.memory_space<hbm>>
    tpu.enqueue_indirect_dma source(%dma_start3A_4 : memref<4768x256xf32, #tpu.memory_space<hbm>>) target(%arg8 : memref<128x256xf32, #tpu.memory_space<vmem>>) offsets(%arg6 : memref<128xi32, #tpu.memory_space<vmem>>) semaphore(%arg10 : memref<!tpu.dma_semaphore, #tpu.memory_space<semaphore_mem>>)
    %dma_wait3A = arith.constant 0 : i32
    %dma_wait3A_5 = arith.constant 0 : i32
    %dma_wait3A_6 = tpu.memref_slice %arg4[%dma_wait3A, %dma_wait3A_5] : memref<4768x256xf32, #tpu.memory_space<hbm>> -> memref<4768x256xf32, #tpu.memory_space<hbm>>
    tpu.wait_indirect_dma semaphore(%arg10 : memref<!tpu.dma_semaphore, #tpu.memory_space<semaphore_mem>>) src(%dma_wait3A_6 : memref<4768x256xf32, #tpu.memory_space<hbm>>) dst(%arg8 : memref<128x256xf32, #tpu.memory_space<vmem>>)
    %scan3A = arith.constant 0 : i32
    %scan3A_7 = arith.constant 0 : i32
    %scan3A_8 = arith.constant 8 : i32
    %scan3A_9 = arith.addi %scan3A_7, %scan3A_8 : i32
    %scan3A_10 = arith.constant 1 : i32
    scf.for %scan3A_12 = %scan3A_7 to %scan3A_9 step %scan3A_10  : i32 {
      %mul3A_13 = arith.constant 16 : i32
      %mul3A_14 = arith.muli %scan3A_12, %mul3A_13 : i32
      %add3A_15 = arith.constant 0 : i32
      %add3A_16 = arith.addi %mul3A_14, %add3A_15 : i32
      %broadcast_in_dim3A = arith.constant 0.000000e+00 : f32
      %broadcast_in_dim3A_17 = vector.broadcast %broadcast_in_dim3A : f32 to vector<16xf32>
      %get3A = arith.index_cast %add3A_16 : i32 to index
      %get3A_18 = arith.constant 0 : index
      %get3A_19 = tpu.vector_load %arg7[%get3A, %get3A_18] {strides = array<i32>} : memref<128x256xf32, #tpu.memory_space<vmem>>, vector<1x16xf32>,
      %get3A_20 = vector.shape_cast %get3A_19 : vector<1x16xf32> to vector<16xf32>
      %get3A_21 = arith.index_cast %add3A_16 : i32 to index
      %get3A_22 = arith.constant 0 : index
      %get3A_23 = tpu.vector_load %arg8[%get3A_21, %get3A_22] {strides = array<i32>} : memref<128x256xf32, #tpu.memory_space<vmem>>, vector<1x16xf32>,
      %get3A_24 = vector.shape_cast %get3A_23 : vector<1x16xf32> to vector<16xf32>
      %mul3A_25 = arith.mulf %get3A_20, %get3A_24 : vector<16xf32>
      %add3A_26 = arith.addf %broadcast_in_dim3A_17, %mul3A_25 : vector<16xf32>
      %get3A_27 = arith.index_cast %add3A_16 : i32 to index
      %get3A_28 = arith.constant 16 : index
      %get3A_29 = tpu.vector_load %arg7[%get3A_27, %get3A_28] {strides = array<i32>} : memref<128x256xf32, #tpu.memory_space<vmem>>, vector<1x16xf32>,
      %get3A_30 = vector.shape_cast %get3A_29 : vector<1x16xf32> to vector<16xf32>
      %get3A_31 = arith.index_cast %add3A_16 : i32 to index
      %get3A_32 = arith.constant 16 : index
      %get3A_33 = tpu.vector_load %arg8[%get3A_31, %get3A_32] {strides = array<i32>} : memref<128x256xf32, #tpu.memory_space<vmem>>, vector<1x16xf32>,
      %get3A_34 = vector.shape_cast %get3A_33 : vector<1x16xf32> to vector<16xf32>
      %mul3A_35 = arith.mulf %get3A_30, %get3A_34 : vector<16xf32>
      %add3A_36 = arith.addf %add3A_26, %mul3A_35 : vector<16xf32>
      %get3A_37 = arith.index_cast %add3A_16 : i32 to index
      %get3A_38 = arith.constant 32 : index
      %get3A_39 = tpu.vector_load %arg7[%get3A_37, %get3A_38] {strides = array<i32>} : memref<128x256xf32, #tpu.memory_space<vmem>>, vector<1x16xf32>,
      %get3A_40 = vector.shape_cast %get3A_39 : vector<1x16xf32> to vector<16xf32>
      %get3A_41 = arith.index_cast %add3A_16 : i32 to index
      %get3A_42 = arith.constant 32 : index
      %get3A_43 = tpu.vector_load %arg8[%get3A_41, %get3A_42] {strides = array<i32>} : memref<128x256xf32, #tpu.memory_space<vmem>>, vector<1x16xf32>,
      %get3A_44 = vector.shape_cast %get3A_43 : vector<1x16xf32> to vector<16xf32>
      %mul3A_45 = arith.mulf %get3A_40, %get3A_44 : vector<16xf32>
      %add3A_46 = arith.addf %add3A_36, %mul3A_45 : vector<16xf32>
      %get3A_47 = arith.index_cast %add3A_16 : i32 to index
      %get3A_48 = arith.constant 48 : index
      %get3A_49 = tpu.vector_load %arg7[%get3A_47, %get3A_48] {strides = array<i32>} : memref<128x256xf32, #tpu.memory_space<vmem>>, vector<1x16xf32>,
      %get3A_50 = vector.shape_cast %get3A_49 : vector<1x16xf32> to vector<16xf32>
      %get3A_51 = arith.index_cast %add3A_16 : i32 to index
      %get3A_52 = arith.constant 48 : index
      %get3A_53 = tpu.vector_load %arg8[%get3A_51, %get3A_52] {strides = array<i32>} : memref<128x256xf32, #tpu.memory_space<vmem>>, vector<1x16xf32>,
      %get3A_54 = vector.shape_cast %get3A_53 : vector<1x16xf32> to vector<16xf32>
      %mul3A_55 = arith.mulf %get3A_50, %get3A_54 : vector<16xf32>
      %add3A_56 = arith.addf %add3A_46, %mul3A_55 : vector<16xf32>
      %get3A_57 = arith.index_cast %add3A_16 : i32 to index
      %get3A_58 = arith.constant 64 : index
      %get3A_59 = tpu.vector_load %arg7[%get3A_57, %get3A_58] {strides = array<i32>} : memref<128x256xf32, #tpu.memory_space<vmem>>, vector<1x16xf32>,
      %get3A_60 = vector.shape_cast %get3A_59 : vector<1x16xf32> to vector<16xf32>
      %get3A_61 = arith.index_cast %add3A_16 : i32 to index
      %get3A_62 = arith.constant 64 : index
      %get3A_63 = tpu.vector_load %arg8[%get3A_61, %get3A_62] {strides = array<i32>} : memref<128x256xf32, #tpu.memory_space<vmem>>, vector<1x16xf32>,
      %get3A_64 = vector.shape_cast %get3A_63 : vector<1x16xf32> to vector<16xf32>
      %mul3A_65 = arith.mulf %get3A_60, %get3A_64 : vector<16xf32>
      %add3A_66 = arith.addf %add3A_56, %mul3A_65 : vector<16xf32>
      %get3A_67 = arith.index_cast %add3A_16 : i32 to index
      %get3A_68 = arith.constant 80 : index
      %get3A_69 = tpu.vector_load %arg7[%get3A_67, %get3A_68] {strides = array<i32>} : memref<128x256xf32, #tpu.memory_space<vmem>>, vector<1x16xf32>,
      %get3A_70 = vector.shape_cast %get3A_69 : vector<1x16xf32> to vector<16xf32>
      %get3A_71 = arith.index_cast %add3A_16 : i32 to index
      %get3A_72 = arith.constant 80 : index
      %get3A_73 = tpu.vector_load %arg8[%get3A_71, %get3A_72] {strides = array<i32>} : memref<128x256xf32, #tpu.memory_space<vmem>>, vector<1x16xf32>,
      %get3A_74 = vector.shape_cast %get3A_73 : vector<1x16xf32> to vector<16xf32>
      %mul3A_75 = arith.mulf %get3A_70, %get3A_74 : vector<16xf32>
      %add3A_76 = arith.addf %add3A_66, %mul3A_75 : vector<16xf32>
      %get3A_77 = arith.index_cast %add3A_16 : i32 to index
      %get3A_78 = arith.constant 96 : index
      %get3A_79 = tpu.vector_load %arg7[%get3A_77, %get3A_78] {strides = array<i32>} : memref<128x256xf32, #tpu.memory_space<vmem>>, vector<1x16xf32>,
      %get3A_80 = vector.shape_cast %get3A_79 : vector<1x16xf32> to vector<16xf32>
      %get3A_81 = arith.index_cast %add3A_16 : i32 to index
      %get3A_82 = arith.constant 96 : index
      %get3A_83 = tpu.vector_load %arg8[%get3A_81, %get3A_82] {strides = array<i32>} : memref<128x256xf32, #tpu.memory_space<vmem>>, vector<1x16xf32>,
      %get3A_84 = vector.shape_cast %get3A_83 : vector<1x16xf32> to vector<16xf32>
      %mul3A_85 = arith.mulf %get3A_80, %get3A_84 : vector<16xf32>
      %add3A_86 = arith.addf %add3A_76, %mul3A_85 : vector<16xf32>
      %get3A_87 = arith.index_cast %add3A_16 : i32 to index
      %get3A_88 = arith.constant 112 : index
      %get3A_89 = tpu.vector_load %arg7[%get3A_87, %get3A_88] {strides = array<i32>} : memref<128x256xf32, #tpu.memory_space<vmem>>, vector<1x16xf32>,
      %get3A_90 = vector.shape_cast %get3A_89 : vector<1x16xf32> to vector<16xf32>
      %get3A_91 = arith.index_cast %add3A_16 : i32 to index
      %get3A_92 = arith.constant 112 : index
      %get3A_93 = tpu.vector_load %arg8[%get3A_91, %get3A_92] {strides = array<i32>} : memref<128x256xf32, #tpu.memory_space<vmem>>, vector<1x16xf32>,
      %get3A_94 = vector.shape_cast %get3A_93 : vector<1x16xf32> to vector<16xf32>
      %mul3A_95 = arith.mulf %get3A_90, %get3A_94 : vector<16xf32>
      %add3A_96 = arith.addf %add3A_86, %mul3A_95 : vector<16xf32>
      %get3A_97 = arith.index_cast %add3A_16 : i32 to index
      %get3A_98 = arith.constant 128 : index
      %get3A_99 = tpu.vector_load %arg7[%get3A_97, %get3A_98] {strides = array<i32>} : memref<128x256xf32, #tpu.memory_space<vmem>>, vector<1x16xf32>,
      %get3A_100 = vector.shape_cast %get3A_99 : vector<1x16xf32> to vector<16xf32>
      %get3A_101 = arith.index_cast %add3A_16 : i32 to index
      %get3A_102 = arith.constant 128 : index
      %get3A_103 = tpu.vector_load %arg8[%get3A_101, %get3A_102] {strides = array<i32>} : memref<128x256xf32, #tpu.memory_space<vmem>>, vector<1x16xf32>,
      %get3A_104 = vector.shape_cast %get3A_103 : vector<1x16xf32> to vector<16xf32>
      %mul3A_105 = arith.mulf %get3A_100, %get3A_104 : vector<16xf32>
      %add3A_106 = arith.addf %add3A_96, %mul3A_105 : vector<16xf32>
      %get3A_107 = arith.index_cast %add3A_16 : i32 to index
      %get3A_108 = arith.constant 144 : index
      %get3A_109 = tpu.vector_load %arg7[%get3A_107, %get3A_108] {strides = array<i32>} : memref<128x256xf32, #tpu.memory_space<vmem>>, vector<1x16xf32>,
      %get3A_110 = vector.shape_cast %get3A_109 : vector<1x16xf32> to vector<16xf32>
      %get3A_111 = arith.index_cast %add3A_16 : i32 to index
      %get3A_112 = arith.constant 144 : index
      %get3A_113 = tpu.vector_load %arg8[%get3A_111, %get3A_112] {strides = array<i32>} : memref<128x256xf32, #tpu.memory_space<vmem>>, vector<1x16xf32>,
      %get3A_114 = vector.shape_cast %get3A_113 : vector<1x16xf32> to vector<16xf32>
      %mul3A_115 = arith.mulf %get3A_110, %get3A_114 : vector<16xf32>
      %add3A_116 = arith.addf %add3A_106, %mul3A_115 : vector<16xf32>
      %get3A_117 = arith.index_cast %add3A_16 : i32 to index
      %get3A_118 = arith.constant 160 : index
      %get3A_119 = tpu.vector_load %arg7[%get3A_117, %get3A_118] {strides = array<i32>} : memref<128x256xf32, #tpu.memory_space<vmem>>, vector<1x16xf32>,
      %get3A_120 = vector.shape_cast %get3A_119 : vector<1x16xf32> to vector<16xf32>
      %get3A_121 = arith.index_cast %add3A_16 : i32 to index
      %get3A_122 = arith.constant 160 : index
      %get3A_123 = tpu.vector_load %arg8[%get3A_121, %get3A_122] {strides = array<i32>} : memref<128x256xf32, #tpu.memory_space<vmem>>, vector<1x16xf32>,
      %get3A_124 = vector.shape_cast %get3A_123 : vector<1x16xf32> to vector<16xf32>
      %mul3A_125 = arith.mulf %get3A_120, %get3A_124 : vector<16xf32>
      %add3A_126 = arith.addf %add3A_116, %mul3A_125 : vector<16xf32>
      %get3A_127 = arith.index_cast %add3A_16 : i32 to index
      %get3A_128 = arith.constant 176 : index
      %get3A_129 = tpu.vector_load %arg7[%get3A_127, %get3A_128] {strides = array<i32>} : memref<128x256xf32, #tpu.memory_space<vmem>>, vector<1x16xf32>,
      %get3A_130 = vector.shape_cast %get3A_129 : vector<1x16xf32> to vector<16xf32>
      %get3A_131 = arith.index_cast %add3A_16 : i32 to index
      %get3A_132 = arith.constant 176 : index
      %get3A_133 = tpu.vector_load %arg8[%get3A_131, %get3A_132] {strides = array<i32>} : memref<128x256xf32, #tpu.memory_space<vmem>>, vector<1x16xf32>,
      %get3A_134 = vector.shape_cast %get3A_133 : vector<1x16xf32> to vector<16xf32>
      %mul3A_135 = arith.mulf %get3A_130, %get3A_134 : vector<16xf32>
      %add3A_136 = arith.addf %add3A_126, %mul3A_135 : vector<16xf32>
      %get3A_137 = arith.index_cast %add3A_16 : i32 to index
      %get3A_138 = arith.constant 192 : index
      %get3A_139 = tpu.vector_load %arg7[%get3A_137, %get3A_138] {strides = array<i32>} : memref<128x256xf32, #tpu.memory_space<vmem>>, vector<1x16xf32>,
      %get3A_140 = vector.shape_cast %get3A_139 : vector<1x16xf32> to vector<16xf32>
      %get3A_141 = arith.index_cast %add3A_16 : i32 to index
      %get3A_142 = arith.constant 192 : index
      %get3A_143 = tpu.vector_load %arg8[%get3A_141, %get3A_142] {strides = array<i32>} : memref<128x256xf32, #tpu.memory_space<vmem>>, vector<1x16xf32>,
      %get3A_144 = vector.shape_cast %get3A_143 : vector<1x16xf32> to vector<16xf32>
      %mul3A_145 = arith.mulf %get3A_140, %get3A_144 : vector<16xf32>
      %add3A_146 = arith.addf %add3A_136, %mul3A_145 : vector<16xf32>
      %get3A_147 = arith.index_cast %add3A_16 : i32 to index
      %get3A_148 = arith.constant 208 : index
      %get3A_149 = tpu.vector_load %arg7[%get3A_147, %get3A_148] {strides = array<i32>} : memref<128x256xf32, #tpu.memory_space<vmem>>, vector<1x16xf32>,
      %get3A_150 = vector.shape_cast %get3A_149 : vector<1x16xf32> to vector<16xf32>
      %get3A_151 = arith.index_cast %add3A_16 : i32 to index
      %get3A_152 = arith.constant 208 : index
      %get3A_153 = tpu.vector_load %arg8[%get3A_151, %get3A_152] {strides = array<i32>} : memref<128x256xf32, #tpu.memory_space<vmem>>, vector<1x16xf32>,
      %get3A_154 = vector.shape_cast %get3A_153 : vector<1x16xf32> to vector<16xf32>
      %mul3A_155 = arith.mulf %get3A_150, %get3A_154 : vector<16xf32>
      %add3A_156 = arith.addf %add3A_146, %mul3A_155 : vector<16xf32>
      %get3A_157 = arith.index_cast %add3A_16 : i32 to index
      %get3A_158 = arith.constant 224 : index
      %get3A_159 = tpu.vector_load %arg7[%get3A_157, %get3A_158] {strides = array<i32>} : memref<128x256xf32, #tpu.memory_space<vmem>>, vector<1x16xf32>,
      %get3A_160 = vector.shape_cast %get3A_159 : vector<1x16xf32> to vector<16xf32>
      %get3A_161 = arith.index_cast %add3A_16 : i32 to index
      %get3A_162 = arith.constant 224 : index
      %get3A_163 = tpu.vector_load %arg8[%get3A_161, %get3A_162] {strides = array<i32>} : memref<128x256xf32, #tpu.memory_space<vmem>>, vector<1x16xf32>,
      %get3A_164 = vector.shape_cast %get3A_163 : vector<1x16xf32> to vector<16xf32>
      %mul3A_165 = arith.mulf %get3A_160, %get3A_164 : vector<16xf32>
      %add3A_166 = arith.addf %add3A_156, %mul3A_165 : vector<16xf32>
      %get3A_167 = arith.index_cast %add3A_16 : i32 to index
      %get3A_168 = arith.constant 240 : index
      %get3A_169 = tpu.vector_load %arg7[%get3A_167, %get3A_168] {strides = array<i32>} : memref<128x256xf32, #tpu.memory_space<vmem>>, vector<1x16xf32>,
      %get3A_170 = vector.shape_cast %get3A_169 : vector<1x16xf32> to vector<16xf32>
      %get3A_171 = arith.index_cast %add3A_16 : i32 to index
      %get3A_172 = arith.constant 240 : index
      %get3A_173 = tpu.vector_load %arg8[%get3A_171, %get3A_172] {strides = array<i32>} : memref<128x256xf32, #tpu.memory_space<vmem>>, vector<1x16xf32>,
      %get3A_174 = vector.shape_cast %get3A_173 : vector<1x16xf32> to vector<16xf32>
      %mul3A_175 = arith.mulf %get3A_170, %get3A_174 : vector<16xf32>
      %add3A_176 = arith.addf %add3A_166, %mul3A_175 : vector<16xf32>
      %swap3A = arith.index_cast %add3A_16 : i32 to index
      %swap3A_177 = arith.constant 0 : index
      %swap3A_178 = tpu.vector_load %arg9[%swap3A, %swap3A_177] {strides = array<i32>} : memref<128x16xf32, #tpu.memory_space<vmem>>, vector<1x16xf32>,
      %swap3A_179 = vector.shape_cast %swap3A_178 : vector<1x16xf32> to vector<16xf32>
      %swap3A_180 = vector.shape_cast %add3A_176 : vector<16xf32> to vector<1x16xf32>
      tpu.vector_store %arg9[%swap3A, %swap3A_177], %swap3A_180 {strides = array<i32>} : memref<128x16xf32, #tpu.memory_space<vmem>>, vector<1x16xf32>,
      %add3A_181 = arith.constant 1 : i32
      %add3A_182 = arith.addi %mul3A_14, %add3A_181 : i32
      %broadcast_in_dim3A_183 = arith.constant 0.000000e+00 : f32
      %broadcast_in_dim3A_184 = vector.broadcast %broadcast_in_dim3A_183 : f32 to vector<16xf32>
      %get3A_185 = arith.index_cast %add3A_182 : i32 to index
      %get3A_186 = arith.constant 0 : index
      %get3A_187 = tpu.vector_load %arg7[%get3A_185, %get3A_186] {strides = array<i32>} : memref<128x256xf32, #tpu.memory_space<vmem>>, vector<1x16xf32>,
      %get3A_188 = vector.shape_cast %get3A_187 : vector<1x16xf32> to vector<16xf32>
      %get3A_189 = arith.index_cast %add3A_182 : i32 to index
      %get3A_190 = arith.constant 0 : index
      %get3A_191 = tpu.vector_load %arg8[%get3A_189, %get3A_190] {strides = array<i32>} : memref<128x256xf32, #tpu.memory_space<vmem>>, vector<1x16xf32>,
      %get3A_192 = vector.shape_cast %get3A_191 : vector<1x16xf32> to vector<16xf32>
      %mul3A_193 = arith.mulf %get3A_188, %get3A_192 : vector<16xf32>
      %add3A_194 = arith.addf %broadcast_in_dim3A_184, %mul3A_193 : vector<16xf32>
      %get3A_195 = arith.index_cast %add3A_182 : i32 to index
      %get3A_196 = arith.constant 16 : index
      %get3A_197 = tpu.vector_load %arg7[%get3A_195, %get3A_196] {strides = array<i32>} : memref<128x256xf32, #tpu.memory_space<vmem>>, vector<1x16xf32>,
      %get3A_198 = vector.shape_cast %get3A_197 : vector<1x16xf32> to vector<16xf32>
      %get3A_199 = arith.index_cast %add3A_182 : i32 to index
      %get3A_200 = arith.constant 16 : index
      %get3A_201 = tpu.vector_load %arg8[%get3A_199, %get3A_200] {strides = array<i32>} : memref<128x256xf32, #tpu.memory_space<vmem>>, vector<1x16xf32>,
      %get3A_202 = vector.shape_cast %get3A_201 : vector<1x16xf32> to vector<16xf32>
      %mul3A_203 = arith.mulf %get3A_198, %get3A_202 : vector<16xf32>
      %add3A_204 = arith.addf %add3A_194, %mul3A_203 : vector<16xf32>
      %get3A_205 = arith.index_cast %add3A_182 : i32 to index
      %get3A_206 = arith.constant 32 : index
      %get3A_207 = tpu.vector_load %arg7[%get3A_205, %get3A_206] {strides = array<i32>} : memref<128x256xf32, #tpu.memory_space<vmem>>, vector<1x16xf32>,
      %get3A_208 = vector.shape_cast %get3A_207 : vector<1x16xf32> to vector<16xf32>
      %get3A_209 = arith.index_cast %add3A_182 : i32 to index
      %get3A_210 = arith.constant 32 : index
      %get3A_211 = tpu.vector_load %arg8[%get3A_209, %get3A_210] {strides = array<i32>} : memref<128x256xf32, #tpu.memory_space<vmem>>, vector<1x16xf32>,
      %get3A_212 = vector.shape_cast %get3A_211 : vector<1x16xf32> to vector<16xf32>
      %mul3A_213 = arith.mulf %get3A_208, %get3A_212 : vector<16xf32>
      %add3A_214 = arith.addf %add3A_204, %mul3A_213 : vector<16xf32>
      %get3A_215 = arith.index_cast %add3A_182 : i32 to index
      %get3A_216 = arith.constant 48 : index
      %get3A_217 = tpu.vector_load %arg7[%get3A_215, %get3A_216] {strides = array<i32>} : memref<128x256xf32, #tpu.memory_space<vmem>>, vector<1x16xf32>,
      %get3A_218 = vector.shape_cast %get3A_217 : vector<1x16xf32> to vector<16xf32>
      %get3A_219 = arith.index_cast %add3A_182 : i32 to index
      %get3A_220 = arith.constant 48 : index
      %get3A_221 = tpu.vector_load %arg8[%get3A_219, %get3A_220] {strides = array<i32>} : memref<128x256xf32, #tpu.memory_space<vmem>>, vector<1x16xf32>,
      %get3A_222 = vector.shape_cast %get3A_221 : vector<1x16xf32> to vector<16xf32>
      %mul3A_223 = arith.mulf %get3A_218, %get3A_222 : vector<16xf32>
      %add3A_224 = arith.addf %add3A_214, %mul3A_223 : vector<16xf32>
      %get3A_225 = arith.index_cast %add3A_182 : i32 to index
      %get3A_226 = arith.constant 64 : index
      %get3A_227 = tpu.vector_load %arg7[%get3A_225, %get3A_226] {strides = array<i32>} : memref<128x256xf32, #tpu.memory_space<vmem>>, vector<1x16xf32>,
      %get3A_228 = vector.shape_cast %get3A_227 : vector<1x16xf32> to vector<16xf32>
      %get3A_229 = arith.index_cast %add3A_182 : i32 to index
      %get3A_230 = arith.constant 64 : index
      %get3A_231 = tpu.vector_load %arg8[%get3A_229, %get3A_230] {strides = array<i32>} : memref<128x256xf32, #tpu.memory_space<vmem>>, vector<1x16xf32>,
      %get3A_232 = vector.shape_cast %get3A_231 : vector<1x16xf32> to vector<16xf32>
      %mul3A_233 = arith.mulf %get3A_228, %get3A_232 : vector<16xf32>
      %add3A_234 = arith.addf %add3A_224, %mul3A_233 : vector<16xf32>
      %get3A_235 = arith.index_cast %add3A_182 : i32 to index
      %get3A_236 = arith.constant 80 : index
      %get3A_237 = tpu.vector_load %arg7[%get3A_235, %get3A_236] {strides = array<i32>} : memref<128x256xf32, #tpu.memory_space<vmem>>, vector<1x16xf32>,
      %get3A_238 = vector.shape_cast %get3A_237 : vector<1x16xf32> to vector<16xf32>
      %get3A_239 = arith.index_cast %add3A_182 : i32 to index
      %get3A_240 = arith.constant 80 : index
      %get3A_241 = tpu.vector_load %arg8[%get3A_239, %get3A_240] {strides = array<i32>} : memref<128x256xf32, #tpu.memory_space<vmem>>, vector<1x16xf32>,
      %get3A_242 = vector.shape_cast %get3A_241 : vector<1x16xf32> to vector<16xf32>
      %mul3A_243 = arith.mulf %get3A_238, %get3A_242 : vector<16xf32>
      %add3A_244 = arith.addf %add3A_234, %mul3A_243 : vector<16xf32>
      %get3A_245 = arith.index_cast %add3A_182 : i32 to index
      %get3A_246 = arith.constant 96 : index
      %get3A_247 = tpu.vector_load %arg7[%get3A_245, %get3A_246] {strides = array<i32>} : memref<128x256xf32, #tpu.memory_space<vmem>>, vector<1x16xf32>,
      %get3A_248 = vector.shape_cast %get3A_247 : vector<1x16xf32> to vector<16xf32>
      %get3A_249 = arith.index_cast %add3A_182 : i32 to index
      %get3A_250 = arith.constant 96 : index
      %get3A_251 = tpu.vector_load %arg8[%get3A_249, %get3A_250] {strides = array<i32>} : memref<128x256xf32, #tpu.memory_space<vmem>>, vector<1x16xf32>,
      %get3A_252 = vector.shape_cast %get3A_251 : vector<1x16xf32> to vector<16xf32>
      %mul3A_253 = arith.mulf %get3A_248, %get3A_252 : vector<16xf32>
      %add3A_254 = arith.addf %add3A_244, %mul3A_253 : vector<16xf32>
      %get3A_255 = arith.index_cast %add3A_182 : i32 to index
      %get3A_256 = arith.constant 112 : index
      %get3A_257 = tpu.vector_load %arg7[%get3A_255, %get3A_256] {strides = array<i32>} : memref<128x256xf32, #tpu.memory_space<vmem>>, vector<1x16xf32>,
      %get3A_258 = vector.shape_cast %get3A_257 : vector<1x16xf32> to vector<16xf32>
      %get3A_259 = arith.index_cast %add3A_182 : i32 to index
      %get3A_260 = arith.constant 112 : index
      %get3A_261 = tpu.vector_load %arg8[%get3A_259, %get3A_260] {strides = array<i32>} : memref<128x256xf32, #tpu.memory_space<vmem>>, vector<1x16xf32>,
      %get3A_262 = vector.shape_cast %get3A_261 : vector<1x16xf32> to vector<16xf32>
      %mul3A_263 = arith.mulf %get3A_258, %get3A_262 : vector<16xf32>
      %add3A_264 = arith.addf %add3A_254, %mul3A_263 : vector<16xf32>
      %get3A_265 = arith.index_cast %add3A_182 : i32 to index
      %get3A_266 = arith.constant 128 : index
      %get3A_267 = tpu.vector_load %arg7[%get3A_265, %get3A_266] {strides = array<i32>} : memref<128x256xf32, #tpu.memory_space<vmem>>, vector<1x16xf32>,
      %get3A_268 = vector.shape_cast %get3A_267 : vector<1x16xf32> to vector<16xf32>
      %get3A_269 = arith.index_cast %add3A_182 : i32 to index
      %get3A_270 = arith.constant 128 : index
      %get3A_271 = tpu.vector_load %arg8[%get3A_269, %get3A_270] {strides = array<i32>} : memref<128x256xf32, #tpu.memory_space<vmem>>, vector<1x16xf32>,
      %get3A_272 = vector.shape_cast %get3A_271 : vector<1x16xf32> to vector<16xf32>
      %mul3A_273 = arith.mulf %get3A_268, %get3A_272 : vector<16xf32>
      %add3A_274 = arith.addf %add3A_264, %mul3A_273 : vector<16xf32>
      %get3A_275 = arith.index_cast %add3A_182 : i32 to index
      %get3A_276 = arith.constant 144 : index
      %get3A_277 = tpu.vector_load %arg7[%get3A_275, %get3A_276] {strides = array<i32>} : memref<128x256xf32, #tpu.memory_space<vmem>>, vector<1x16xf32>,
      %get3A_278 = vector.shape_cast %get3A_277 : vector<1x16xf32> to vector<16xf32>
      %get3A_279 = arith.index_cast %add3A_182 : i32 to index
      %get3A_280 = arith.constant 144 : index
      %get3A_281 = tpu.vector_load %arg8[%get3A_279, %get3A_280] {strides = array<i32>} : memref<128x256xf32, #tpu.memory_space<vmem>>, vector<1x16xf32>,
      %get3A_282 = vector.shape_cast %get3A_281 : vector<1x16xf32> to vector<16xf32>
      %mul3A_283 = arith.mulf %get3A_278, %get3A_282 : vector<16xf32>
      %add3A_284 = arith.addf %add3A_274, %mul3A_283 : vector<16xf32>
      %get3A_285 = arith.index_cast %add3A_182 : i32 to index
      %get3A_286 = arith.constant 160 : index
      %get3A_287 = tpu.vector_load %arg7[%get3A_285, %get3A_286] {strides = array<i32>} : memref<128x256xf32, #tpu.memory_space<vmem>>, vector<1x16xf32>,
      %get3A_288 = vector.shape_cast %get3A_287 : vector<1x16xf32> to vector<16xf32>
      %get3A_289 = arith.index_cast %add3A_182 : i32 to index
      %get3A_290 = arith.constant 160 : index
      %get3A_291 = tpu.vector_load %arg8[%get3A_289, %get3A_290] {strides = array<i32>} : memref<128x256xf32, #tpu.memory_space<vmem>>, vector<1x16xf32>,
      %get3A_292 = vector.shape_cast %get3A_291 : vector<1x16xf32> to vector<16xf32>
      %mul3A_293 = arith.mulf %get3A_288, %get3A_292 : vector<16xf32>
      %add3A_294 = arith.addf %add3A_284, %mul3A_293 : vector<16xf32>
      %get3A_295 = arith.index_cast %add3A_182 : i32 to index
      %get3A_296 = arith.constant 176 : index
      %get3A_297 = tpu.vector_load %arg7[%get3A_295, %get3A_296] {strides = array<i32>} : memref<128x256xf32, #tpu.memory_space<vmem>>, vector<1x16xf32>,
      %get3A_298 = vector.shape_cast %get3A_297 : vector<1x16xf32> to vector<16xf32>
      %get3A_299 = arith.index_cast %add3A_182 : i32 to index
      %get3A_300 = arith.constant 176 : index
      %get3A_301 = tpu.vector_load %arg8[%get3A_299, %get3A_300] {strides = array<i32>} : memref<128x256xf32, #tpu.memory_space<vmem>>, vector<1x16xf32>,
      %get3A_302 = vector.shape_cast %get3A_301 : vector<1x16xf32> to vector<16xf32>
      %mul3A_303 = arith.mulf %get3A_298, %get3A_302 : vector<16xf32>
      %add3A_304 = arith.addf %add3A_294, %mul3A_303 : vector<16xf32>
      %get3A_305 = arith.index_cast %add3A_182 : i32 to index
      %get3A_306 = arith.constant 192 : index
      %get3A_307 = tpu.vector_load %arg7[%get3A_305, %get3A_306] {strides = array<i32>} : memref<128x256xf32, #tpu.memory_space<vmem>>, vector<1x16xf32>,
      %get3A_308 = vector.shape_cast %get3A_307 : vector<1x16xf32> to vector<16xf32>
      %get3A_309 = arith.index_cast %add3A_182 : i32 to index
      %get3A_310 = arith.constant 192 : index
      %get3A_311 = tpu.vector_load %arg8[%get3A_309, %get3A_310] {strides = array<i32>} : memref<128x256xf32, #tpu.memory_space<vmem>>, vector<1x16xf32>,
      %get3A_312 = vector.shape_cast %get3A_311 : vector<1x16xf32> to vector<16xf32>
      %mul3A_313 = arith.mulf %get3A_308, %get3A_312 : vector<16xf32>
      %add3A_314 = arith.addf %add3A_304, %mul3A_313 : vector<16xf32>
      %get3A_315 = arith.index_cast %add3A_182 : i32 to index
      %get3A_316 = arith.constant 208 : index
      %get3A_317 = tpu.vector_load %arg7[%get3A_315, %get3A_316] {strides = array<i32>} : memref<128x256xf32, #tpu.memory_space<vmem>>, vector<1x16xf32>,
      %get3A_318 = vector.shape_cast %get3A_317 : vector<1x16xf32> to vector<16xf32>
      %get3A_319 = arith.index_cast %add3A_182 : i32 to index
      %get3A_320 = arith.constant 208 : index
      %get3A_321 = tpu.vector_load %arg8[%get3A_319, %get3A_320] {strides = array<i32>} : memref<128x256xf32, #tpu.memory_space<vmem>>, vector<1x16xf32>,
      %get3A_322 = vector.shape_cast %get3A_321 : vector<1x16xf32> to vector<16xf32>
      %mul3A_323 = arith.mulf %get3A_318, %get3A_322 : vector<16xf32>
      %add3A_324 = arith.addf %add3A_314, %mul3A_323 : vector<16xf32>
      %get3A_325 = arith.index_cast %add3A_182 : i32 to index
      %get3A_326 = arith.constant 224 : index
      %get3A_327 = tpu.vector_load %arg7[%get3A_325, %get3A_326] {strides = array<i32>} : memref<128x256xf32, #tpu.memory_space<vmem>>, vector<1x16xf32>,
      %get3A_328 = vector.shape_cast %get3A_327 : vector<1x16xf32> to vector<16xf32>
      %get3A_329 = arith.index_cast %add3A_182 : i32 to index
      %get3A_330 = arith.constant 224 : index
      %get3A_331 = tpu.vector_load %arg8[%get3A_329, %get3A_330] {strides = array<i32>} : memref<128x256xf32, #tpu.memory_space<vmem>>, vector<1x16xf32>,
      %get3A_332 = vector.shape_cast %get3A_331 : vector<1x16xf32> to vector<16xf32>
      %mul3A_333 = arith.mulf %get3A_328, %get3A_332 : vector<16xf32>
      %add3A_334 = arith.addf %add3A_324, %mul3A_333 : vector<16xf32>
      %get3A_335 = arith.index_cast %add3A_182 : i32 to index
      %get3A_336 = arith.constant 240 : index
      %get3A_337 = tpu.vector_load %arg7[%get3A_335, %get3A_336] {strides = array<i32>} : memref<128x256xf32, #tpu.memory_space<vmem>>, vector<1x16xf32>,
      %get3A_338 = vector.shape_cast %get3A_337 : vector<1x16xf32> to vector<16xf32>
      %get3A_339 = arith.index_cast %add3A_182 : i32 to index
      %get3A_340 = arith.constant 240 : index
      %get3A_341 = tpu.vector_load %arg8[%get3A_339, %get3A_340] {strides = array<i32>} : memref<128x256xf32, #tpu.memory_space<vmem>>, vector<1x16xf32>,
      %get3A_342 = vector.shape_cast %get3A_341 : vector<1x16xf32> to vector<16xf32>
      %mul3A_343 = arith.mulf %get3A_338, %get3A_342 : vector<16xf32>
      %add3A_344 = arith.addf %add3A_334, %mul3A_343 : vector<16xf32>
      %swap3A_345 = arith.index_cast %add3A_182 : i32 to index
      %swap3A_346 = arith.constant 0 : index
      %swap3A_347 = tpu.vector_load %arg9[%swap3A_345, %swap3A_346] {strides = array<i32>} : memref<128x16xf32, #tpu.memory_space<vmem>>, vector<1x16xf32>,
      %swap3A_348 = vector.shape_cast %swap3A_347 : vector<1x16xf32> to vector<16xf32>
      %swap3A_349 = vector.shape_cast %add3A_344 : vector<16xf32> to vector<1x16xf32>
      tpu.vector_store %arg9[%swap3A_345, %swap3A_346], %swap3A_349 {strides = array<i32>} : memref<128x16xf32, #tpu.memory_space<vmem>>, vector<1x16xf32>,
      %add3A_350 = arith.constant 2 : i32
      %add3A_351 = arith.addi %mul3A_14, %add3A_350 : i32
      %broadcast_in_dim3A_352 = arith.constant 0.000000e+00 : f32
      %broadcast_in_dim3A_353 = vector.broadcast %broadcast_in_dim3A_352 : f32 to vector<16xf32>
      %get3A_354 = arith.index_cast %add3A_351 : i32 to index
      %get3A_355 = arith.constant 0 : index
      %get3A_356 = tpu.vector_load %arg7[%get3A_354, %get3A_355] {strides = array<i32>} : memref<128x256xf32, #tpu.memory_space<vmem>>, vector<1x16xf32>,
      %get3A_357 = vector.shape_cast %get3A_356 : vector<1x16xf32> to vector<16xf32>
      %get3A_358 = arith.index_cast %add3A_351 : i32 to index
      %get3A_359 = arith.constant 0 : index
      %get3A_360 = tpu.vector_load %arg8[%get3A_358, %get3A_359] {strides = array<i32>} : memref<128x256xf32, #tpu.memory_space<vmem>>, vector<1x16xf32>,
      %get3A_361 = vector.shape_cast %get3A_360 : vector<1x16xf32> to vector<16xf32>
      %mul3A_362 = arith.mulf %get3A_357, %get3A_361 : vector<16xf32>
      %add3A_363 = arith.addf %broadcast_in_dim3A_353, %mul3A_362 : vector<16xf32>
      %get3A_364 = arith.index_cast %add3A_351 : i32 to index
      %get3A_365 = arith.constant 16 : index
      %get3A_366 = tpu.vector_load %arg7[%get3A_364, %get3A_365] {strides = array<i32>} : memref<128x256xf32, #tpu.memory_space<vmem>>, vector<1x16xf32>,
      %get3A_367 = vector.shape_cast %get3A_366 : vector<1x16xf32> to vector<16xf32>
      %get3A_368 = arith.index_cast %add3A_351 : i32 to index
      %get3A_369 = arith.constant 16 : index
      %get3A_370 = tpu.vector_load %arg8[%get3A_368, %get3A_369] {strides = array<i32>} : memref<128x256xf32, #tpu.memory_space<vmem>>, vector<1x16xf32>,
      %get3A_371 = vector.shape_cast %get3A_370 : vector<1x16xf32> to vector<16xf32>
      %mul3A_372 = arith.mulf %get3A_367, %get3A_371 : vector<16xf32>
      %add3A_373 = arith.addf %add3A_363, %mul3A_372 : vector<16xf32>
      %get3A_374 = arith.index_cast %add3A_351 : i32 to index
      %get3A_375 = arith.constant 32 : index
      %get3A_376 = tpu.vector_load %arg7[%get3A_374, %get3A_375] {strides = array<i32>} : memref<128x256xf32, #tpu.memory_space<vmem>>, vector<1x16xf32>,
      %get3A_377 = vector.shape_cast %get3A_376 : vector<1x16xf32> to vector<16xf32>
      %get3A_378 = arith.index_cast %add3A_351 : i32 to index
      %get3A_379 = arith.constant 32 : index
      %get3A_380 = tpu.vector_load %arg8[%get3A_378, %get3A_379] {strides = array<i32>} : memref<128x256xf32, #tpu.memory_space<vmem>>, vector<1x16xf32>,
      %get3A_381 = vector.shape_cast %get3A_380 : vector<1x16xf32> to vector<16xf32>
      %mul3A_382 = arith.mulf %get3A_377, %get3A_381 : vector<16xf32>
      %add3A_383 = arith.addf %add3A_373, %mul3A_382 : vector<16xf32>
      %get3A_384 = arith.index_cast %add3A_351 : i32 to index
      %get3A_385 = arith.constant 48 : index
      %get3A_386 = tpu.vector_load %arg7[%get3A_384, %get3A_385] {strides = array<i32>} : memref<128x256xf32, #tpu.memory_space<vmem>>, vector<1x16xf32>,
      %get3A_387 = vector.shape_cast %get3A_386 : vector<1x16xf32> to vector<16xf32>
      %get3A_388 = arith.index_cast %add3A_351 : i32 to index
      %get3A_389 = arith.constant 48 : index
      %get3A_390 = tpu.vector_load %arg8[%get3A_388, %get3A_389] {strides = array<i32>} : memref<128x256xf32, #tpu.memory_space<vmem>>, vector<1x16xf32>,
      %get3A_391 = vector.shape_cast %get3A_390 : vector<1x16xf32> to vector<16xf32>
      %mul3A_392 = arith.mulf %get3A_387, %get3A_391 : vector<16xf32>
      %add3A_393 = arith.addf %add3A_383, %mul3A_392 : vector<16xf32>
      %get3A_394 = arith.index_cast %add3A_351 : i32 to index
      %get3A_395 = arith.constant 64 : index
      %get3A_396 = tpu.vector_load %arg7[%get3A_394, %get3A_395] {strides = array<i32>} : memref<128x256xf32, #tpu.memory_space<vmem>>, vector<1x16xf32>,
      %get3A_397 = vector.shape_cast %get3A_396 : vector<1x16xf32> to vector<16xf32>
      %get3A_398 = arith.index_cast %add3A_351 : i32 to index
      %get3A_399 = arith.constant 64 : index
      %get3A_400 = tpu.vector_load %arg8[%get3A_398, %get3A_399] {strides = array<i32>} : memref<128x256xf32, #tpu.memory_space<vmem>>, vector<1x16xf32>,
      %get3A_401 = vector.shape_cast %get3A_400 : vector<1x16xf32> to vector<16xf32>
      %mul3A_402 = arith.mulf %get3A_397, %get3A_401 : vector<16xf32>
      %add3A_403 = arith.addf %add3A_393, %mul3A_402 : vector<16xf32>
      %get3A_404 = arith.index_cast %add3A_351 : i32 to index
      %get3A_405 = arith.constant 80 : index
      %get3A_406 = tpu.vector_load %arg7[%get3A_404, %get3A_405] {strides = array<i32>} : memref<128x256xf32, #tpu.memory_space<vmem>>, vector<1x16xf32>,
      %get3A_407 = vector.shape_cast %get3A_406 : vector<1x16xf32> to vector<16xf32>
      %get3A_408 = arith.index_cast %add3A_351 : i32 to index
      %get3A_409 = arith.constant 80 : index
      %get3A_410 = tpu.vector_load %arg8[%get3A_408, %get3A_409] {strides = array<i32>} : memref<128x256xf32, #tpu.memory_space<vmem>>, vector<1x16xf32>,
      %get3A_411 = vector.shape_cast %get3A_410 : vector<1x16xf32> to vector<16xf32>
      %mul3A_412 = arith.mulf %get3A_407, %get3A_411 : vector<16xf32>
      %add3A_413 = arith.addf %add3A_403, %mul3A_412 : vector<16xf32>
      %get3A_414 = arith.index_cast %add3A_351 : i32 to index
      %get3A_415 = arith.constant 96 : index
      %get3A_416 = tpu.vector_load %arg7[%get3A_414, %get3A_415] {strides = array<i32>} : memref<128x256xf32, #tpu.memory_space<vmem>>, vector<1x16xf32>,
      %get3A_417 = vector.shape_cast %get3A_416 : vector<1x16xf32> to vector<16xf32>
      %get3A_418 = arith.index_cast %add3A_351 : i32 to index
      %get3A_419 = arith.constant 96 : index
      %get3A_420 = tpu.vector_load %arg8[%get3A_418, %get3A_419] {strides = array<i32>} : memref<128x256xf32, #tpu.memory_space<vmem>>, vector<1x16xf32>,
      %get3A_421 = vector.shape_cast %get3A_420 : vector<1x16xf32> to vector<16xf32>
      %mul3A_422 = arith.mulf %get3A_417, %get3A_421 : vector<16xf32>
      %add3A_423 = arith.addf %add3A_413, %mul3A_422 : vector<16xf32>
      %get3A_424 = arith.index_cast %add3A_351 : i32 to index
      %get3A_425 = arith.constant 112 : index
      %get3A_426 = tpu.vector_load %arg7[%get3A_424, %get3A_425] {strides = array<i32>} : memref<128x256xf32, #tpu.memory_space<vmem>>, vector<1x16xf32>,
      %get3A_427 = vector.shape_cast %get3A_426 : vector<1x16xf32> to vector<16xf32>
      %get3A_428 = arith.index_cast %add3A_351 : i32 to index
      %get3A_429 = arith.constant 112 : index
      %get3A_430 = tpu.vector_load %arg8[%get3A_428, %get3A_429] {strides = array<i32>} : memref<128x256xf32, #tpu.memory_space<vmem>>, vector<1x16xf32>,
      %get3A_431 = vector.shape_cast %get3A_430 : vector<1x16xf32> to vector<16xf32>
      %mul3A_432 = arith.mulf %get3A_427, %get3A_431 : vector<16xf32>
      %add3A_433 = arith.addf %add3A_423, %mul3A_432 : vector<16xf32>
      %get3A_434 = arith.index_cast %add3A_351 : i32 to index
      %get3A_435 = arith.constant 128 : index
      %get3A_436 = tpu.vector_load %arg7[%get3A_434, %get3A_435] {strides = array<i32>} : memref<128x256xf32, #tpu.memory_space<vmem>>, vector<1x16xf32>,
      %get3A_437 = vector.shape_cast %get3A_436 : vector<1x16xf32> to vector<16xf32>
      %get3A_438 = arith.index_cast %add3A_351 : i32 to index
      %get3A_439 = arith.constant 128 : index
      %get3A_440 = tpu.vector_load %arg8[%get3A_438, %get3A_439] {strides = array<i32>} : memref<128x256xf32, #tpu.memory_space<vmem>>, vector<1x16xf32>,
      %get3A_441 = vector.shape_cast %get3A_440 : vector<1x16xf32> to vector<16xf32>
      %mul3A_442 = arith.mulf %get3A_437, %get3A_441 : vector<16xf32>
      %add3A_443 = arith.addf %add3A_433, %mul3A_442 : vector<16xf32>
      %get3A_444 = arith.index_cast %add3A_351 : i32 to index
      %get3A_445 = arith.constant 144 : index
      %get3A_446 = tpu.vector_load %arg7[%get3A_444, %get3A_445] {strides = array<i32>} : memref<128x256xf32, #tpu.memory_space<vmem>>, vector<1x16xf32>,
      %get3A_447 = vector.shape_cast %get3A_446 : vector<1x16xf32> to vector<16xf32>
      %get3A_448 = arith.index_cast %add3A_351 : i32 to index
      %get3A_449 = arith.constant 144 : index
      %get3A_450 = tpu.vector_load %arg8[%get3A_448, %get3A_449] {strides = array<i32>} : memref<128x256xf32, #tpu.memory_space<vmem>>, vector<1x16xf32>,
      %get3A_451 = vector.shape_cast %get3A_450 : vector<1x16xf32> to vector<16xf32>
      %mul3A_452 = arith.mulf %get3A_447, %get3A_451 : vector<16xf32>
      %add3A_453 = arith.addf %add3A_443, %mul3A_452 : vector<16xf32>
      %get3A_454 = arith.index_cast %add3A_351 : i32 to index
      %get3A_455 = arith.constant 160 : index
      %get3A_456 = tpu.vector_load %arg7[%get3A_454, %get3A_455] {strides = array<i32>} : memref<128x256xf32, #tpu.memory_space<vmem>>, vector<1x16xf32>,
      %get3A_457 = vector.shape_cast %get3A_456 : vector<1x16xf32> to vector<16xf32>
      %get3A_458 = arith.index_cast %add3A_351 : i32 to index
      %get3A_459 = arith.constant 160 : index
      %get3A_460 = tpu.vector_load %arg8[%get3A_458, %get3A_459] {strides = array<i32>} : memref<128x256xf32, #tpu.memory_space<vmem>>, vector<1x16xf32>,
      %get3A_461 = vector.shape_cast %get3A_460 : vector<1x16xf32> to vector<16xf32>
      %mul3A_462 = arith.mulf %get3A_457, %get3A_461 : vector<16xf32>
      %add3A_463 = arith.addf %add3A_453, %mul3A_462 : vector<16xf32>
      %get3A_464 = arith.index_cast %add3A_351 : i32 to index
      %get3A_465 = arith.constant 176 : index
      %get3A_466 = tpu.vector_load %arg7[%get3A_464, %get3A_465] {strides = array<i32>} : memref<128x256xf32, #tpu.memory_space<vmem>>, vector<1x16xf32>,
      %get3A_467 = vector.shape_cast %get3A_466 : vector<1x16xf32> to vector<16xf32>
      %get3A_468 = arith.index_cast %add3A_351 : i32 to index
      %get3A_469 = arith.constant 176 : index
      %get3A_470 = tpu.vector_load %arg8[%get3A_468, %get3A_469] {strides = array<i32>} : memref<128x256xf32, #tpu.memory_space<vmem>>, vector<1x16xf32>,
      %get3A_471 = vector.shape_cast %get3A_470 : vector<1x16xf32> to vector<16xf32>
      %mul3A_472 = arith.mulf %get3A_467, %get3A_471 : vector<16xf32>
      %add3A_473 = arith.addf %add3A_463, %mul3A_472 : vector<16xf32>
      %get3A_474 = arith.index_cast %add3A_351 : i32 to index
      %get3A_475 = arith.constant 192 : index
      %get3A_476 = tpu.vector_load %arg7[%get3A_474, %get3A_475] {strides = array<i32>} : memref<128x256xf32, #tpu.memory_space<vmem>>, vector<1x16xf32>,
      %get3A_477 = vector.shape_cast %get3A_476 : vector<1x16xf32> to vector<16xf32>
      %get3A_478 = arith.index_cast %add3A_351 : i32 to index
      %get3A_479 = arith.constant 192 : index
      %get3A_480 = tpu.vector_load %arg8[%get3A_478, %get3A_479] {strides = array<i32>} : memref<128x256xf32, #tpu.memory_space<vmem>>, vector<1x16xf32>,
      %get3A_481 = vector.shape_cast %get3A_480 : vector<1x16xf32> to vector<16xf32>
      %mul3A_482 = arith.mulf %get3A_477, %get3A_481 : vector<16xf32>
      %add3A_483 = arith.addf %add3A_473, %mul3A_482 : vector<16xf32>
      %get3A_484 = arith.index_cast %add3A_351 : i32 to index
      %get3A_485 = arith.constant 208 : index
      %get3A_486 = tpu.vector_load %arg7[%get3A_484, %get3A_485] {strides = array<i32>} : memref<128x256xf32, #tpu.memory_space<vmem>>, vector<1x16xf32>,
      %get3A_487 = vector.shape_cast %get3A_486 : vector<1x16xf32> to vector<16xf32>
      %get3A_488 = arith.index_cast %add3A_351 : i32 to index
      %get3A_489 = arith.constant 208 : index
      %get3A_490 = tpu.vector_load %arg8[%get3A_488, %get3A_489] {strides = array<i32>} : memref<128x256xf32, #tpu.memory_space<vmem>>, vector<1x16xf32>,
      %get3A_491 = vector.shape_cast %get3A_490 : vector<1x16xf32> to vector<16xf32>
      %mul3A_492 = arith.mulf %get3A_487, %get3A_491 : vector<16xf32>
      %add3A_493 = arith.addf %add3A_483, %mul3A_492 : vector<16xf32>
      %get3A_494 = arith.index_cast %add3A_351 : i32 to index
      %get3A_495 = arith.constant 224 : index
      %get3A_496 = tpu.vector_load %arg7[%get3A_494, %get3A_495] {strides = array<i32>} : memref<128x256xf32, #tpu.memory_space<vmem>>, vector<1x16xf32>,
      %get3A_497 = vector.shape_cast %get3A_496 : vector<1x16xf32> to vector<16xf32>
      %get3A_498 = arith.index_cast %add3A_351 : i32 to index
      %get3A_499 = arith.constant 224 : index
      %get3A_500 = tpu.vector_load %arg8[%get3A_498, %get3A_499] {strides = array<i32>} : memref<128x256xf32, #tpu.memory_space<vmem>>, vector<1x16xf32>,
      %get3A_501 = vector.shape_cast %get3A_500 : vector<1x16xf32> to vector<16xf32>
      %mul3A_502 = arith.mulf %get3A_497, %get3A_501 : vector<16xf32>
      %add3A_503 = arith.addf %add3A_493, %mul3A_502 : vector<16xf32>
      %get3A_504 = arith.index_cast %add3A_351 : i32 to index
      %get3A_505 = arith.constant 240 : index
      %get3A_506 = tpu.vector_load %arg7[%get3A_504, %get3A_505] {strides = array<i32>} : memref<128x256xf32, #tpu.memory_space<vmem>>, vector<1x16xf32>,
      %get3A_507 = vector.shape_cast %get3A_506 : vector<1x16xf32> to vector<16xf32>
      %get3A_508 = arith.index_cast %add3A_351 : i32 to index
      %get3A_509 = arith.constant 240 : index
      %get3A_510 = tpu.vector_load %arg8[%get3A_508, %get3A_509] {strides = array<i32>} : memref<128x256xf32, #tpu.memory_space<vmem>>, vector<1x16xf32>,
      %get3A_511 = vector.shape_cast %get3A_510 : vector<1x16xf32> to vector<16xf32>
      %mul3A_512 = arith.mulf %get3A_507, %get3A_511 : vector<16xf32>
      %add3A_513 = arith.addf %add3A_503, %mul3A_512 : vector<16xf32>
      %swap3A_514 = arith.index_cast %add3A_351 : i32 to index
      %swap3A_515 = arith.constant 0 : index
      %swap3A_516 = tpu.vector_load %arg9[%swap3A_514, %swap3A_515] {strides = array<i32>} : memref<128x16xf32, #tpu.memory_space<vmem>>, vector<1x16xf32>,
      %swap3A_517 = vector.shape_cast %swap3A_516 : vector<1x16xf32> to vector<16xf32>
      %swap3A_518 = vector.shape_cast %add3A_513 : vector<16xf32> to vector<1x16xf32>
      tpu.vector_store %arg9[%swap3A_514, %swap3A_515], %swap3A_518 {strides = array<i32>} : memref<128x16xf32, #tpu.memory_space<vmem>>, vector<1x16xf32>,
      %add3A_519 = arith.constant 3 : i32
      %add3A_520 = arith.addi %mul3A_14, %add3A_519 : i32
      %broadcast_in_dim3A_521 = arith.constant 0.000000e+00 : f32
      %broadcast_in_dim3A_522 = vector.broadcast %broadcast_in_dim3A_521 : f32 to vector<16xf32>
      %get3A_523 = arith.index_cast %add3A_520 : i32 to index
      %get3A_524 = arith.constant 0 : index
      %get3A_525 = tpu.vector_load %arg7[%get3A_523, %get3A_524] {strides = array<i32>} : memref<128x256xf32, #tpu.memory_space<vmem>>, vector<1x16xf32>,
      %get3A_526 = vector.shape_cast %get3A_525 : vector<1x16xf32> to vector<16xf32>
      %get3A_527 = arith.index_cast %add3A_520 : i32 to index
      %get3A_528 = arith.constant 0 : index
      %get3A_529 = tpu.vector_load %arg8[%get3A_527, %get3A_528] {strides = array<i32>} : memref<128x256xf32, #tpu.memory_space<vmem>>, vector<1x16xf32>,
      %get3A_530 = vector.shape_cast %get3A_529 : vector<1x16xf32> to vector<16xf32>
      %mul3A_531 = arith.mulf %get3A_526, %get3A_530 : vector<16xf32>
      %add3A_532 = arith.addf %broadcast_in_dim3A_522, %mul3A_531 : vector<16xf32>
      %get3A_533 = arith.index_cast %add3A_520 : i32 to index
      %get3A_534 = arith.constant 16 : index
      %get3A_535 = tpu.vector_load %arg7[%get3A_533, %get3A_534] {strides = array<i32>} : memref<128x256xf32, #tpu.memory_space<vmem>>, vector<1x16xf32>,
      %get3A_536 = vector.shape_cast %get3A_535 : vector<1x16xf32> to vector<16xf32>
      %get3A_537 = arith.index_cast %add3A_520 : i32 to index
      %get3A_538 = arith.constant 16 : index
      %get3A_539 = tpu.vector_load %arg8[%get3A_537, %get3A_538] {strides = array<i32>} : memref<128x256xf32, #tpu.memory_space<vmem>>, vector<1x16xf32>,
      %get3A_540 = vector.shape_cast %get3A_539 : vector<1x16xf32> to vector<16xf32>
      %mul3A_541 = arith.mulf %get3A_536, %get3A_540 : vector<16xf32>
      %add3A_542 = arith.addf %add3A_532, %mul3A_541 : vector<16xf32>
      %get3A_543 = arith.index_cast %add3A_520 : i32 to index
      %get3A_544 = arith.constant 32 : index
      %get3A_545 = tpu.vector_load %arg7[%get3A_543, %get3A_544] {strides = array<i32>} : memref<128x256xf32, #tpu.memory_space<vmem>>, vector<1x16xf32>,
      %get3A_546 = vector.shape_cast %get3A_545 : vector<1x16xf32> to vector<16xf32>
      %get3A_547 = arith.index_cast %add3A_520 : i32 to index
      %get3A_548 = arith.constant 32 : index
      %get3A_549 = tpu.vector_load %arg8[%get3A_547, %get3A_548] {strides = array<i32>} : memref<128x256xf32, #tpu.memory_space<vmem>>, vector<1x16xf32>,
      %get3A_550 = vector.shape_cast %get3A_549 : vector<1x16xf32> to vector<16xf32>
      %mul3A_551 = arith.mulf %get3A_546, %get3A_550 : vector<16xf32>
      %add3A_552 = arith.addf %add3A_542, %mul3A_551 : vector<16xf32>
      %get3A_553 = arith.index_cast %add3A_520 : i32 to index
      %get3A_554 = arith.constant 48 : index
      %get3A_555 = tpu.vector_load %arg7[%get3A_553, %get3A_554] {strides = array<i32>} : memref<128x256xf32, #tpu.memory_space<vmem>>, vector<1x16xf32>,
      %get3A_556 = vector.shape_cast %get3A_555 : vector<1x16xf32> to vector<16xf32>
      %get3A_557 = arith.index_cast %add3A_520 : i32 to index
      %get3A_558 = arith.constant 48 : index
      %get3A_559 = tpu.vector_load %arg8[%get3A_557, %get3A_558] {strides = array<i32>} : memref<128x256xf32, #tpu.memory_space<vmem>>, vector<1x16xf32>,
      %get3A_560 = vector.shape_cast %get3A_559 : vector<1x16xf32> to vector<16xf32>
      %mul3A_561 = arith.mulf %get3A_556, %get3A_560 : vector<16xf32>
      %add3A_562 = arith.addf %add3A_552, %mul3A_561 : vector<16xf32>
      %get3A_563 = arith.index_cast %add3A_520 : i32 to index
      %get3A_564 = arith.constant 64 : index
      %get3A_565 = tpu.vector_load %arg7[%get3A_563, %get3A_564] {strides = array<i32>} : memref<128x256xf32, #tpu.memory_space<vmem>>, vector<1x16xf32>,
      %get3A_566 = vector.shape_cast %get3A_565 : vector<1x16xf32> to vector<16xf32>
      %get3A_567 = arith.index_cast %add3A_520 : i32 to index
      %get3A_568 = arith.constant 64 : index
      %get3A_569 = tpu.vector_load %arg8[%get3A_567, %get3A_568] {strides = array<i32>} : memref<128x256xf32, #tpu.memory_space<vmem>>, vector<1x16xf32>,
      %get3A_570 = vector.shape_cast %get3A_569 : vector<1x16xf32> to vector<16xf32>
      %mul3A_571 = arith.mulf %get3A_566, %get3A_570 : vector<16xf32>
      %add3A_572 = arith.addf %add3A_562, %mul3A_571 : vector<16xf32>
      %get3A_573 = arith.index_cast %add3A_520 : i32 to index
      %get3A_574 = arith.constant 80 : index
      %get3A_575 = tpu.vector_load %arg7[%get3A_573, %get3A_574] {strides = array<i32>} : memref<128x256xf32, #tpu.memory_space<vmem>>, vector<1x16xf32>,
      %get3A_576 = vector.shape_cast %get3A_575 : vector<1x16xf32> to vector<16xf32>
      %get3A_577 = arith.index_cast %add3A_520 : i32 to index
      %get3A_578 = arith.constant 80 : index
      %get3A_579 = tpu.vector_load %arg8[%get3A_577, %get3A_578] {strides = array<i32>} : memref<128x256xf32, #tpu.memory_space<vmem>>, vector<1x16xf32>,
      %get3A_580 = vector.shape_cast %get3A_579 : vector<1x16xf32> to vector<16xf32>
      %mul3A_581 = arith.mulf %get3A_576, %get3A_580 : vector<16xf32>
      %add3A_582 = arith.addf %add3A_572, %mul3A_581 : vector<16xf32>
      %get3A_583 = arith.index_cast %add3A_520 : i32 to index
      %get3A_584 = arith.constant 96 : index
      %get3A_585 = tpu.vector_load %arg7[%get3A_583, %get3A_584] {strides = array<i32>} : memref<128x256xf32, #tpu.memory_space<vmem>>, vector<1x16xf32>,
      %get3A_586 = vector.shape_cast %get3A_585 : vector<1x16xf32> to vector<16xf32>
      %get3A_587 = arith.index_cast %add3A_520 : i32 to index
      %get3A_588 = arith.constant 96 : index
      %get3A_589 = tpu.vector_load %arg8[%get3A_587, %get3A_588] {strides = array<i32>} : memref<128x256xf32, #tpu.memory_space<vmem>>, vector<1x16xf32>,
      %get3A_590 = vector.shape_cast %get3A_589 : vector<1x16xf32> to vector<16xf32>
      %mul3A_591 = arith.mulf %get3A_586, %get3A_590 : vector<16xf32>
      %add3A_592 = arith.addf %add3A_582, %mul3A_591 : vector<16xf32>
      %get3A_593 = arith.index_cast %add3A_520 : i32 to index
      %get3A_594 = arith.constant 112 : index
      %get3A_595 = tpu.vector_load %arg7[%get3A_593, %get3A_594] {strides = array<i32>} : memref<128x256xf32, #tpu.memory_space<vmem>>, vector<1x16xf32>,
      %get3A_596 = vector.shape_cast %get3A_595 : vector<1x16xf32> to vector<16xf32>
      %get3A_597 = arith.index_cast %add3A_520 : i32 to index
      %get3A_598 = arith.constant 112 : index
      %get3A_599 = tpu.vector_load %arg8[%get3A_597, %get3A_598] {strides = array<i32>} : memref<128x256xf32, #tpu.memory_space<vmem>>, vector<1x16xf32>,
      %get3A_600 = vector.shape_cast %get3A_599 : vector<1x16xf32> to vector<16xf32>
      %mul3A_601 = arith.mulf %get3A_596, %get3A_600 : vector<16xf32>
      %add3A_602 = arith.addf %add3A_592, %mul3A_601 : vector<16xf32>
      %get3A_603 = arith.index_cast %add3A_520 : i32 to index
      %get3A_604 = arith.constant 128 : index
      %get3A_605 = tpu.vector_load %arg7[%get3A_603, %get3A_604] {strides = array<i32>} : memref<128x256xf32, #tpu.memory_space<vmem>>, vector<1x16xf32>,
      %get3A_606 = vector.shape_cast %get3A_605 : vector<1x16xf32> to vector<16xf32>
      %get3A_607 = arith.index_cast %add3A_520 : i32 to index
      %get3A_608 = arith.constant 128 : index
      %get3A_609 = tpu.vector_load %arg8[%get3A_607, %get3A_608] {strides = array<i32>} : memref<128x256xf32, #tpu.memory_space<vmem>>, vector<1x16xf32>,
      %get3A_610 = vector.shape_cast %get3A_609 : vector<1x16xf32> to vector<16xf32>
      %mul3A_611 = arith.mulf %get3A_606, %get3A_610 : vector<16xf32>
      %add3A_612 = arith.addf %add3A_602, %mul3A_611 : vector<16xf32>
      %get3A_613 = arith.index_cast %add3A_520 : i32 to index
      %get3A_614 = arith.constant 144 : index
      %get3A_615 = tpu.vector_load %arg7[%get3A_613, %get3A_614] {strides = array<i32>} : memref<128x256xf32, #tpu.memory_space<vmem>>, vector<1x16xf32>,
      %get3A_616 = vector.shape_cast %get3A_615 : vector<1x16xf32> to vector<16xf32>
      %get3A_617 = arith.index_cast %add3A_520 : i32 to index
      %get3A_618 = arith.constant 144 : index
      %get3A_619 = tpu.vector_load %arg8[%get3A_617, %get3A_618] {strides = array<i32>} : memref<128x256xf32, #tpu.memory_space<vmem>>, vector<1x16xf32>,
      %get3A_620 = vector.shape_cast %get3A_619 : vector<1x16xf32> to vector<16xf32>
      %mul3A_621 = arith.mulf %get3A_616, %get3A_620 : vector<16xf32>
      %add3A_622 = arith.addf %add3A_612, %mul3A_621 : vector<16xf32>
      %get3A_623 = arith.index_cast %add3A_520 : i32 to index
      %get3A_624 = arith.constant 160 : index
      %get3A_625 = tpu.vector_load %arg7[%get3A_623, %get3A_624] {strides = array<i32>} : memref<128x256xf32, #tpu.memory_space<vmem>>, vector<1x16xf32>,
      %get3A_626 = vector.shape_cast %get3A_625 : vector<1x16xf32> to vector<16xf32>
      %get3A_627 = arith.index_cast %add3A_520 : i32 to index
      %get3A_628 = arith.constant 160 : index
      %get3A_629 = tpu.vector_load %arg8[%get3A_627, %get3A_628] {strides = array<i32>} : memref<128x256xf32, #tpu.memory_space<vmem>>, vector<1x16xf32>,
      %get3A_630 = vector.shape_cast %get3A_629 : vector<1x16xf32> to vector<16xf32>
      %mul3A_631 = arith.mulf %get3A_626, %get3A_630 : vector<16xf32>
      %add3A_632 = arith.addf %add3A_622, %mul3A_631 : vector<16xf32>
      %get3A_633 = arith.index_cast %add3A_520 : i32 to index
      %get3A_634 = arith.constant 176 : index
      %get3A_635 = tpu.vector_load %arg7[%get3A_633, %get3A_634] {strides = array<i32>} : memref<128x256xf32, #tpu.memory_space<vmem>>, vector<1x16xf32>,
      %get3A_636 = vector.shape_cast %get3A_635 : vector<1x16xf32> to vector<16xf32>
      %get3A_637 = arith.index_cast %add3A_520 : i32 to index
      %get3A_638 = arith.constant 176 : index
      %get3A_639 = tpu.vector_load %arg8[%get3A_637, %get3A_638] {strides = array<i32>} : memref<128x256xf32, #tpu.memory_space<vmem>>, vector<1x16xf32>,
      %get3A_640 = vector.shape_cast %get3A_639 : vector<1x16xf32> to vector<16xf32>
      %mul3A_641 = arith.mulf %get3A_636, %get3A_640 : vector<16xf32>
      %add3A_642 = arith.addf %add3A_632, %mul3A_641 : vector<16xf32>
      %get3A_643 = arith.index_cast %add3A_520 : i32 to index
      %get3A_644 = arith.constant 192 : index
      %get3A_645 = tpu.vector_load %arg7[%get3A_643, %get3A_644] {strides = array<i32>} : memref<128x256xf32, #tpu.memory_space<vmem>>, vector<1x16xf32>,
      %get3A_646 = vector.shape_cast %get3A_645 : vector<1x16xf32> to vector<16xf32>
      %get3A_647 = arith.index_cast %add3A_520 : i32 to index
      %get3A_648 = arith.constant 192 : index
      %get3A_649 = tpu.vector_load %arg8[%get3A_647, %get3A_648] {strides = array<i32>} : memref<128x256xf32, #tpu.memory_space<vmem>>, vector<1x16xf32>,
      %get3A_650 = vector.shape_cast %get3A_649 : vector<1x16xf32> to vector<16xf32>
      %mul3A_651 = arith.mulf %get3A_646, %get3A_650 : vector<16xf32>
      %add3A_652 = arith.addf %add3A_642, %mul3A_651 : vector<16xf32>
      %get3A_653 = arith.index_cast %add3A_520 : i32 to index
      %get3A_654 = arith.constant 208 : index
      %get3A_655 = tpu.vector_load %arg7[%get3A_653, %get3A_654] {strides = array<i32>} : memref<128x256xf32, #tpu.memory_space<vmem>>, vector<1x16xf32>,
      %get3A_656 = vector.shape_cast %get3A_655 : vector<1x16xf32> to vector<16xf32>
      %get3A_657 = arith.index_cast %add3A_520 : i32 to index
      %get3A_658 = arith.constant 208 : index
      %get3A_659 = tpu.vector_load %arg8[%get3A_657, %get3A_658] {strides = array<i32>} : memref<128x256xf32, #tpu.memory_space<vmem>>, vector<1x16xf32>,
      %get3A_660 = vector.shape_cast %get3A_659 : vector<1x16xf32> to vector<16xf32>
      %mul3A_661 = arith.mulf %get3A_656, %get3A_660 : vector<16xf32>
      %add3A_662 = arith.addf %add3A_652, %mul3A_661 : vector<16xf32>
      %get3A_663 = arith.index_cast %add3A_520 : i32 to index
      %get3A_664 = arith.constant 224 : index
      %get3A_665 = tpu.vector_load %arg7[%get3A_663, %get3A_664] {strides = array<i32>} : memref<128x256xf32, #tpu.memory_space<vmem>>, vector<1x16xf32>,
      %get3A_666 = vector.shape_cast %get3A_665 : vector<1x16xf32> to vector<16xf32>
      %get3A_667 = arith.index_cast %add3A_520 : i32 to index
      %get3A_668 = arith.constant 224 : index
      %get3A_669 = tpu.vector_load %arg8[%get3A_667, %get3A_668] {strides = array<i32>} : memref<128x256xf32, #tpu.memory_space<vmem>>, vector<1x16xf32>,
      %get3A_670 = vector.shape_cast %get3A_669 : vector<1x16xf32> to vector<16xf32>
      %mul3A_671 = arith.mulf %get3A_666, %get3A_670 : vector<16xf32>
      %add3A_672 = arith.addf %add3A_662, %mul3A_671 : vector<16xf32>
      %get3A_673 = arith.index_cast %add3A_520 : i32 to index
      %get3A_674 = arith.constant 240 : index
      %get3A_675 = tpu.vector_load %arg7[%get3A_673, %get3A_674] {strides = array<i32>} : memref<128x256xf32, #tpu.memory_space<vmem>>, vector<1x16xf32>,
      %get3A_676 = vector.shape_cast %get3A_675 : vector<1x16xf32> to vector<16xf32>
      %get3A_677 = arith.index_cast %add3A_520 : i32 to index
      %get3A_678 = arith.constant 240 : index
      %get3A_679 = tpu.vector_load %arg8[%get3A_677, %get3A_678] {strides = array<i32>} : memref<128x256xf32, #tpu.memory_space<vmem>>, vector<1x16xf32>,
      %get3A_680 = vector.shape_cast %get3A_679 : vector<1x16xf32> to vector<16xf32>
      %mul3A_681 = arith.mulf %get3A_676, %get3A_680 : vector<16xf32>
      %add3A_682 = arith.addf %add3A_672, %mul3A_681 : vector<16xf32>
      %swap3A_683 = arith.index_cast %add3A_520 : i32 to index
      %swap3A_684 = arith.constant 0 : index
      %swap3A_685 = tpu.vector_load %arg9[%swap3A_683, %swap3A_684] {strides = array<i32>} : memref<128x16xf32, #tpu.memory_space<vmem>>, vector<1x16xf32>,
      %swap3A_686 = vector.shape_cast %swap3A_685 : vector<1x16xf32> to vector<16xf32>
      %swap3A_687 = vector.shape_cast %add3A_682 : vector<16xf32> to vector<1x16xf32>
      tpu.vector_store %arg9[%swap3A_683, %swap3A_684], %swap3A_687 {strides = array<i32>} : memref<128x16xf32, #tpu.memory_space<vmem>>, vector<1x16xf32>,
      %add3A_688 = arith.constant 4 : i32
      %add3A_689 = arith.addi %mul3A_14, %add3A_688 : i32
      %broadcast_in_dim3A_690 = arith.constant 0.000000e+00 : f32
      %broadcast_in_dim3A_691 = vector.broadcast %broadcast_in_dim3A_690 : f32 to vector<16xf32>
      %get3A_692 = arith.index_cast %add3A_689 : i32 to index
      %get3A_693 = arith.constant 0 : index
      %get3A_694 = tpu.vector_load %arg7[%get3A_692, %get3A_693] {strides = array<i32>} : memref<128x256xf32, #tpu.memory_space<vmem>>, vector<1x16xf32>,
      %get3A_695 = vector.shape_cast %get3A_694 : vector<1x16xf32> to vector<16xf32>
      %get3A_696 = arith.index_cast %add3A_689 : i32 to index
      %get3A_697 = arith.constant 0 : index
      %get3A_698 = tpu.vector_load %arg8[%get3A_696, %get3A_697] {strides = array<i32>} : memref<128x256xf32, #tpu.memory_space<vmem>>, vector<1x16xf32>,
      %get3A_699 = vector.shape_cast %get3A_698 : vector<1x16xf32> to vector<16xf32>
      %mul3A_700 = arith.mulf %get3A_695, %get3A_699 : vector<16xf32>
      %add3A_701 = arith.addf %broadcast_in_dim3A_691, %mul3A_700 : vector<16xf32>
      %get3A_702 = arith.index_cast %add3A_689 : i32 to index
      %get3A_703 = arith.constant 16 : index
      %get3A_704 = tpu.vector_load %arg7[%get3A_702, %get3A_703] {strides = array<i32>} : memref<128x256xf32, #tpu.memory_space<vmem>>, vector<1x16xf32>,
      %get3A_705 = vector.shape_cast %get3A_704 : vector<1x16xf32> to vector<16xf32>
      %get3A_706 = arith.index_cast %add3A_689 : i32 to index
      %get3A_707 = arith.constant 16 : index
      %get3A_708 = tpu.vector_load %arg8[%get3A_706, %get3A_707] {strides = array<i32>} : memref<128x256xf32, #tpu.memory_space<vmem>>, vector<1x16xf32>,
      %get3A_709 = vector.shape_cast %get3A_708 : vector<1x16xf32> to vector<16xf32>
      %mul3A_710 = arith.mulf %get3A_705, %get3A_709 : vector<16xf32>
      %add3A_711 = arith.addf %add3A_701, %mul3A_710 : vector<16xf32>
      %get3A_712 = arith.index_cast %add3A_689 : i32 to index
      %get3A_713 = arith.constant 32 : index
      %get3A_714 = tpu.vector_load %arg7[%get3A_712, %get3A_713] {strides = array<i32>} : memref<128x256xf32, #tpu.memory_space<vmem>>, vector<1x16xf32>,
      %get3A_715 = vector.shape_cast %get3A_714 : vector<1x16xf32> to vector<16xf32>
      %get3A_716 = arith.index_cast %add3A_689 : i32 to index
      %get3A_717 = arith.constant 32 : index
      %get3A_718 = tpu.vector_load %arg8[%get3A_716, %get3A_717] {strides = array<i32>} : memref<128x256xf32, #tpu.memory_space<vmem>>, vector<1x16xf32>,
      %get3A_719 = vector.shape_cast %get3A_718 : vector<1x16xf32> to vector<16xf32>
      %mul3A_720 = arith.mulf %get3A_715, %get3A_719 : vector<16xf32>
      %add3A_721 = arith.addf %add3A_711, %mul3A_720 : vector<16xf32>
      %get3A_722 = arith.index_cast %add3A_689 : i32 to index
      %get3A_723 = arith.constant 48 : index
      %get3A_724 = tpu.vector_load %arg7[%get3A_722, %get3A_723] {strides = array<i32>} : memref<128x256xf32, #tpu.memory_space<vmem>>, vector<1x16xf32>,
      %get3A_725 = vector.shape_cast %get3A_724 : vector<1x16xf32> to vector<16xf32>
      %get3A_726 = arith.index_cast %add3A_689 : i32 to index
      %get3A_727 = arith.constant 48 : index
      %get3A_728 = tpu.vector_load %arg8[%get3A_726, %get3A_727] {strides = array<i32>} : memref<128x256xf32, #tpu.memory_space<vmem>>, vector<1x16xf32>,
      %get3A_729 = vector.shape_cast %get3A_728 : vector<1x16xf32> to vector<16xf32>
      %mul3A_730 = arith.mulf %get3A_725, %get3A_729 : vector<16xf32>
      %add3A_731 = arith.addf %add3A_721, %mul3A_730 : vector<16xf32>
      %get3A_732 = arith.index_cast %add3A_689 : i32 to index
      %get3A_733 = arith.constant 64 : index
      %get3A_734 = tpu.vector_load %arg7[%get3A_732, %get3A_733] {strides = array<i32>} : memref<128x256xf32, #tpu.memory_space<vmem>>, vector<1x16xf32>,
      %get3A_735 = vector.shape_cast %get3A_734 : vector<1x16xf32> to vector<16xf32>
      %get3A_736 = arith.index_cast %add3A_689 : i32 to index
      %get3A_737 = arith.constant 64 : index
      %get3A_738 = tpu.vector_load %arg8[%get3A_736, %get3A_737] {strides = array<i32>} : memref<128x256xf32, #tpu.memory_space<vmem>>, vector<1x16xf32>,
      %get3A_739 = vector.shape_cast %get3A_738 : vector<1x16xf32> to vector<16xf32>
      %mul3A_740 = arith.mulf %get3A_735, %get3A_739 : vector<16xf32>
      %add3A_741 = arith.addf %add3A_731, %mul3A_740 : vector<16xf32>
      %get3A_742 = arith.index_cast %add3A_689 : i32 to index
      %get3A_743 = arith.constant 80 : index
      %get3A_744 = tpu.vector_load %arg7[%get3A_742, %get3A_743] {strides = array<i32>} : memref<128x256xf32, #tpu.memory_space<vmem>>, vector<1x16xf32>,
      %get3A_745 = vector.shape_cast %get3A_744 : vector<1x16xf32> to vector<16xf32>
      %get3A_746 = arith.index_cast %add3A_689 : i32 to index
      %get3A_747 = arith.constant 80 : index
      %get3A_748 = tpu.vector_load %arg8[%get3A_746, %get3A_747] {strides = array<i32>} : memref<128x256xf32, #tpu.memory_space<vmem>>, vector<1x16xf32>,
      %get3A_749 = vector.shape_cast %get3A_748 : vector<1x16xf32> to vector<16xf32>
      %mul3A_750 = arith.mulf %get3A_745, %get3A_749 : vector<16xf32>
      %add3A_751 = arith.addf %add3A_741, %mul3A_750 : vector<16xf32>
      %get3A_752 = arith.index_cast %add3A_689 : i32 to index
      %get3A_753 = arith.constant 96 : index
      %get3A_754 = tpu.vector_load %arg7[%get3A_752, %get3A_753] {strides = array<i32>} : memref<128x256xf32, #tpu.memory_space<vmem>>, vector<1x16xf32>,
      %get3A_755 = vector.shape_cast %get3A_754 : vector<1x16xf32> to vector<16xf32>
      %get3A_756 = arith.index_cast %add3A_689 : i32 to index
      %get3A_757 = arith.constant 96 : index
      %get3A_758 = tpu.vector_load %arg8[%get3A_756, %get3A_757] {strides = array<i32>} : memref<128x256xf32, #tpu.memory_space<vmem>>, vector<1x16xf32>,
      %get3A_759 = vector.shape_cast %get3A_758 : vector<1x16xf32> to vector<16xf32>
      %mul3A_760 = arith.mulf %get3A_755, %get3A_759 : vector<16xf32>
      %add3A_761 = arith.addf %add3A_751, %mul3A_760 : vector<16xf32>
      %get3A_762 = arith.index_cast %add3A_689 : i32 to index
      %get3A_763 = arith.constant 112 : index
      %get3A_764 = tpu.vector_load %arg7[%get3A_762, %get3A_763] {strides = array<i32>} : memref<128x256xf32, #tpu.memory_space<vmem>>, vector<1x16xf32>,
      %get3A_765 = vector.shape_cast %get3A_764 : vector<1x16xf32> to vector<16xf32>
      %get3A_766 = arith.index_cast %add3A_689 : i32 to index
      %get3A_767 = arith.constant 112 : index
      %get3A_768 = tpu.vector_load %arg8[%get3A_766, %get3A_767] {strides = array<i32>} : memref<128x256xf32, #tpu.memory_space<vmem>>, vector<1x16xf32>,
      %get3A_769 = vector.shape_cast %get3A_768 : vector<1x16xf32> to vector<16xf32>
      %mul3A_770 = arith.mulf %get3A_765, %get3A_769 : vector<16xf32>
      %add3A_771 = arith.addf %add3A_761, %mul3A_770 : vector<16xf32>
      %get3A_772 = arith.index_cast %add3A_689 : i32 to index
      %get3A_773 = arith.constant 128 : index
      %get3A_774 = tpu.vector_load %arg7[%get3A_772, %get3A_773] {strides = array<i32>} : memref<128x256xf32, #tpu.memory_space<vmem>>, vector<1x16xf32>,
      %get3A_775 = vector.shape_cast %get3A_774 : vector<1x16xf32> to vector<16xf32>
      %get3A_776 = arith.index_cast %add3A_689 : i32 to index
      %get3A_777 = arith.constant 128 : index
      %get3A_778 = tpu.vector_load %arg8[%get3A_776, %get3A_777] {strides = array<i32>} : memref<128x256xf32, #tpu.memory_space<vmem>>, vector<1x16xf32>,
      %get3A_779 = vector.shape_cast %get3A_778 : vector<1x16xf32> to vector<16xf32>
      %mul3A_780 = arith.mulf %get3A_775, %get3A_779 : vector<16xf32>
      %add3A_781 = arith.addf %add3A_771, %mul3A_780 : vector<16xf32>
      %get3A_782 = arith.index_cast %add3A_689 : i32 to index
      %get3A_783 = arith.constant 144 : index
      %get3A_784 = tpu.vector_load %arg7[%get3A_782, %get3A_783] {strides = array<i32>} : memref<128x256xf32, #tpu.memory_space<vmem>>, vector<1x16xf32>,
      %get3A_785 = vector.shape_cast %get3A_784 : vector<1x16xf32> to vector<16xf32>
      %get3A_786 = arith.index_cast %add3A_689 : i32 to index
      %get3A_787 = arith.constant 144 : index
      %get3A_788 = tpu.vector_load %arg8[%get3A_786, %get3A_787] {strides = array<i32>} : memref<128x256xf32, #tpu.memory_space<vmem>>, vector<1x16xf32>,
      %get3A_789 = vector.shape_cast %get3A_788 : vector<1x16xf32> to vector<16xf32>
      %mul3A_790 = arith.mulf %get3A_785, %get3A_789 : vector<16xf32>
      %add3A_791 = arith.addf %add3A_781, %mul3A_790 : vector<16xf32>
      %get3A_792 = arith.index_cast %add3A_689 : i32 to index
      %get3A_793 = arith.constant 160 : index
      %get3A_794 = tpu.vector_load %arg7[%get3A_792, %get3A_793] {strides = array<i32>} : memref<128x256xf32, #tpu.memory_space<vmem>>, vector<1x16xf32>,
      %get3A_795 = vector.shape_cast %get3A_794 : vector<1x16xf32> to vector<16xf32>
      %get3A_796 = arith.index_cast %add3A_689 : i32 to index
      %get3A_797 = arith.constant 160 : index
      %get3A_798 = tpu.vector_load %arg8[%get3A_796, %get3A_797] {strides = array<i32>} : memref<128x256xf32, #tpu.memory_space<vmem>>, vector<1x16xf32>,
      %get3A_799 = vector.shape_cast %get3A_798 : vector<1x16xf32> to vector<16xf32>
      %mul3A_800 = arith.mulf %get3A_795, %get3A_799 : vector<16xf32>
      %add3A_801 = arith.addf %add3A_791, %mul3A_800 : vector<16xf32>
      %get3A_802 = arith.index_cast %add3A_689 : i32 to index
      %get3A_803 = arith.constant 176 : index
      %get3A_804 = tpu.vector_load %arg7[%get3A_802, %get3A_803] {strides = array<i32>} : memref<128x256xf32, #tpu.memory_space<vmem>>, vector<1x16xf32>,
      %get3A_805 = vector.shape_cast %get3A_804 : vector<1x16xf32> to vector<16xf32>
      %get3A_806 = arith.index_cast %add3A_689 : i32 to index
      %get3A_807 = arith.constant 176 : index
      %get3A_808 = tpu.vector_load %arg8[%get3A_806, %get3A_807] {strides = array<i32>} : memref<128x256xf32, #tpu.memory_space<vmem>>, vector<1x16xf32>,
      %get3A_809 = vector.shape_cast %get3A_808 : vector<1x16xf32> to vector<16xf32>
      %mul3A_810 = arith.mulf %get3A_805, %get3A_809 : vector<16xf32>
      %add3A_811 = arith.addf %add3A_801, %mul3A_810 : vector<16xf32>
      %get3A_812 = arith.index_cast %add3A_689 : i32 to index
      %get3A_813 = arith.constant 192 : index
      %get3A_814 = tpu.vector_load %arg7[%get3A_812, %get3A_813] {strides = array<i32>} : memref<128x256xf32, #tpu.memory_space<vmem>>, vector<1x16xf32>,
      %get3A_815 = vector.shape_cast %get3A_814 : vector<1x16xf32> to vector<16xf32>
      %get3A_816 = arith.index_cast %add3A_689 : i32 to index
      %get3A_817 = arith.constant 192 : index
      %get3A_818 = tpu.vector_load %arg8[%get3A_816, %get3A_817] {strides = array<i32>} : memref<128x256xf32, #tpu.memory_space<vmem>>, vector<1x16xf32>,
      %get3A_819 = vector.shape_cast %get3A_818 : vector<1x16xf32> to vector<16xf32>
      %mul3A_820 = arith.mulf %get3A_815, %get3A_819 : vector<16xf32>
      %add3A_821 = arith.addf %add3A_811, %mul3A_820 : vector<16xf32>
      %get3A_822 = arith.index_cast %add3A_689 : i32 to index
      %get3A_823 = arith.constant 208 : index
      %get3A_824 = tpu.vector_load %arg7[%get3A_822, %get3A_823] {strides = array<i32>} : memref<128x256xf32, #tpu.memory_space<vmem>>, vector<1x16xf32>,
      %get3A_825 = vector.shape_cast %get3A_824 : vector<1x16xf32> to vector<16xf32>
      %get3A_826 = arith.index_cast %add3A_689 : i32 to index
      %get3A_827 = arith.constant 208 : index
      %get3A_828 = tpu.vector_load %arg8[%get3A_826, %get3A_827] {strides = array<i32>} : memref<128x256xf32, #tpu.memory_space<vmem>>, vector<1x16xf32>,
      %get3A_829 = vector.shape_cast %get3A_828 : vector<1x16xf32> to vector<16xf32>
      %mul3A_830 = arith.mulf %get3A_825, %get3A_829 : vector<16xf32>
      %add3A_831 = arith.addf %add3A_821, %mul3A_830 : vector<16xf32>
      %get3A_832 = arith.index_cast %add3A_689 : i32 to index
      %get3A_833 = arith.constant 224 : index
      %get3A_834 = tpu.vector_load %arg7[%get3A_832, %get3A_833] {strides = array<i32>} : memref<128x256xf32, #tpu.memory_space<vmem>>, vector<1x16xf32>,
      %get3A_835 = vector.shape_cast %get3A_834 : vector<1x16xf32> to vector<16xf32>
      %get3A_836 = arith.index_cast %add3A_689 : i32 to index
      %get3A_837 = arith.constant 224 : index
      %get3A_838 = tpu.vector_load %arg8[%get3A_836, %get3A_837] {strides = array<i32>} : memref<128x256xf32, #tpu.memory_space<vmem>>, vector<1x16xf32>,
      %get3A_839 = vector.shape_cast %get3A_838 : vector<1x16xf32> to vector<16xf32>
      %mul3A_840 = arith.mulf %get3A_835, %get3A_839 : vector<16xf32>
      %add3A_841 = arith.addf %add3A_831, %mul3A_840 : vector<16xf32>
      %get3A_842 = arith.index_cast %add3A_689 : i32 to index
      %get3A_843 = arith.constant 240 : index
      %get3A_844 = tpu.vector_load %arg7[%get3A_842, %get3A_843] {strides = array<i32>} : memref<128x256xf32, #tpu.memory_space<vmem>>, vector<1x16xf32>,
      %get3A_845 = vector.shape_cast %get3A_844 : vector<1x16xf32> to vector<16xf32>
      %get3A_846 = arith.index_cast %add3A_689 : i32 to index
      %get3A_847 = arith.constant 240 : index
      %get3A_848 = tpu.vector_load %arg8[%get3A_846, %get3A_847] {strides = array<i32>} : memref<128x256xf32, #tpu.memory_space<vmem>>, vector<1x16xf32>,
      %get3A_849 = vector.shape_cast %get3A_848 : vector<1x16xf32> to vector<16xf32>
      %mul3A_850 = arith.mulf %get3A_845, %get3A_849 : vector<16xf32>
      %add3A_851 = arith.addf %add3A_841, %mul3A_850 : vector<16xf32>
      %swap3A_852 = arith.index_cast %add3A_689 : i32 to index
      %swap3A_853 = arith.constant 0 : index
      %swap3A_854 = tpu.vector_load %arg9[%swap3A_852, %swap3A_853] {strides = array<i32>} : memref<128x16xf32, #tpu.memory_space<vmem>>, vector<1x16xf32>,
      %swap3A_855 = vector.shape_cast %swap3A_854 : vector<1x16xf32> to vector<16xf32>
      %swap3A_856 = vector.shape_cast %add3A_851 : vector<16xf32> to vector<1x16xf32>
      tpu.vector_store %arg9[%swap3A_852, %swap3A_853], %swap3A_856 {strides = array<i32>} : memref<128x16xf32, #tpu.memory_space<vmem>>, vector<1x16xf32>,
      %add3A_857 = arith.constant 5 : i32
      %add3A_858 = arith.addi %mul3A_14, %add3A_857 : i32
      %broadcast_in_dim3A_859 = arith.constant 0.000000e+00 : f32
      %broadcast_in_dim3A_860 = vector.broadcast %broadcast_in_dim3A_859 : f32 to vector<16xf32>
      %get3A_861 = arith.index_cast %add3A_858 : i32 to index
      %get3A_862 = arith.constant 0 : index
      %get3A_863 = tpu.vector_load %arg7[%get3A_861, %get3A_862] {strides = array<i32>} : memref<128x256xf32, #tpu.memory_space<vmem>>, vector<1x16xf32>,
      %get3A_864 = vector.shape_cast %get3A_863 : vector<1x16xf32> to vector<16xf32>
      %get3A_865 = arith.index_cast %add3A_858 : i32 to index
      %get3A_866 = arith.constant 0 : index
      %get3A_867 = tpu.vector_load %arg8[%get3A_865, %get3A_866] {strides = array<i32>} : memref<128x256xf32, #tpu.memory_space<vmem>>, vector<1x16xf32>,
      %get3A_868 = vector.shape_cast %get3A_867 : vector<1x16xf32> to vector<16xf32>
      %mul3A_869 = arith.mulf %get3A_864, %get3A_868 : vector<16xf32>
      %add3A_870 = arith.addf %broadcast_in_dim3A_860, %mul3A_869 : vector<16xf32>
      %get3A_871 = arith.index_cast %add3A_858 : i32 to index
      %get3A_872 = arith.constant 16 : index
      %get3A_873 = tpu.vector_load %arg7[%get3A_871, %get3A_872] {strides = array<i32>} : memref<128x256xf32, #tpu.memory_space<vmem>>, vector<1x16xf32>,
      %get3A_874 = vector.shape_cast %get3A_873 : vector<1x16xf32> to vector<16xf32>
      %get3A_875 = arith.index_cast %add3A_858 : i32 to index
      %get3A_876 = arith.constant 16 : index
      %get3A_877 = tpu.vector_load %arg8[%get3A_875, %get3A_876] {strides = array<i32>} : memref<128x256xf32, #tpu.memory_space<vmem>>, vector<1x16xf32>,
      %get3A_878 = vector.shape_cast %get3A_877 : vector<1x16xf32> to vector<16xf32>
      %mul3A_879 = arith.mulf %get3A_874, %get3A_878 : vector<16xf32>
      %add3A_880 = arith.addf %add3A_870, %mul3A_879 : vector<16xf32>
      %get3A_881 = arith.index_cast %add3A_858 : i32 to index
      %get3A_882 = arith.constant 32 : index
      %get3A_883 = tpu.vector_load %arg7[%get3A_881, %get3A_882] {strides = array<i32>} : memref<128x256xf32, #tpu.memory_space<vmem>>, vector<1x16xf32>,
      %get3A_884 = vector.shape_cast %get3A_883 : vector<1x16xf32> to vector<16xf32>
      %get3A_885 = arith.index_cast %add3A_858 : i32 to index
      %get3A_886 = arith.constant 32 : index
      %get3A_887 = tpu.vector_load %arg8[%get3A_885, %get3A_886] {strides = array<i32>} : memref<128x256xf32, #tpu.memory_space<vmem>>, vector<1x16xf32>,
      %get3A_888 = vector.shape_cast %get3A_887 : vector<1x16xf32> to vector<16xf32>
      %mul3A_889 = arith.mulf %get3A_884, %get3A_888 : vector<16xf32>
      %add3A_890 = arith.addf %add3A_880, %mul3A_889 : vector<16xf32>
      %get3A_891 = arith.index_cast %add3A_858 : i32 to index
      %get3A_892 = arith.constant 48 : index
      %get3A_893 = tpu.vector_load %arg7[%get3A_891, %get3A_892] {strides = array<i32>} : memref<128x256xf32, #tpu.memory_space<vmem>>, vector<1x16xf32>,
      %get3A_894 = vector.shape_cast %get3A_893 : vector<1x16xf32> to vector<16xf32>
      %get3A_895 = arith.index_cast %add3A_858 : i32 to index
      %get3A_896 = arith.constant 48 : index
      %get3A_897 = tpu.vector_load %arg8[%get3A_895, %get3A_896] {strides = array<i32>} : memref<128x256xf32, #tpu.memory_space<vmem>>, vector<1x16xf32>,
      %get3A_898 = vector.shape_cast %get3A_897 : vector<1x16xf32> to vector<16xf32>
      %mul3A_899 = arith.mulf %get3A_894, %get3A_898 : vector<16xf32>
      %add3A_900 = arith.addf %add3A_890, %mul3A_899 : vector<16xf32>
      %get3A_901 = arith.index_cast %add3A_858 : i32 to index
      %get3A_902 = arith.constant 64 : index
      %get3A_903 = tpu.vector_load %arg7[%get3A_901, %get3A_902] {strides = array<i32>} : memref<128x256xf32, #tpu.memory_space<vmem>>, vector<1x16xf32>,
      %get3A_904 = vector.shape_cast %get3A_903 : vector<1x16xf32> to vector<16xf32>
      %get3A_905 = arith.index_cast %add3A_858 : i32 to index
      %get3A_906 = arith.constant 64 : index
      %get3A_907 = tpu.vector_load %arg8[%get3A_905, %get3A_906] {strides = array<i32>} : memref<128x256xf32, #tpu.memory_space<vmem>>, vector<1x16xf32>,
      %get3A_908 = vector.shape_cast %get3A_907 : vector<1x16xf32> to vector<16xf32>
      %mul3A_909 = arith.mulf %get3A_904, %get3A_908 : vector<16xf32>
      %add3A_910 = arith.addf %add3A_900, %mul3A_909 : vector<16xf32>
      %get3A_911 = arith.index_cast %add3A_858 : i32 to index
      %get3A_912 = arith.constant 80 : index
      %get3A_913 = tpu.vector_load %arg7[%get3A_911, %get3A_912] {strides = array<i32>} : memref<128x256xf32, #tpu.memory_space<vmem>>, vector<1x16xf32>,
      %get3A_914 = vector.shape_cast %get3A_913 : vector<1x16xf32> to vector<16xf32>
      %get3A_915 = arith.index_cast %add3A_858 : i32 to index
      %get3A_916 = arith.constant 80 : index
      %get3A_917 = tpu.vector_load %arg8[%get3A_915, %get3A_916] {strides = array<i32>} : memref<128x256xf32, #tpu.memory_space<vmem>>, vector<1x16xf32>,
      %get3A_918 = vector.shape_cast %get3A_917 : vector<1x16xf32> to vector<16xf32>
      %mul3A_919 = arith.mulf %get3A_914, %get3A_918 : vector<16xf32>
      %add3A_920 = arith.addf %add3A_910, %mul3A_919 : vector<16xf32>
      %get3A_921 = arith.index_cast %add3A_858 : i32 to index
      %get3A_922 = arith.constant 96 : index
      %get3A_923 = tpu.vector_load %arg7[%get3A_921, %get3A_922] {strides = array<i32>} : memref<128x256xf32, #tpu.memory_space<vmem>>, vector<1x16xf32>,
      %get3A_924 = vector.shape_cast %get3A_923 : vector<1x16xf32> to vector<16xf32>
      %get3A_925 = arith.index_cast %add3A_858 : i32 to index
      %get3A_926 = arith.constant 96 : index
      %get3A_927 = tpu.vector_load %arg8[%get3A_925, %get3A_926] {strides = array<i32>} : memref<128x256xf32, #tpu.memory_space<vmem>>, vector<1x16xf32>,
      %get3A_928 = vector.shape_cast %get3A_927 : vector<1x16xf32> to vector<16xf32>
      %mul3A_929 = arith.mulf %get3A_924, %get3A_928 : vector<16xf32>
      %add3A_930 = arith.addf %add3A_920, %mul3A_929 : vector<16xf32>
      %get3A_931 = arith.index_cast %add3A_858 : i32 to index
      %get3A_932 = arith.constant 112 : index
      %get3A_933 = tpu.vector_load %arg7[%get3A_931, %get3A_932] {strides = array<i32>} : memref<128x256xf32, #tpu.memory_space<vmem>>, vector<1x16xf32>,
      %get3A_934 = vector.shape_cast %get3A_933 : vector<1x16xf32> to vector<16xf32>
      %get3A_935 = arith.index_cast %add3A_858 : i32 to index
      %get3A_936 = arith.constant 112 : index
      %get3A_937 = tpu.vector_load %arg8[%get3A_935, %get3A_936] {strides = array<i32>} : memref<128x256xf32, #tpu.memory_space<vmem>>, vector<1x16xf32>,
      %get3A_938 = vector.shape_cast %get3A_937 : vector<1x16xf32> to vector<16xf32>
      %mul3A_939 = arith.mulf %get3A_934, %get3A_938 : vector<16xf32>
      %add3A_940 = arith.addf %add3A_930, %mul3A_939 : vector<16xf32>
      %get3A_941 = arith.index_cast %add3A_858 : i32 to index
      %get3A_942 = arith.constant 128 : index
      %get3A_943 = tpu.vector_load %arg7[%get3A_941, %get3A_942] {strides = array<i32>} : memref<128x256xf32, #tpu.memory_space<vmem>>, vector<1x16xf32>,
      %get3A_944 = vector.shape_cast %get3A_943 : vector<1x16xf32> to vector<16xf32>
      %get3A_945 = arith.index_cast %add3A_858 : i32 to index
      %get3A_946 = arith.constant 128 : index
      %get3A_947 = tpu.vector_load %arg8[%get3A_945, %get3A_946] {strides = array<i32>} : memref<128x256xf32, #tpu.memory_space<vmem>>, vector<1x16xf32>,
      %get3A_948 = vector.shape_cast %get3A_947 : vector<1x16xf32> to vector<16xf32>
      %mul3A_949 = arith.mulf %get3A_944, %get3A_948 : vector<16xf32>
      %add3A_950 = arith.addf %add3A_940, %mul3A_949 : vector<16xf32>
      %get3A_951 = arith.index_cast %add3A_858 : i32 to index
      %get3A_952 = arith.constant 144 : index
      %get3A_953 = tpu.vector_load %arg7[%get3A_951, %get3A_952] {strides = array<i32>} : memref<128x256xf32, #tpu.memory_space<vmem>>, vector<1x16xf32>,
      %get3A_954 = vector.shape_cast %get3A_953 : vector<1x16xf32> to vector<16xf32>
      %get3A_955 = arith.index_cast %add3A_858 : i32 to index
      %get3A_956 = arith.constant 144 : index
      %get3A_957 = tpu.vector_load %arg8[%get3A_955, %get3A_956] {strides = array<i32>} : memref<128x256xf32, #tpu.memory_space<vmem>>, vector<1x16xf32>,
      %get3A_958 = vector.shape_cast %get3A_957 : vector<1x16xf32> to vector<16xf32>
      %mul3A_959 = arith.mulf %get3A_954, %get3A_958 : vector<16xf32>
      %add3A_960 = arith.addf %add3A_950, %mul3A_959 : vector<16xf32>
      %get3A_961 = arith.index_cast %add3A_858 : i32 to index
      %get3A_962 = arith.constant 160 : index
      %get3A_963 = tpu.vector_load %arg7[%get3A_961, %get3A_962] {strides = array<i32>} : memref<128x256xf32, #tpu.memory_space<vmem>>, vector<1x16xf32>,
      %get3A_964 = vector.shape_cast %get3A_963 : vector<1x16xf32> to vector<16xf32>
      %get3A_965 = arith.index_cast %add3A_858 : i32 to index
      %get3A_966 = arith.constant 160 : index
      %get3A_967 = tpu.vector_load %arg8[%get3A_965, %get3A_966] {strides = array<i32>} : memref<128x256xf32, #tpu.memory_space<vmem>>, vector<1x16xf32>,
      %get3A_968 = vector.shape_cast %get3A_967 : vector<1x16xf32> to vector<16xf32>
      %mul3A_969 = arith.mulf %get3A_964, %get3A_968 : vector<16xf32>
      %add3A_970 = arith.addf %add3A_960, %mul3A_969 : vector<16xf32>
      %get3A_971 = arith.index_cast %add3A_858 : i32 to index
      %get3A_972 = arith.constant 176 : index
      %get3A_973 = tpu.vector_load %arg7[%get3A_971, %get3A_972] {strides = array<i32>} : memref<128x256xf32, #tpu.memory_space<vmem>>, vector<1x16xf32>,
      %get3A_974 = vector.shape_cast %get3A_973 : vector<1x16xf32> to vector<16xf32>
      %get3A_975 = arith.index_cast %add3A_858 : i32 to index
      %get3A_976 = arith.constant 176 : index
      %get3A_977 = tpu.vector_load %arg8[%get3A_975, %get3A_976] {strides = array<i32>} : memref<128x256xf32, #tpu.memory_space<vmem>>, vector<1x16xf32>,
      %get3A_978 = vector.shape_cast %get3A_977 : vector<1x16xf32> to vector<16xf32>
      %mul3A_979 = arith.mulf %get3A_974, %get3A_978 : vector<16xf32>
      %add3A_980 = arith.addf %add3A_970, %mul3A_979 : vector<16xf32>
      %get3A_981 = arith.index_cast %add3A_858 : i32 to index
      %get3A_982 = arith.constant 192 : index
      %get3A_983 = tpu.vector_load %arg7[%get3A_981, %get3A_982] {strides = array<i32>} : memref<128x256xf32, #tpu.memory_space<vmem>>, vector<1x16xf32>,
      %get3A_984 = vector.shape_cast %get3A_983 : vector<1x16xf32> to vector<16xf32>
      %get3A_985 = arith.index_cast %add3A_858 : i32 to index
      %get3A_986 = arith.constant 192 : index
      %get3A_987 = tpu.vector_load %arg8[%get3A_985, %get3A_986] {strides = array<i32>} : memref<128x256xf32, #tpu.memory_space<vmem>>, vector<1x16xf32>,
      %get3A_988 = vector.shape_cast %get3A_987 : vector<1x16xf32> to vector<16xf32>
      %mul3A_989 = arith.mulf %get3A_984, %get3A_988 : vector<16xf32>
      %add3A_990 = arith.addf %add3A_980, %mul3A_989 : vector<16xf32>
      %get3A_991 = arith.index_cast %add3A_858 : i32 to index
      %get3A_992 = arith.constant 208 : index
      %get3A_993 = tpu.vector_load %arg7[%get3A_991, %get3A_992] {strides = array<i32>} : memref<128x256xf32, #tpu.memory_space<vmem>>, vector<1x16xf32>,
      %get3A_994 = vector.shape_cast %get3A_993 : vector<1x16xf32> to vector<16xf32>
      %get3A_995 = arith.index_cast %add3A_858 : i32 to index
      %get3A_996 = arith.constant 208 : index
      %get3A_997 = tpu.vector_load %arg8[%get3A_995, %get3A_996] {strides = array<i32>} : memref<128x256xf32, #tpu.memory_space<vmem>>, vector<1x16xf32>,
      %get3A_998 = vector.shape_cast %get3A_997 : vector<1x16xf32> to vector<16xf32>
      %mul3A_999 = arith.mulf %get3A_994, %get3A_998 : vector<16xf32>
      %add3A_1000 = arith.addf %add3A_990, %mul3A_999 : vector<16xf32>
      %get3A_1001 = arith.index_cast %add3A_858 : i32 to index
      %get3A_1002 = arith.constant 224 : index
      %get3A_1003 = tpu.vector_load %arg7[%get3A_1001, %get3A_1002] {strides = array<i32>} : memref<128x256xf32, #tpu.memory_space<vmem>>, vector<1x16xf32>,
      %get3A_1004 = vector.shape_cast %get3A_1003 : vector<1x16xf32> to vector<16xf32>
      %get3A_1005 = arith.index_cast %add3A_858 : i32 to index
      %get3A_1006 = arith.constant 224 : index
      %get3A_1007 = tpu.vector_load %arg8[%get3A_1005, %get3A_1006] {strides = array<i32>} : memref<128x256xf32, #tpu.memory_space<vmem>>, vector<1x16xf32>,
      %get3A_1008 = vector.shape_cast %get3A_1007 : vector<1x16xf32> to vector<16xf32>
      %mul3A_1009 = arith.mulf %get3A_1004, %get3A_1008 : vector<16xf32>
      %add3A_1010 = arith.addf %add3A_1000, %mul3A_1009 : vector<16xf32>
      %get3A_1011 = arith.index_cast %add3A_858 : i32 to index
      %get3A_1012 = arith.constant 240 : index
      %get3A_1013 = tpu.vector_load %arg7[%get3A_1011, %get3A_1012] {strides = array<i32>} : memref<128x256xf32, #tpu.memory_space<vmem>>, vector<1x16xf32>,
      %get3A_1014 = vector.shape_cast %get3A_1013 : vector<1x16xf32> to vector<16xf32>
      %get3A_1015 = arith.index_cast %add3A_858 : i32 to index
      %get3A_1016 = arith.constant 240 : index
      %get3A_1017 = tpu.vector_load %arg8[%get3A_1015, %get3A_1016] {strides = array<i32>} : memref<128x256xf32, #tpu.memory_space<vmem>>, vector<1x16xf32>,
      %get3A_1018 = vector.shape_cast %get3A_1017 : vector<1x16xf32> to vector<16xf32>
      %mul3A_1019 = arith.mulf %get3A_1014, %get3A_1018 : vector<16xf32>
      %add3A_1020 = arith.addf %add3A_1010, %mul3A_1019 : vector<16xf32>
      %swap3A_1021 = arith.index_cast %add3A_858 : i32 to index
      %swap3A_1022 = arith.constant 0 : index
      %swap3A_1023 = tpu.vector_load %arg9[%swap3A_1021, %swap3A_1022] {strides = array<i32>} : memref<128x16xf32, #tpu.memory_space<vmem>>, vector<1x16xf32>,
      %swap3A_1024 = vector.shape_cast %swap3A_1023 : vector<1x16xf32> to vector<16xf32>
      %swap3A_1025 = vector.shape_cast %add3A_1020 : vector<16xf32> to vector<1x16xf32>
      tpu.vector_store %arg9[%swap3A_1021, %swap3A_1022], %swap3A_1025 {strides = array<i32>} : memref<128x16xf32, #tpu.memory_space<vmem>>, vector<1x16xf32>,
      %add3A_1026 = arith.constant 6 : i32
      %add3A_1027 = arith.addi %mul3A_14, %add3A_1026 : i32
      %broadcast_in_dim3A_1028 = arith.constant 0.000000e+00 : f32
      %broadcast_in_dim3A_1029 = vector.broadcast %broadcast_in_dim3A_1028 : f32 to vector<16xf32>
      %get3A_1030 = arith.index_cast %add3A_1027 : i32 to index
      %get3A_1031 = arith.constant 0 : index
      %get3A_1032 = tpu.vector_load %arg7[%get3A_1030, %get3A_1031] {strides = array<i32>} : memref<128x256xf32, #tpu.memory_space<vmem>>, vector<1x16xf32>,
      %get3A_1033 = vector.shape_cast %get3A_1032 : vector<1x16xf32> to vector<16xf32>
      %get3A_1034 = arith.index_cast %add3A_1027 : i32 to index
      %get3A_1035 = arith.constant 0 : index
      %get3A_1036 = tpu.vector_load %arg8[%get3A_1034, %get3A_1035] {strides = array<i32>} : memref<128x256xf32, #tpu.memory_space<vmem>>, vector<1x16xf32>,
      %get3A_1037 = vector.shape_cast %get3A_1036 : vector<1x16xf32> to vector<16xf32>
      %mul3A_1038 = arith.mulf %get3A_1033, %get3A_1037 : vector<16xf32>
      %add3A_1039 = arith.addf %broadcast_in_dim3A_1029, %mul3A_1038 : vector<16xf32>
      %get3A_1040 = arith.index_cast %add3A_1027 : i32 to index
      %get3A_1041 = arith.constant 16 : index
      %get3A_1042 = tpu.vector_load %arg7[%get3A_1040, %get3A_1041] {strides = array<i32>} : memref<128x256xf32, #tpu.memory_space<vmem>>, vector<1x16xf32>,
      %get3A_1043 = vector.shape_cast %get3A_1042 : vector<1x16xf32> to vector<16xf32>
      %get3A_1044 = arith.index_cast %add3A_1027 : i32 to index
      %get3A_1045 = arith.constant 16 : index
      %get3A_1046 = tpu.vector_load %arg8[%get3A_1044, %get3A_1045] {strides = array<i32>} : memref<128x256xf32, #tpu.memory_space<vmem>>, vector<1x16xf32>,
      %get3A_1047 = vector.shape_cast %get3A_1046 : vector<1x16xf32> to vector<16xf32>
      %mul3A_1048 = arith.mulf %get3A_1043, %get3A_1047 : vector<16xf32>
      %add3A_1049 = arith.addf %add3A_1039, %mul3A_1048 : vector<16xf32>
      %get3A_1050 = arith.index_cast %add3A_1027 : i32 to index
      %get3A_1051 = arith.constant 32 : index
      %get3A_1052 = tpu.vector_load %arg7[%get3A_1050, %get3A_1051] {strides = array<i32>} : memref<128x256xf32, #tpu.memory_space<vmem>>, vector<1x16xf32>,
      %get3A_1053 = vector.shape_cast %get3A_1052 : vector<1x16xf32> to vector<16xf32>
      %get3A_1054 = arith.index_cast %add3A_1027 : i32 to index
      %get3A_1055 = arith.constant 32 : index
      %get3A_1056 = tpu.vector_load %arg8[%get3A_1054, %get3A_1055] {strides = array<i32>} : memref<128x256xf32, #tpu.memory_space<vmem>>, vector<1x16xf32>,
      %get3A_1057 = vector.shape_cast %get3A_1056 : vector<1x16xf32> to vector<16xf32>
      %mul3A_1058 = arith.mulf %get3A_1053, %get3A_1057 : vector<16xf32>
      %add3A_1059 = arith.addf %add3A_1049, %mul3A_1058 : vector<16xf32>
      %get3A_1060 = arith.index_cast %add3A_1027 : i32 to index
      %get3A_1061 = arith.constant 48 : index
      %get3A_1062 = tpu.vector_load %arg7[%get3A_1060, %get3A_1061] {strides = array<i32>} : memref<128x256xf32, #tpu.memory_space<vmem>>, vector<1x16xf32>,
      %get3A_1063 = vector.shape_cast %get3A_1062 : vector<1x16xf32> to vector<16xf32>
      %get3A_1064 = arith.index_cast %add3A_1027 : i32 to index
      %get3A_1065 = arith.constant 48 : index
      %get3A_1066 = tpu.vector_load %arg8[%get3A_1064, %get3A_1065] {strides = array<i32>} : memref<128x256xf32, #tpu.memory_space<vmem>>, vector<1x16xf32>,
      %get3A_1067 = vector.shape_cast %get3A_1066 : vector<1x16xf32> to vector<16xf32>
      %mul3A_1068 = arith.mulf %get3A_1063, %get3A_1067 : vector<16xf32>
      %add3A_1069 = arith.addf %add3A_1059, %mul3A_1068 : vector<16xf32>
      %get3A_1070 = arith.index_cast %add3A_1027 : i32 to index
      %get3A_1071 = arith.constant 64 : index
      %get3A_1072 = tpu.vector_load %arg7[%get3A_1070, %get3A_1071] {strides = array<i32>} : memref<128x256xf32, #tpu.memory_space<vmem>>, vector<1x16xf32>,
      %get3A_1073 = vector.shape_cast %get3A_1072 : vector<1x16xf32> to vector<16xf32>
      %get3A_1074 = arith.index_cast %add3A_1027 : i32 to index
      %get3A_1075 = arith.constant 64 : index
      %get3A_1076 = tpu.vector_load %arg8[%get3A_1074, %get3A_1075] {strides = array<i32>} : memref<128x256xf32, #tpu.memory_space<vmem>>, vector<1x16xf32>,
      %get3A_1077 = vector.shape_cast %get3A_1076 : vector<1x16xf32> to vector<16xf32>
      %mul3A_1078 = arith.mulf %get3A_1073, %get3A_1077 : vector<16xf32>
      %add3A_1079 = arith.addf %add3A_1069, %mul3A_1078 : vector<16xf32>
      %get3A_1080 = arith.index_cast %add3A_1027 : i32 to index
      %get3A_1081 = arith.constant 80 : index
      %get3A_1082 = tpu.vector_load %arg7[%get3A_1080, %get3A_1081] {strides = array<i32>} : memref<128x256xf32, #tpu.memory_space<vmem>>, vector<1x16xf32>,
      %get3A_1083 = vector.shape_cast %get3A_1082 : vector<1x16xf32> to vector<16xf32>
      %get3A_1084 = arith.index_cast %add3A_1027 : i32 to index
      %get3A_1085 = arith.constant 80 : index
      %get3A_1086 = tpu.vector_load %arg8[%get3A_1084, %get3A_1085] {strides = array<i32>} : memref<128x256xf32, #tpu.memory_space<vmem>>, vector<1x16xf32>,
      %get3A_1087 = vector.shape_cast %get3A_1086 : vector<1x16xf32> to vector<16xf32>
      %mul3A_1088 = arith.mulf %get3A_1083, %get3A_1087 : vector<16xf32>
      %add3A_1089 = arith.addf %add3A_1079, %mul3A_1088 : vector<16xf32>
      %get3A_1090 = arith.index_cast %add3A_1027 : i32 to index
      %get3A_1091 = arith.constant 96 : index
      %get3A_1092 = tpu.vector_load %arg7[%get3A_1090, %get3A_1091] {strides = array<i32>} : memref<128x256xf32, #tpu.memory_space<vmem>>, vector<1x16xf32>,
      %get3A_1093 = vector.shape_cast %get3A_1092 : vector<1x16xf32> to vector<16xf32>
      %get3A_1094 = arith.index_cast %add3A_1027 : i32 to index
      %get3A_1095 = arith.constant 96 : index
      %get3A_1096 = tpu.vector_load %arg8[%get3A_1094, %get3A_1095] {strides = array<i32>} : memref<128x256xf32, #tpu.memory_space<vmem>>, vector<1x16xf32>,
      %get3A_1097 = vector.shape_cast %get3A_1096 : vector<1x16xf32> to vector<16xf32>
      %mul3A_1098 = arith.mulf %get3A_1093, %get3A_1097 : vector<16xf32>
      %add3A_1099 = arith.addf %add3A_1089, %mul3A_1098 : vector<16xf32>
      %get3A_1100 = arith.index_cast %add3A_1027 : i32 to index
      %get3A_1101 = arith.constant 112 : index
      %get3A_1102 = tpu.vector_load %arg7[%get3A_1100, %get3A_1101] {strides = array<i32>} : memref<128x256xf32, #tpu.memory_space<vmem>>, vector<1x16xf32>,
      %get3A_1103 = vector.shape_cast %get3A_1102 : vector<1x16xf32> to vector<16xf32>
      %get3A_1104 = arith.index_cast %add3A_1027 : i32 to index
      %get3A_1105 = arith.constant 112 : index
      %get3A_1106 = tpu.vector_load %arg8[%get3A_1104, %get3A_1105] {strides = array<i32>} : memref<128x256xf32, #tpu.memory_space<vmem>>, vector<1x16xf32>,
      %get3A_1107 = vector.shape_cast %get3A_1106 : vector<1x16xf32> to vector<16xf32>
      %mul3A_1108 = arith.mulf %get3A_1103, %get3A_1107 : vector<16xf32>
      %add3A_1109 = arith.addf %add3A_1099, %mul3A_1108 : vector<16xf32>
      %get3A_1110 = arith.index_cast %add3A_1027 : i32 to index
      %get3A_1111 = arith.constant 128 : index
      %get3A_1112 = tpu.vector_load %arg7[%get3A_1110, %get3A_1111] {strides = array<i32>} : memref<128x256xf32, #tpu.memory_space<vmem>>, vector<1x16xf32>,
      %get3A_1113 = vector.shape_cast %get3A_1112 : vector<1x16xf32> to vector<16xf32>
      %get3A_1114 = arith.index_cast %add3A_1027 : i32 to index
      %get3A_1115 = arith.constant 128 : index
      %get3A_1116 = tpu.vector_load %arg8[%get3A_1114, %get3A_1115] {strides = array<i32>} : memref<128x256xf32, #tpu.memory_space<vmem>>, vector<1x16xf32>,
      %get3A_1117 = vector.shape_cast %get3A_1116 : vector<1x16xf32> to vector<16xf32>
      %mul3A_1118 = arith.mulf %get3A_1113, %get3A_1117 : vector<16xf32>
      %add3A_1119 = arith.addf %add3A_1109, %mul3A_1118 : vector<16xf32>
      %get3A_1120 = arith.index_cast %add3A_1027 : i32 to index
      %get3A_1121 = arith.constant 144 : index
      %get3A_1122 = tpu.vector_load %arg7[%get3A_1120, %get3A_1121] {strides = array<i32>} : memref<128x256xf32, #tpu.memory_space<vmem>>, vector<1x16xf32>,
      %get3A_1123 = vector.shape_cast %get3A_1122 : vector<1x16xf32> to vector<16xf32>
      %get3A_1124 = arith.index_cast %add3A_1027 : i32 to index
      %get3A_1125 = arith.constant 144 : index
      %get3A_1126 = tpu.vector_load %arg8[%get3A_1124, %get3A_1125] {strides = array<i32>} : memref<128x256xf32, #tpu.memory_space<vmem>>, vector<1x16xf32>,
      %get3A_1127 = vector.shape_cast %get3A_1126 : vector<1x16xf32> to vector<16xf32>
      %mul3A_1128 = arith.mulf %get3A_1123, %get3A_1127 : vector<16xf32>
      %add3A_1129 = arith.addf %add3A_1119, %mul3A_1128 : vector<16xf32>
      %get3A_1130 = arith.index_cast %add3A_1027 : i32 to index
      %get3A_1131 = arith.constant 160 : index
      %get3A_1132 = tpu.vector_load %arg7[%get3A_1130, %get3A_1131] {strides = array<i32>} : memref<128x256xf32, #tpu.memory_space<vmem>>, vector<1x16xf32>,
      %get3A_1133 = vector.shape_cast %get3A_1132 : vector<1x16xf32> to vector<16xf32>
      %get3A_1134 = arith.index_cast %add3A_1027 : i32 to index
      %get3A_1135 = arith.constant 160 : index
      %get3A_1136 = tpu.vector_load %arg8[%get3A_1134, %get3A_1135] {strides = array<i32>} : memref<128x256xf32, #tpu.memory_space<vmem>>, vector<1x16xf32>,
      %get3A_1137 = vector.shape_cast %get3A_1136 : vector<1x16xf32> to vector<16xf32>
      %mul3A_1138 = arith.mulf %get3A_1133, %get3A_1137 : vector<16xf32>
      %add3A_1139 = arith.addf %add3A_1129, %mul3A_1138 : vector<16xf32>
      %get3A_1140 = arith.index_cast %add3A_1027 : i32 to index
      %get3A_1141 = arith.constant 176 : index
      %get3A_1142 = tpu.vector_load %arg7[%get3A_1140, %get3A_1141] {strides = array<i32>} : memref<128x256xf32, #tpu.memory_space<vmem>>, vector<1x16xf32>,
      %get3A_1143 = vector.shape_cast %get3A_1142 : vector<1x16xf32> to vector<16xf32>
      %get3A_1144 = arith.index_cast %add3A_1027 : i32 to index
      %get3A_1145 = arith.constant 176 : index
      %get3A_1146 = tpu.vector_load %arg8[%get3A_1144, %get3A_1145] {strides = array<i32>} : memref<128x256xf32, #tpu.memory_space<vmem>>, vector<1x16xf32>,
      %get3A_1147 = vector.shape_cast %get3A_1146 : vector<1x16xf32> to vector<16xf32>
      %mul3A_1148 = arith.mulf %get3A_1143, %get3A_1147 : vector<16xf32>
      %add3A_1149 = arith.addf %add3A_1139, %mul3A_1148 : vector<16xf32>
      %get3A_1150 = arith.index_cast %add3A_1027 : i32 to index
      %get3A_1151 = arith.constant 192 : index
      %get3A_1152 = tpu.vector_load %arg7[%get3A_1150, %get3A_1151] {strides = array<i32>} : memref<128x256xf32, #tpu.memory_space<vmem>>, vector<1x16xf32>,
      %get3A_1153 = vector.shape_cast %get3A_1152 : vector<1x16xf32> to vector<16xf32>
      %get3A_1154 = arith.index_cast %add3A_1027 : i32 to index
      %get3A_1155 = arith.constant 192 : index
      %get3A_1156 = tpu.vector_load %arg8[%get3A_1154, %get3A_1155] {strides = array<i32>} : memref<128x256xf32, #tpu.memory_space<vmem>>, vector<1x16xf32>,
      %get3A_1157 = vector.shape_cast %get3A_1156 : vector<1x16xf32> to vector<16xf32>
      %mul3A_1158 = arith.mulf %get3A_1153, %get3A_1157 : vector<16xf32>
      %add3A_1159 = arith.addf %add3A_1149, %mul3A_1158 : vector<16xf32>
      %get3A_1160 = arith.index_cast %add3A_1027 : i32 to index
      %get3A_1161 = arith.constant 208 : index
      %get3A_1162 = tpu.vector_load %arg7[%get3A_1160, %get3A_1161] {strides = array<i32>} : memref<128x256xf32, #tpu.memory_space<vmem>>, vector<1x16xf32>,
      %get3A_1163 = vector.shape_cast %get3A_1162 : vector<1x16xf32> to vector<16xf32>
      %get3A_1164 = arith.index_cast %add3A_1027 : i32 to index
      %get3A_1165 = arith.constant 208 : index
      %get3A_1166 = tpu.vector_load %arg8[%get3A_1164, %get3A_1165] {strides = array<i32>} : memref<128x256xf32, #tpu.memory_space<vmem>>, vector<1x16xf32>,
      %get3A_1167 = vector.shape_cast %get3A_1166 : vector<1x16xf32> to vector<16xf32>
      %mul3A_1168 = arith.mulf %get3A_1163, %get3A_1167 : vector<16xf32>
      %add3A_1169 = arith.addf %add3A_1159, %mul3A_1168 : vector<16xf32>
      %get3A_1170 = arith.index_cast %add3A_1027 : i32 to index
      %get3A_1171 = arith.constant 224 : index
      %get3A_1172 = tpu.vector_load %arg7[%get3A_1170, %get3A_1171] {strides = array<i32>} : memref<128x256xf32, #tpu.memory_space<vmem>>, vector<1x16xf32>,
      %get3A_1173 = vector.shape_cast %get3A_1172 : vector<1x16xf32> to vector<16xf32>
      %get3A_1174 = arith.index_cast %add3A_1027 : i32 to index
      %get3A_1175 = arith.constant 224 : index
      %get3A_1176 = tpu.vector_load %arg8[%get3A_1174, %get3A_1175] {strides = array<i32>} : memref<128x256xf32, #tpu.memory_space<vmem>>, vector<1x16xf32>,
      %get3A_1177 = vector.shape_cast %get3A_1176 : vector<1x16xf32> to vector<16xf32>
      %mul3A_1178 = arith.mulf %get3A_1173, %get3A_1177 : vector<16xf32>
      %add3A_1179 = arith.addf %add3A_1169, %mul3A_1178 : vector<16xf32>
      %get3A_1180 = arith.index_cast %add3A_1027 : i32 to index
      %get3A_1181 = arith.constant 240 : index
      %get3A_1182 = tpu.vector_load %arg7[%get3A_1180, %get3A_1181] {strides = array<i32>} : memref<128x256xf32, #tpu.memory_space<vmem>>, vector<1x16xf32>,
      %get3A_1183 = vector.shape_cast %get3A_1182 : vector<1x16xf32> to vector<16xf32>
      %get3A_1184 = arith.index_cast %add3A_1027 : i32 to index
      %get3A_1185 = arith.constant 240 : index
      %get3A_1186 = tpu.vector_load %arg8[%get3A_1184, %get3A_1185] {strides = array<i32>} : memref<128x256xf32, #tpu.memory_space<vmem>>, vector<1x16xf32>,
      %get3A_1187 = vector.shape_cast %get3A_1186 : vector<1x16xf32> to vector<16xf32>
      %mul3A_1188 = arith.mulf %get3A_1183, %get3A_1187 : vector<16xf32>
      %add3A_1189 = arith.addf %add3A_1179, %mul3A_1188 : vector<16xf32>
      %swap3A_1190 = arith.index_cast %add3A_1027 : i32 to index
      %swap3A_1191 = arith.constant 0 : index
      %swap3A_1192 = tpu.vector_load %arg9[%swap3A_1190, %swap3A_1191] {strides = array<i32>} : memref<128x16xf32, #tpu.memory_space<vmem>>, vector<1x16xf32>,
      %swap3A_1193 = vector.shape_cast %swap3A_1192 : vector<1x16xf32> to vector<16xf32>
      %swap3A_1194 = vector.shape_cast %add3A_1189 : vector<16xf32> to vector<1x16xf32>
      tpu.vector_store %arg9[%swap3A_1190, %swap3A_1191], %swap3A_1194 {strides = array<i32>} : memref<128x16xf32, #tpu.memory_space<vmem>>, vector<1x16xf32>,
      %add3A_1195 = arith.constant 7 : i32
      %add3A_1196 = arith.addi %mul3A_14, %add3A_1195 : i32
      %broadcast_in_dim3A_1197 = arith.constant 0.000000e+00 : f32
      %broadcast_in_dim3A_1198 = vector.broadcast %broadcast_in_dim3A_1197 : f32 to vector<16xf32>
      %get3A_1199 = arith.index_cast %add3A_1196 : i32 to index
      %get3A_1200 = arith.constant 0 : index
      %get3A_1201 = tpu.vector_load %arg7[%get3A_1199, %get3A_1200] {strides = array<i32>} : memref<128x256xf32, #tpu.memory_space<vmem>>, vector<1x16xf32>,
      %get3A_1202 = vector.shape_cast %get3A_1201 : vector<1x16xf32> to vector<16xf32>
      %get3A_1203 = arith.index_cast %add3A_1196 : i32 to index
      %get3A_1204 = arith.constant 0 : index
      %get3A_1205 = tpu.vector_load %arg8[%get3A_1203, %get3A_1204] {strides = array<i32>} : memref<128x256xf32, #tpu.memory_space<vmem>>, vector<1x16xf32>,
      %get3A_1206 = vector.shape_cast %get3A_1205 : vector<1x16xf32> to vector<16xf32>
      %mul3A_1207 = arith.mulf %get3A_1202, %get3A_1206 : vector<16xf32>
      %add3A_1208 = arith.addf %broadcast_in_dim3A_1198, %mul3A_1207 : vector<16xf32>
      %get3A_1209 = arith.index_cast %add3A_1196 : i32 to index
      %get3A_1210 = arith.constant 16 : index
      %get3A_1211 = tpu.vector_load %arg7[%get3A_1209, %get3A_1210] {strides = array<i32>} : memref<128x256xf32, #tpu.memory_space<vmem>>, vector<1x16xf32>,
      %get3A_1212 = vector.shape_cast %get3A_1211 : vector<1x16xf32> to vector<16xf32>
      %get3A_1213 = arith.index_cast %add3A_1196 : i32 to index
      %get3A_1214 = arith.constant 16 : index
      %get3A_1215 = tpu.vector_load %arg8[%get3A_1213, %get3A_1214] {strides = array<i32>} : memref<128x256xf32, #tpu.memory_space<vmem>>, vector<1x16xf32>,
      %get3A_1216 = vector.shape_cast %get3A_1215 : vector<1x16xf32> to vector<16xf32>
      %mul3A_1217 = arith.mulf %get3A_1212, %get3A_1216 : vector<16xf32>
      %add3A_1218 = arith.addf %add3A_1208, %mul3A_1217 : vector<16xf32>
      %get3A_1219 = arith.index_cast %add3A_1196 : i32 to index
      %get3A_1220 = arith.constant 32 : index
      %get3A_1221 = tpu.vector_load %arg7[%get3A_1219, %get3A_1220] {strides = array<i32>} : memref<128x256xf32, #tpu.memory_space<vmem>>, vector<1x16xf32>,
      %get3A_1222 = vector.shape_cast %get3A_1221 : vector<1x16xf32> to vector<16xf32>
      %get3A_1223 = arith.index_cast %add3A_1196 : i32 to index
      %get3A_1224 = arith.constant 32 : index
      %get3A_1225 = tpu.vector_load %arg8[%get3A_1223, %get3A_1224] {strides = array<i32>} : memref<128x256xf32, #tpu.memory_space<vmem>>, vector<1x16xf32>,
      %get3A_1226 = vector.shape_cast %get3A_1225 : vector<1x16xf32> to vector<16xf32>
      %mul3A_1227 = arith.mulf %get3A_1222, %get3A_1226 : vector<16xf32>
      %add3A_1228 = arith.addf %add3A_1218, %mul3A_1227 : vector<16xf32>
      %get3A_1229 = arith.index_cast %add3A_1196 : i32 to index
      %get3A_1230 = arith.constant 48 : index
      %get3A_1231 = tpu.vector_load %arg7[%get3A_1229, %get3A_1230] {strides = array<i32>} : memref<128x256xf32, #tpu.memory_space<vmem>>, vector<1x16xf32>,
      %get3A_1232 = vector.shape_cast %get3A_1231 : vector<1x16xf32> to vector<16xf32>
      %get3A_1233 = arith.index_cast %add3A_1196 : i32 to index
      %get3A_1234 = arith.constant 48 : index
      %get3A_1235 = tpu.vector_load %arg8[%get3A_1233, %get3A_1234] {strides = array<i32>} : memref<128x256xf32, #tpu.memory_space<vmem>>, vector<1x16xf32>,
      %get3A_1236 = vector.shape_cast %get3A_1235 : vector<1x16xf32> to vector<16xf32>
      %mul3A_1237 = arith.mulf %get3A_1232, %get3A_1236 : vector<16xf32>
      %add3A_1238 = arith.addf %add3A_1228, %mul3A_1237 : vector<16xf32>
      %get3A_1239 = arith.index_cast %add3A_1196 : i32 to index
      %get3A_1240 = arith.constant 64 : index
      %get3A_1241 = tpu.vector_load %arg7[%get3A_1239, %get3A_1240] {strides = array<i32>} : memref<128x256xf32, #tpu.memory_space<vmem>>, vector<1x16xf32>,
      %get3A_1242 = vector.shape_cast %get3A_1241 : vector<1x16xf32> to vector<16xf32>
      %get3A_1243 = arith.index_cast %add3A_1196 : i32 to index
      %get3A_1244 = arith.constant 64 : index
      %get3A_1245 = tpu.vector_load %arg8[%get3A_1243, %get3A_1244] {strides = array<i32>} : memref<128x256xf32, #tpu.memory_space<vmem>>, vector<1x16xf32>,
      %get3A_1246 = vector.shape_cast %get3A_1245 : vector<1x16xf32> to vector<16xf32>
      %mul3A_1247 = arith.mulf %get3A_1242, %get3A_1246 : vector<16xf32>
      %add3A_1248 = arith.addf %add3A_1238, %mul3A_1247 : vector<16xf32>
      %get3A_1249 = arith.index_cast %add3A_1196 : i32 to index
      %get3A_1250 = arith.constant 80 : index
      %get3A_1251 = tpu.vector_load %arg7[%get3A_1249, %get3A_1250] {strides = array<i32>} : memref<128x256xf32, #tpu.memory_space<vmem>>, vector<1x16xf32>,
      %get3A_1252 = vector.shape_cast %get3A_1251 : vector<1x16xf32> to vector<16xf32>
      %get3A_1253 = arith.index_cast %add3A_1196 : i32 to index
      %get3A_1254 = arith.constant 80 : index
      %get3A_1255 = tpu.vector_load %arg8[%get3A_1253, %get3A_1254] {strides = array<i32>} : memref<128x256xf32, #tpu.memory_space<vmem>>, vector<1x16xf32>,
      %get3A_1256 = vector.shape_cast %get3A_1255 : vector<1x16xf32> to vector<16xf32>
      %mul3A_1257 = arith.mulf %get3A_1252, %get3A_1256 : vector<16xf32>
      %add3A_1258 = arith.addf %add3A_1248, %mul3A_1257 : vector<16xf32>
      %get3A_1259 = arith.index_cast %add3A_1196 : i32 to index
      %get3A_1260 = arith.constant 96 : index
      %get3A_1261 = tpu.vector_load %arg7[%get3A_1259, %get3A_1260] {strides = array<i32>} : memref<128x256xf32, #tpu.memory_space<vmem>>, vector<1x16xf32>,
      %get3A_1262 = vector.shape_cast %get3A_1261 : vector<1x16xf32> to vector<16xf32>
      %get3A_1263 = arith.index_cast %add3A_1196 : i32 to index
      %get3A_1264 = arith.constant 96 : index
      %get3A_1265 = tpu.vector_load %arg8[%get3A_1263, %get3A_1264] {strides = array<i32>} : memref<128x256xf32, #tpu.memory_space<vmem>>, vector<1x16xf32>,
      %get3A_1266 = vector.shape_cast %get3A_1265 : vector<1x16xf32> to vector<16xf32>
      %mul3A_1267 = arith.mulf %get3A_1262, %get3A_1266 : vector<16xf32>
      %add3A_1268 = arith.addf %add3A_1258, %mul3A_1267 : vector<16xf32>
      %get3A_1269 = arith.index_cast %add3A_1196 : i32 to index
      %get3A_1270 = arith.constant 112 : index
      %get3A_1271 = tpu.vector_load %arg7[%get3A_1269, %get3A_1270] {strides = array<i32>} : memref<128x256xf32, #tpu.memory_space<vmem>>, vector<1x16xf32>,
      %get3A_1272 = vector.shape_cast %get3A_1271 : vector<1x16xf32> to vector<16xf32>
      %get3A_1273 = arith.index_cast %add3A_1196 : i32 to index
      %get3A_1274 = arith.constant 112 : index
      %get3A_1275 = tpu.vector_load %arg8[%get3A_1273, %get3A_1274] {strides = array<i32>} : memref<128x256xf32, #tpu.memory_space<vmem>>, vector<1x16xf32>,
      %get3A_1276 = vector.shape_cast %get3A_1275 : vector<1x16xf32> to vector<16xf32>
      %mul3A_1277 = arith.mulf %get3A_1272, %get3A_1276 : vector<16xf32>
      %add3A_1278 = arith.addf %add3A_1268, %mul3A_1277 : vector<16xf32>
      %get3A_1279 = arith.index_cast %add3A_1196 : i32 to index
      %get3A_1280 = arith.constant 128 : index
      %get3A_1281 = tpu.vector_load %arg7[%get3A_1279, %get3A_1280] {strides = array<i32>} : memref<128x256xf32, #tpu.memory_space<vmem>>, vector<1x16xf32>,
      %get3A_1282 = vector.shape_cast %get3A_1281 : vector<1x16xf32> to vector<16xf32>
      %get3A_1283 = arith.index_cast %add3A_1196 : i32 to index
      %get3A_1284 = arith.constant 128 : index
      %get3A_1285 = tpu.vector_load %arg8[%get3A_1283, %get3A_1284] {strides = array<i32>} : memref<128x256xf32, #tpu.memory_space<vmem>>, vector<1x16xf32>,
      %get3A_1286 = vector.shape_cast %get3A_1285 : vector<1x16xf32> to vector<16xf32>
      %mul3A_1287 = arith.mulf %get3A_1282, %get3A_1286 : vector<16xf32>
      %add3A_1288 = arith.addf %add3A_1278, %mul3A_1287 : vector<16xf32>
      %get3A_1289 = arith.index_cast %add3A_1196 : i32 to index
      %get3A_1290 = arith.constant 144 : index
      %get3A_1291 = tpu.vector_load %arg7[%get3A_1289, %get3A_1290] {strides = array<i32>} : memref<128x256xf32, #tpu.memory_space<vmem>>, vector<1x16xf32>,
      %get3A_1292 = vector.shape_cast %get3A_1291 : vector<1x16xf32> to vector<16xf32>
      %get3A_1293 = arith.index_cast %add3A_1196 : i32 to index
      %get3A_1294 = arith.constant 144 : index
      %get3A_1295 = tpu.vector_load %arg8[%get3A_1293, %get3A_1294] {strides = array<i32>} : memref<128x256xf32, #tpu.memory_space<vmem>>, vector<1x16xf32>,
      %get3A_1296 = vector.shape_cast %get3A_1295 : vector<1x16xf32> to vector<16xf32>
      %mul3A_1297 = arith.mulf %get3A_1292, %get3A_1296 : vector<16xf32>
      %add3A_1298 = arith.addf %add3A_1288, %mul3A_1297 : vector<16xf32>
      %get3A_1299 = arith.index_cast %add3A_1196 : i32 to index
      %get3A_1300 = arith.constant 160 : index
      %get3A_1301 = tpu.vector_load %arg7[%get3A_1299, %get3A_1300] {strides = array<i32>} : memref<128x256xf32, #tpu.memory_space<vmem>>, vector<1x16xf32>,
      %get3A_1302 = vector.shape_cast %get3A_1301 : vector<1x16xf32> to vector<16xf32>
      %get3A_1303 = arith.index_cast %add3A_1196 : i32 to index
      %get3A_1304 = arith.constant 160 : index
      %get3A_1305 = tpu.vector_load %arg8[%get3A_1303, %get3A_1304] {strides = array<i32>} : memref<128x256xf32, #tpu.memory_space<vmem>>, vector<1x16xf32>,
      %get3A_1306 = vector.shape_cast %get3A_1305 : vector<1x16xf32> to vector<16xf32>
      %mul3A_1307 = arith.mulf %get3A_1302, %get3A_1306 : vector<16xf32>
      %add3A_1308 = arith.addf %add3A_1298, %mul3A_1307 : vector<16xf32>
      %get3A_1309 = arith.index_cast %add3A_1196 : i32 to index
      %get3A_1310 = arith.constant 176 : index
      %get3A_1311 = tpu.vector_load %arg7[%get3A_1309, %get3A_1310] {strides = array<i32>} : memref<128x256xf32, #tpu.memory_space<vmem>>, vector<1x16xf32>,
      %get3A_1312 = vector.shape_cast %get3A_1311 : vector<1x16xf32> to vector<16xf32>
      %get3A_1313 = arith.index_cast %add3A_1196 : i32 to index
      %get3A_1314 = arith.constant 176 : index
      %get3A_1315 = tpu.vector_load %arg8[%get3A_1313, %get3A_1314] {strides = array<i32>} : memref<128x256xf32, #tpu.memory_space<vmem>>, vector<1x16xf32>,
      %get3A_1316 = vector.shape_cast %get3A_1315 : vector<1x16xf32> to vector<16xf32>
      %mul3A_1317 = arith.mulf %get3A_1312, %get3A_1316 : vector<16xf32>
      %add3A_1318 = arith.addf %add3A_1308, %mul3A_1317 : vector<16xf32>
      %get3A_1319 = arith.index_cast %add3A_1196 : i32 to index
      %get3A_1320 = arith.constant 192 : index
      %get3A_1321 = tpu.vector_load %arg7[%get3A_1319, %get3A_1320] {strides = array<i32>} : memref<128x256xf32, #tpu.memory_space<vmem>>, vector<1x16xf32>,
      %get3A_1322 = vector.shape_cast %get3A_1321 : vector<1x16xf32> to vector<16xf32>
      %get3A_1323 = arith.index_cast %add3A_1196 : i32 to index
      %get3A_1324 = arith.constant 192 : index
      %get3A_1325 = tpu.vector_load %arg8[%get3A_1323, %get3A_1324] {strides = array<i32>} : memref<128x256xf32, #tpu.memory_space<vmem>>, vector<1x16xf32>,
      %get3A_1326 = vector.shape_cast %get3A_1325 : vector<1x16xf32> to vector<16xf32>
      %mul3A_1327 = arith.mulf %get3A_1322, %get3A_1326 : vector<16xf32>
      %add3A_1328 = arith.addf %add3A_1318, %mul3A_1327 : vector<16xf32>
      %get3A_1329 = arith.index_cast %add3A_1196 : i32 to index
      %get3A_1330 = arith.constant 208 : index
      %get3A_1331 = tpu.vector_load %arg7[%get3A_1329, %get3A_1330] {strides = array<i32>} : memref<128x256xf32, #tpu.memory_space<vmem>>, vector<1x16xf32>,
      %get3A_1332 = vector.shape_cast %get3A_1331 : vector<1x16xf32> to vector<16xf32>
      %get3A_1333 = arith.index_cast %add3A_1196 : i32 to index
      %get3A_1334 = arith.constant 208 : index
      %get3A_1335 = tpu.vector_load %arg8[%get3A_1333, %get3A_1334] {strides = array<i32>} : memref<128x256xf32, #tpu.memory_space<vmem>>, vector<1x16xf32>,
      %get3A_1336 = vector.shape_cast %get3A_1335 : vector<1x16xf32> to vector<16xf32>
      %mul3A_1337 = arith.mulf %get3A_1332, %get3A_1336 : vector<16xf32>
      %add3A_1338 = arith.addf %add3A_1328, %mul3A_1337 : vector<16xf32>
      %get3A_1339 = arith.index_cast %add3A_1196 : i32 to index
      %get3A_1340 = arith.constant 224 : index
      %get3A_1341 = tpu.vector_load %arg7[%get3A_1339, %get3A_1340] {strides = array<i32>} : memref<128x256xf32, #tpu.memory_space<vmem>>, vector<1x16xf32>,
      %get3A_1342 = vector.shape_cast %get3A_1341 : vector<1x16xf32> to vector<16xf32>
      %get3A_1343 = arith.index_cast %add3A_1196 : i32 to index
      %get3A_1344 = arith.constant 224 : index
      %get3A_1345 = tpu.vector_load %arg8[%get3A_1343, %get3A_1344] {strides = array<i32>} : memref<128x256xf32, #tpu.memory_space<vmem>>, vector<1x16xf32>,
      %get3A_1346 = vector.shape_cast %get3A_1345 : vector<1x16xf32> to vector<16xf32>
      %mul3A_1347 = arith.mulf %get3A_1342, %get3A_1346 : vector<16xf32>
      %add3A_1348 = arith.addf %add3A_1338, %mul3A_1347 : vector<16xf32>
      %get3A_1349 = arith.index_cast %add3A_1196 : i32 to index
      %get3A_1350 = arith.constant 240 : index
      %get3A_1351 = tpu.vector_load %arg7[%get3A_1349, %get3A_1350] {strides = array<i32>} : memref<128x256xf32, #tpu.memory_space<vmem>>, vector<1x16xf32>,
      %get3A_1352 = vector.shape_cast %get3A_1351 : vector<1x16xf32> to vector<16xf32>
      %get3A_1353 = arith.index_cast %add3A_1196 : i32 to index
      %get3A_1354 = arith.constant 240 : index
      %get3A_1355 = tpu.vector_load %arg8[%get3A_1353, %get3A_1354] {strides = array<i32>} : memref<128x256xf32, #tpu.memory_space<vmem>>, vector<1x16xf32>,
      %get3A_1356 = vector.shape_cast %get3A_1355 : vector<1x16xf32> to vector<16xf32>
      %mul3A_1357 = arith.mulf %get3A_1352, %get3A_1356 : vector<16xf32>
      %add3A_1358 = arith.addf %add3A_1348, %mul3A_1357 : vector<16xf32>
      %swap3A_1359 = arith.index_cast %add3A_1196 : i32 to index
      %swap3A_1360 = arith.constant 0 : index
      %swap3A_1361 = tpu.vector_load %arg9[%swap3A_1359, %swap3A_1360] {strides = array<i32>} : memref<128x16xf32, #tpu.memory_space<vmem>>, vector<1x16xf32>,
      %swap3A_1362 = vector.shape_cast %swap3A_1361 : vector<1x16xf32> to vector<16xf32>
      %swap3A_1363 = vector.shape_cast %add3A_1358 : vector<16xf32> to vector<1x16xf32>
      tpu.vector_store %arg9[%swap3A_1359, %swap3A_1360], %swap3A_1363 {strides = array<i32>} : memref<128x16xf32, #tpu.memory_space<vmem>>, vector<1x16xf32>,
      %add3A_1364 = arith.constant 8 : i32
      %add3A_1365 = arith.addi %mul3A_14, %add3A_1364 : i32
      %broadcast_in_dim3A_1366 = arith.constant 0.000000e+00 : f32
      %broadcast_in_dim3A_1367 = vector.broadcast %broadcast_in_dim3A_1366 : f32 to vector<16xf32>
      %get3A_1368 = arith.index_cast %add3A_1365 : i32 to index
      %get3A_1369 = arith.constant 0 : index
      %get3A_1370 = tpu.vector_load %arg7[%get3A_1368, %get3A_1369] {strides = array<i32>} : memref<128x256xf32, #tpu.memory_space<vmem>>, vector<1x16xf32>,
      %get3A_1371 = vector.shape_cast %get3A_1370 : vector<1x16xf32> to vector<16xf32>
      %get3A_1372 = arith.index_cast %add3A_1365 : i32 to index
      %get3A_1373 = arith.constant 0 : index
      %get3A_1374 = tpu.vector_load %arg8[%get3A_1372, %get3A_1373] {strides = array<i32>} : memref<128x256xf32, #tpu.memory_space<vmem>>, vector<1x16xf32>,
      %get3A_1375 = vector.shape_cast %get3A_1374 : vector<1x16xf32> to vector<16xf32>
      %mul3A_1376 = arith.mulf %get3A_1371, %get3A_1375 : vector<16xf32>
      %add3A_1377 = arith.addf %broadcast_in_dim3A_1367, %mul3A_1376 : vector<16xf32>
      %get3A_1378 = arith.index_cast %add3A_1365 : i32 to index
      %get3A_1379 = arith.constant 16 : index
      %get3A_1380 = tpu.vector_load %arg7[%get3A_1378, %get3A_1379] {strides = array<i32>} : memref<128x256xf32, #tpu.memory_space<vmem>>, vector<1x16xf32>,
      %get3A_1381 = vector.shape_cast %get3A_1380 : vector<1x16xf32> to vector<16xf32>
      %get3A_1382 = arith.index_cast %add3A_1365 : i32 to index
      %get3A_1383 = arith.constant 16 : index
      %get3A_1384 = tpu.vector_load %arg8[%get3A_1382, %get3A_1383] {strides = array<i32>} : memref<128x256xf32, #tpu.memory_space<vmem>>, vector<1x16xf32>,
      %get3A_1385 = vector.shape_cast %get3A_1384 : vector<1x16xf32> to vector<16xf32>
      %mul3A_1386 = arith.mulf %get3A_1381, %get3A_1385 : vector<16xf32>
      %add3A_1387 = arith.addf %add3A_1377, %mul3A_1386 : vector<16xf32>
      %get3A_1388 = arith.index_cast %add3A_1365 : i32 to index
      %get3A_1389 = arith.constant 32 : index
      %get3A_1390 = tpu.vector_load %arg7[%get3A_1388, %get3A_1389] {strides = array<i32>} : memref<128x256xf32, #tpu.memory_space<vmem>>, vector<1x16xf32>,
      %get3A_1391 = vector.shape_cast %get3A_1390 : vector<1x16xf32> to vector<16xf32>
      %get3A_1392 = arith.index_cast %add3A_1365 : i32 to index
      %get3A_1393 = arith.constant 32 : index
      %get3A_1394 = tpu.vector_load %arg8[%get3A_1392, %get3A_1393] {strides = array<i32>} : memref<128x256xf32, #tpu.memory_space<vmem>>, vector<1x16xf32>,
      %get3A_1395 = vector.shape_cast %get3A_1394 : vector<1x16xf32> to vector<16xf32>
      %mul3A_1396 = arith.mulf %get3A_1391, %get3A_1395 : vector<16xf32>
      %add3A_1397 = arith.addf %add3A_1387, %mul3A_1396 : vector<16xf32>
      %get3A_1398 = arith.index_cast %add3A_1365 : i32 to index
      %get3A_1399 = arith.constant 48 : index
      %get3A_1400 = tpu.vector_load %arg7[%get3A_1398, %get3A_1399] {strides = array<i32>} : memref<128x256xf32, #tpu.memory_space<vmem>>, vector<1x16xf32>,
      %get3A_1401 = vector.shape_cast %get3A_1400 : vector<1x16xf32> to vector<16xf32>
      %get3A_1402 = arith.index_cast %add3A_1365 : i32 to index
      %get3A_1403 = arith.constant 48 : index
      %get3A_1404 = tpu.vector_load %arg8[%get3A_1402, %get3A_1403] {strides = array<i32>} : memref<128x256xf32, #tpu.memory_space<vmem>>, vector<1x16xf32>,
      %get3A_1405 = vector.shape_cast %get3A_1404 : vector<1x16xf32> to vector<16xf32>
      %mul3A_1406 = arith.mulf %get3A_1401, %get3A_1405 : vector<16xf32>
      %add3A_1407 = arith.addf %add3A_1397, %mul3A_1406 : vector<16xf32>
      %get3A_1408 = arith.index_cast %add3A_1365 : i32 to index
      %get3A_1409 = arith.constant 64 : index
      %get3A_1410 = tpu.vector_load %arg7[%get3A_1408, %get3A_1409] {strides = array<i32>} : memref<128x256xf32, #tpu.memory_space<vmem>>, vector<1x16xf32>,
      %get3A_1411 = vector.shape_cast %get3A_1410 : vector<1x16xf32> to vector<16xf32>
      %get3A_1412 = arith.index_cast %add3A_1365 : i32 to index
      %get3A_1413 = arith.constant 64 : index
      %get3A_1414 = tpu.vector_load %arg8[%get3A_1412, %get3A_1413] {strides = array<i32>} : memref<128x256xf32, #tpu.memory_space<vmem>>, vector<1x16xf32>,
      %get3A_1415 = vector.shape_cast %get3A_1414 : vector<1x16xf32> to vector<16xf32>
      %mul3A_1416 = arith.mulf %get3A_1411, %get3A_1415 : vector<16xf32>
      %add3A_1417 = arith.addf %add3A_1407, %mul3A_1416 : vector<16xf32>
      %get3A_1418 = arith.index_cast %add3A_1365 : i32 to index
      %get3A_1419 = arith.constant 80 : index
      %get3A_1420 = tpu.vector_load %arg7[%get3A_1418, %get3A_1419] {strides = array<i32>} : memref<128x256xf32, #tpu.memory_space<vmem>>, vector<1x16xf32>,
      %get3A_1421 = vector.shape_cast %get3A_1420 : vector<1x16xf32> to vector<16xf32>
      %get3A_1422 = arith.index_cast %add3A_1365 : i32 to index
      %get3A_1423 = arith.constant 80 : index
      %get3A_1424 = tpu.vector_load %arg8[%get3A_1422, %get3A_1423] {strides = array<i32>} : memref<128x256xf32, #tpu.memory_space<vmem>>, vector<1x16xf32>,
      %get3A_1425 = vector.shape_cast %get3A_1424 : vector<1x16xf32> to vector<16xf32>
      %mul3A_1426 = arith.mulf %get3A_1421, %get3A_1425 : vector<16xf32>
      %add3A_1427 = arith.addf %add3A_1417, %mul3A_1426 : vector<16xf32>
      %get3A_1428 = arith.index_cast %add3A_1365 : i32 to index
      %get3A_1429 = arith.constant 96 : index
      %get3A_1430 = tpu.vector_load %arg7[%get3A_1428, %get3A_1429] {strides = array<i32>} : memref<128x256xf32, #tpu.memory_space<vmem>>, vector<1x16xf32>,
      %get3A_1431 = vector.shape_cast %get3A_1430 : vector<1x16xf32> to vector<16xf32>
      %get3A_1432 = arith.index_cast %add3A_1365 : i32 to index
      %get3A_1433 = arith.constant 96 : index
      %get3A_1434 = tpu.vector_load %arg8[%get3A_1432, %get3A_1433] {strides = array<i32>} : memref<128x256xf32, #tpu.memory_space<vmem>>, vector<1x16xf32>,
      %get3A_1435 = vector.shape_cast %get3A_1434 : vector<1x16xf32> to vector<16xf32>
      %mul3A_1436 = arith.mulf %get3A_1431, %get3A_1435 : vector<16xf32>
      %add3A_1437 = arith.addf %add3A_1427, %mul3A_1436 : vector<16xf32>
      %get3A_1438 = arith.index_cast %add3A_1365 : i32 to index
      %get3A_1439 = arith.constant 112 : index
      %get3A_1440 = tpu.vector_load %arg7[%get3A_1438, %get3A_1439] {strides = array<i32>} : memref<128x256xf32, #tpu.memory_space<vmem>>, vector<1x16xf32>,
      %get3A_1441 = vector.shape_cast %get3A_1440 : vector<1x16xf32> to vector<16xf32>
      %get3A_1442 = arith.index_cast %add3A_1365 : i32 to index
      %get3A_1443 = arith.constant 112 : index
      %get3A_1444 = tpu.vector_load %arg8[%get3A_1442, %get3A_1443] {strides = array<i32>} : memref<128x256xf32, #tpu.memory_space<vmem>>, vector<1x16xf32>,
      %get3A_1445 = vector.shape_cast %get3A_1444 : vector<1x16xf32> to vector<16xf32>
      %mul3A_1446 = arith.mulf %get3A_1441, %get3A_1445 : vector<16xf32>
      %add3A_1447 = arith.addf %add3A_1437, %mul3A_1446 : vector<16xf32>
      %get3A_1448 = arith.index_cast %add3A_1365 : i32 to index
      %get3A_1449 = arith.constant 128 : index
      %get3A_1450 = tpu.vector_load %arg7[%get3A_1448, %get3A_1449] {strides = array<i32>} : memref<128x256xf32, #tpu.memory_space<vmem>>, vector<1x16xf32>,
      %get3A_1451 = vector.shape_cast %get3A_1450 : vector<1x16xf32> to vector<16xf32>
      %get3A_1452 = arith.index_cast %add3A_1365 : i32 to index
      %get3A_1453 = arith.constant 128 : index
      %get3A_1454 = tpu.vector_load %arg8[%get3A_1452, %get3A_1453] {strides = array<i32>} : memref<128x256xf32, #tpu.memory_space<vmem>>, vector<1x16xf32>,
      %get3A_1455 = vector.shape_cast %get3A_1454 : vector<1x16xf32> to vector<16xf32>
      %mul3A_1456 = arith.mulf %get3A_1451, %get3A_1455 : vector<16xf32>
      %add3A_1457 = arith.addf %add3A_1447, %mul3A_1456 : vector<16xf32>
      %get3A_1458 = arith.index_cast %add3A_1365 : i32 to index
      %get3A_1459 = arith.constant 144 : index
      %get3A_1460 = tpu.vector_load %arg7[%get3A_1458, %get3A_1459] {strides = array<i32>} : memref<128x256xf32, #tpu.memory_space<vmem>>, vector<1x16xf32>,
      %get3A_1461 = vector.shape_cast %get3A_1460 : vector<1x16xf32> to vector<16xf32>
      %get3A_1462 = arith.index_cast %add3A_1365 : i32 to index
      %get3A_1463 = arith.constant 144 : index
      %get3A_1464 = tpu.vector_load %arg8[%get3A_1462, %get3A_1463] {strides = array<i32>} : memref<128x256xf32, #tpu.memory_space<vmem>>, vector<1x16xf32>,
      %get3A_1465 = vector.shape_cast %get3A_1464 : vector<1x16xf32> to vector<16xf32>
      %mul3A_1466 = arith.mulf %get3A_1461, %get3A_1465 : vector<16xf32>
      %add3A_1467 = arith.addf %add3A_1457, %mul3A_1466 : vector<16xf32>
      %get3A_1468 = arith.index_cast %add3A_1365 : i32 to index
      %get3A_1469 = arith.constant 160 : index
      %get3A_1470 = tpu.vector_load %arg7[%get3A_1468, %get3A_1469] {strides = array<i32>} : memref<128x256xf32, #tpu.memory_space<vmem>>, vector<1x16xf32>,
      %get3A_1471 = vector.shape_cast %get3A_1470 : vector<1x16xf32> to vector<16xf32>
      %get3A_1472 = arith.index_cast %add3A_1365 : i32 to index
      %get3A_1473 = arith.constant 160 : index
      %get3A_1474 = tpu.vector_load %arg8[%get3A_1472, %get3A_1473] {strides = array<i32>} : memref<128x256xf32, #tpu.memory_space<vmem>>, vector<1x16xf32>,
      %get3A_1475 = vector.shape_cast %get3A_1474 : vector<1x16xf32> to vector<16xf32>
      %mul3A_1476 = arith.mulf %get3A_1471, %get3A_1475 : vector<16xf32>
      %add3A_1477 = arith.addf %add3A_1467, %mul3A_1476 : vector<16xf32>
      %get3A_1478 = arith.index_cast %add3A_1365 : i32 to index
      %get3A_1479 = arith.constant 176 : index
      %get3A_1480 = tpu.vector_load %arg7[%get3A_1478, %get3A_1479] {strides = array<i32>} : memref<128x256xf32, #tpu.memory_space<vmem>>, vector<1x16xf32>,
      %get3A_1481 = vector.shape_cast %get3A_1480 : vector<1x16xf32> to vector<16xf32>
      %get3A_1482 = arith.index_cast %add3A_1365 : i32 to index
      %get3A_1483 = arith.constant 176 : index
      %get3A_1484 = tpu.vector_load %arg8[%get3A_1482, %get3A_1483] {strides = array<i32>} : memref<128x256xf32, #tpu.memory_space<vmem>>, vector<1x16xf32>,
      %get3A_1485 = vector.shape_cast %get3A_1484 : vector<1x16xf32> to vector<16xf32>
      %mul3A_1486 = arith.mulf %get3A_1481, %get3A_1485 : vector<16xf32>
      %add3A_1487 = arith.addf %add3A_1477, %mul3A_1486 : vector<16xf32>
      %get3A_1488 = arith.index_cast %add3A_1365 : i32 to index
      %get3A_1489 = arith.constant 192 : index
      %get3A_1490 = tpu.vector_load %arg7[%get3A_1488, %get3A_1489] {strides = array<i32>} : memref<128x256xf32, #tpu.memory_space<vmem>>, vector<1x16xf32>,
      %get3A_1491 = vector.shape_cast %get3A_1490 : vector<1x16xf32> to vector<16xf32>
      %get3A_1492 = arith.index_cast %add3A_1365 : i32 to index
      %get3A_1493 = arith.constant 192 : index
      %get3A_1494 = tpu.vector_load %arg8[%get3A_1492, %get3A_1493] {strides = array<i32>} : memref<128x256xf32, #tpu.memory_space<vmem>>, vector<1x16xf32>,
      %get3A_1495 = vector.shape_cast %get3A_1494 : vector<1x16xf32> to vector<16xf32>
      %mul3A_1496 = arith.mulf %get3A_1491, %get3A_1495 : vector<16xf32>
      %add3A_1497 = arith.addf %add3A_1487, %mul3A_1496 : vector<16xf32>
      %get3A_1498 = arith.index_cast %add3A_1365 : i32 to index
      %get3A_1499 = arith.constant 208 : index
      %get3A_1500 = tpu.vector_load %arg7[%get3A_1498, %get3A_1499] {strides = array<i32>} : memref<128x256xf32, #tpu.memory_space<vmem>>, vector<1x16xf32>,
      %get3A_1501 = vector.shape_cast %get3A_1500 : vector<1x16xf32> to vector<16xf32>
      %get3A_1502 = arith.index_cast %add3A_1365 : i32 to index
      %get3A_1503 = arith.constant 208 : index
      %get3A_1504 = tpu.vector_load %arg8[%get3A_1502, %get3A_1503] {strides = array<i32>} : memref<128x256xf32, #tpu.memory_space<vmem>>, vector<1x16xf32>,
      %get3A_1505 = vector.shape_cast %get3A_1504 : vector<1x16xf32> to vector<16xf32>
      %mul3A_1506 = arith.mulf %get3A_1501, %get3A_1505 : vector<16xf32>
      %add3A_1507 = arith.addf %add3A_1497, %mul3A_1506 : vector<16xf32>
      %get3A_1508 = arith.index_cast %add3A_1365 : i32 to index
      %get3A_1509 = arith.constant 224 : index
      %get3A_1510 = tpu.vector_load %arg7[%get3A_1508, %get3A_1509] {strides = array<i32>} : memref<128x256xf32, #tpu.memory_space<vmem>>, vector<1x16xf32>,
      %get3A_1511 = vector.shape_cast %get3A_1510 : vector<1x16xf32> to vector<16xf32>
      %get3A_1512 = arith.index_cast %add3A_1365 : i32 to index
      %get3A_1513 = arith.constant 224 : index
      %get3A_1514 = tpu.vector_load %arg8[%get3A_1512, %get3A_1513] {strides = array<i32>} : memref<128x256xf32, #tpu.memory_space<vmem>>, vector<1x16xf32>,
      %get3A_1515 = vector.shape_cast %get3A_1514 : vector<1x16xf32> to vector<16xf32>
      %mul3A_1516 = arith.mulf %get3A_1511, %get3A_1515 : vector<16xf32>
      %add3A_1517 = arith.addf %add3A_1507, %mul3A_1516 : vector<16xf32>
      %get3A_1518 = arith.index_cast %add3A_1365 : i32 to index
      %get3A_1519 = arith.constant 240 : index
      %get3A_1520 = tpu.vector_load %arg7[%get3A_1518, %get3A_1519] {strides = array<i32>} : memref<128x256xf32, #tpu.memory_space<vmem>>, vector<1x16xf32>,
      %get3A_1521 = vector.shape_cast %get3A_1520 : vector<1x16xf32> to vector<16xf32>
      %get3A_1522 = arith.index_cast %add3A_1365 : i32 to index
      %get3A_1523 = arith.constant 240 : index
      %get3A_1524 = tpu.vector_load %arg8[%get3A_1522, %get3A_1523] {strides = array<i32>} : memref<128x256xf32, #tpu.memory_space<vmem>>, vector<1x16xf32>,
      %get3A_1525 = vector.shape_cast %get3A_1524 : vector<1x16xf32> to vector<16xf32>
      %mul3A_1526 = arith.mulf %get3A_1521, %get3A_1525 : vector<16xf32>
      %add3A_1527 = arith.addf %add3A_1517, %mul3A_1526 : vector<16xf32>
      %swap3A_1528 = arith.index_cast %add3A_1365 : i32 to index
      %swap3A_1529 = arith.constant 0 : index
      %swap3A_1530 = tpu.vector_load %arg9[%swap3A_1528, %swap3A_1529] {strides = array<i32>} : memref<128x16xf32, #tpu.memory_space<vmem>>, vector<1x16xf32>,
      %swap3A_1531 = vector.shape_cast %swap3A_1530 : vector<1x16xf32> to vector<16xf32>
      %swap3A_1532 = vector.shape_cast %add3A_1527 : vector<16xf32> to vector<1x16xf32>
      tpu.vector_store %arg9[%swap3A_1528, %swap3A_1529], %swap3A_1532 {strides = array<i32>} : memref<128x16xf32, #tpu.memory_space<vmem>>, vector<1x16xf32>,
      %add3A_1533 = arith.constant 9 : i32
      %add3A_1534 = arith.addi %mul3A_14, %add3A_1533 : i32
      %broadcast_in_dim3A_1535 = arith.constant 0.000000e+00 : f32
      %broadcast_in_dim3A_1536 = vector.broadcast %broadcast_in_dim3A_1535 : f32 to vector<16xf32>
      %get3A_1537 = arith.index_cast %add3A_1534 : i32 to index
      %get3A_1538 = arith.constant 0 : index
      %get3A_1539 = tpu.vector_load %arg7[%get3A_1537, %get3A_1538] {strides = array<i32>} : memref<128x256xf32, #tpu.memory_space<vmem>>, vector<1x16xf32>,
      %get3A_1540 = vector.shape_cast %get3A_1539 : vector<1x16xf32> to vector<16xf32>
      %get3A_1541 = arith.index_cast %add3A_1534 : i32 to index
      %get3A_1542 = arith.constant 0 : index
      %get3A_1543 = tpu.vector_load %arg8[%get3A_1541, %get3A_1542] {strides = array<i32>} : memref<128x256xf32, #tpu.memory_space<vmem>>, vector<1x16xf32>,
      %get3A_1544 = vector.shape_cast %get3A_1543 : vector<1x16xf32> to vector<16xf32>
      %mul3A_1545 = arith.mulf %get3A_1540, %get3A_1544 : vector<16xf32>
      %add3A_1546 = arith.addf %broadcast_in_dim3A_1536, %mul3A_1545 : vector<16xf32>
      %get3A_1547 = arith.index_cast %add3A_1534 : i32 to index
      %get3A_1548 = arith.constant 16 : index
      %get3A_1549 = tpu.vector_load %arg7[%get3A_1547, %get3A_1548] {strides = array<i32>} : memref<128x256xf32, #tpu.memory_space<vmem>>, vector<1x16xf32>,
      %get3A_1550 = vector.shape_cast %get3A_1549 : vector<1x16xf32> to vector<16xf32>
      %get3A_1551 = arith.index_cast %add3A_1534 : i32 to index
      %get3A_1552 = arith.constant 16 : index
      %get3A_1553 = tpu.vector_load %arg8[%get3A_1551, %get3A_1552] {strides = array<i32>} : memref<128x256xf32, #tpu.memory_space<vmem>>, vector<1x16xf32>,
      %get3A_1554 = vector.shape_cast %get3A_1553 : vector<1x16xf32> to vector<16xf32>
      %mul3A_1555 = arith.mulf %get3A_1550, %get3A_1554 : vector<16xf32>
      %add3A_1556 = arith.addf %add3A_1546, %mul3A_1555 : vector<16xf32>
      %get3A_1557 = arith.index_cast %add3A_1534 : i32 to index
      %get3A_1558 = arith.constant 32 : index
      %get3A_1559 = tpu.vector_load %arg7[%get3A_1557, %get3A_1558] {strides = array<i32>} : memref<128x256xf32, #tpu.memory_space<vmem>>, vector<1x16xf32>,
      %get3A_1560 = vector.shape_cast %get3A_1559 : vector<1x16xf32> to vector<16xf32>
      %get3A_1561 = arith.index_cast %add3A_1534 : i32 to index
      %get3A_1562 = arith.constant 32 : index
      %get3A_1563 = tpu.vector_load %arg8[%get3A_1561, %get3A_1562] {strides = array<i32>} : memref<128x256xf32, #tpu.memory_space<vmem>>, vector<1x16xf32>,
      %get3A_1564 = vector.shape_cast %get3A_1563 : vector<1x16xf32> to vector<16xf32>
      %mul3A_1565 = arith.mulf %get3A_1560, %get3A_1564 : vector<16xf32>
      %add3A_1566 = arith.addf %add3A_1556, %mul3A_1565 : vector<16xf32>
      %get3A_1567 = arith.index_cast %add3A_1534 : i32 to index
      %get3A_1568 = arith.constant 48 : index
      %get3A_1569 = tpu.vector_load %arg7[%get3A_1567, %get3A_1568] {strides = array<i32>} : memref<128x256xf32, #tpu.memory_space<vmem>>, vector<1x16xf32>,
      %get3A_1570 = vector.shape_cast %get3A_1569 : vector<1x16xf32> to vector<16xf32>
      %get3A_1571 = arith.index_cast %add3A_1534 : i32 to index
      %get3A_1572 = arith.constant 48 : index
      %get3A_1573 = tpu.vector_load %arg8[%get3A_1571, %get3A_1572] {strides = array<i32>} : memref<128x256xf32, #tpu.memory_space<vmem>>, vector<1x16xf32>,
      %get3A_1574 = vector.shape_cast %get3A_1573 : vector<1x16xf32> to vector<16xf32>
      %mul3A_1575 = arith.mulf %get3A_1570, %get3A_1574 : vector<16xf32>
      %add3A_1576 = arith.addf %add3A_1566, %mul3A_1575 : vector<16xf32>
      %get3A_1577 = arith.index_cast %add3A_1534 : i32 to index
      %get3A_1578 = arith.constant 64 : index
      %get3A_1579 = tpu.vector_load %arg7[%get3A_1577, %get3A_1578] {strides = array<i32>} : memref<128x256xf32, #tpu.memory_space<vmem>>, vector<1x16xf32>,
      %get3A_1580 = vector.shape_cast %get3A_1579 : vector<1x16xf32> to vector<16xf32>
      %get3A_1581 = arith.index_cast %add3A_1534 : i32 to index
      %get3A_1582 = arith.constant 64 : index
      %get3A_1583 = tpu.vector_load %arg8[%get3A_1581, %get3A_1582] {strides = array<i32>} : memref<128x256xf32, #tpu.memory_space<vmem>>, vector<1x16xf32>,
      %get3A_1584 = vector.shape_cast %get3A_1583 : vector<1x16xf32> to vector<16xf32>
      %mul3A_1585 = arith.mulf %get3A_1580, %get3A_1584 : vector<16xf32>
      %add3A_1586 = arith.addf %add3A_1576, %mul3A_1585 : vector<16xf32>
      %get3A_1587 = arith.index_cast %add3A_1534 : i32 to index
      %get3A_1588 = arith.constant 80 : index
      %get3A_1589 = tpu.vector_load %arg7[%get3A_1587, %get3A_1588] {strides = array<i32>} : memref<128x256xf32, #tpu.memory_space<vmem>>, vector<1x16xf32>,
      %get3A_1590 = vector.shape_cast %get3A_1589 : vector<1x16xf32> to vector<16xf32>
      %get3A_1591 = arith.index_cast %add3A_1534 : i32 to index
      %get3A_1592 = arith.constant 80 : index
      %get3A_1593 = tpu.vector_load %arg8[%get3A_1591, %get3A_1592] {strides = array<i32>} : memref<128x256xf32, #tpu.memory_space<vmem>>, vector<1x16xf32>,
      %get3A_1594 = vector.shape_cast %get3A_1593 : vector<1x16xf32> to vector<16xf32>
      %mul3A_1595 = arith.mulf %get3A_1590, %get3A_1594 : vector<16xf32>
      %add3A_1596 = arith.addf %add3A_1586, %mul3A_1595 : vector<16xf32>
      %get3A_1597 = arith.index_cast %add3A_1534 : i32 to index
      %get3A_1598 = arith.constant 96 : index
      %get3A_1599 = tpu.vector_load %arg7[%get3A_1597, %get3A_1598] {strides = array<i32>} : memref<128x256xf32, #tpu.memory_space<vmem>>, vector<1x16xf32>,
      %get3A_1600 = vector.shape_cast %get3A_1599 : vector<1x16xf32> to vector<16xf32>
      %get3A_1601 = arith.index_cast %add3A_1534 : i32 to index
      %get3A_1602 = arith.constant 96 : index
      %get3A_1603 = tpu.vector_load %arg8[%get3A_1601, %get3A_1602] {strides = array<i32>} : memref<128x256xf32, #tpu.memory_space<vmem>>, vector<1x16xf32>,
      %get3A_1604 = vector.shape_cast %get3A_1603 : vector<1x16xf32> to vector<16xf32>
      %mul3A_1605 = arith.mulf %get3A_1600, %get3A_1604 : vector<16xf32>
      %add3A_1606 = arith.addf %add3A_1596, %mul3A_1605 : vector<16xf32>
      %get3A_1607 = arith.index_cast %add3A_1534 : i32 to index
      %get3A_1608 = arith.constant 112 : index
      %get3A_1609 = tpu.vector_load %arg7[%get3A_1607, %get3A_1608] {strides = array<i32>} : memref<128x256xf32, #tpu.memory_space<vmem>>, vector<1x16xf32>,
      %get3A_1610 = vector.shape_cast %get3A_1609 : vector<1x16xf32> to vector<16xf32>
      %get3A_1611 = arith.index_cast %add3A_1534 : i32 to index
      %get3A_1612 = arith.constant 112 : index
      %get3A_1613 = tpu.vector_load %arg8[%get3A_1611, %get3A_1612] {strides = array<i32>} : memref<128x256xf32, #tpu.memory_space<vmem>>, vector<1x16xf32>,
      %get3A_1614 = vector.shape_cast %get3A_1613 : vector<1x16xf32> to vector<16xf32>
      %mul3A_1615 = arith.mulf %get3A_1610, %get3A_1614 : vector<16xf32>
      %add3A_1616 = arith.addf %add3A_1606, %mul3A_1615 : vector<16xf32>
      %get3A_1617 = arith.index_cast %add3A_1534 : i32 to index
      %get3A_1618 = arith.constant 128 : index
      %get3A_1619 = tpu.vector_load %arg7[%get3A_1617, %get3A_1618] {strides = array<i32>} : memref<128x256xf32, #tpu.memory_space<vmem>>, vector<1x16xf32>,
      %get3A_1620 = vector.shape_cast %get3A_1619 : vector<1x16xf32> to vector<16xf32>
      %get3A_1621 = arith.index_cast %add3A_1534 : i32 to index
      %get3A_1622 = arith.constant 128 : index
      %get3A_1623 = tpu.vector_load %arg8[%get3A_1621, %get3A_1622] {strides = array<i32>} : memref<128x256xf32, #tpu.memory_space<vmem>>, vector<1x16xf32>,
      %get3A_1624 = vector.shape_cast %get3A_1623 : vector<1x16xf32> to vector<16xf32>
      %mul3A_1625 = arith.mulf %get3A_1620, %get3A_1624 : vector<16xf32>
      %add3A_1626 = arith.addf %add3A_1616, %mul3A_1625 : vector<16xf32>
      %get3A_1627 = arith.index_cast %add3A_1534 : i32 to index
      %get3A_1628 = arith.constant 144 : index
      %get3A_1629 = tpu.vector_load %arg7[%get3A_1627, %get3A_1628] {strides = array<i32>} : memref<128x256xf32, #tpu.memory_space<vmem>>, vector<1x16xf32>,
      %get3A_1630 = vector.shape_cast %get3A_1629 : vector<1x16xf32> to vector<16xf32>
      %get3A_1631 = arith.index_cast %add3A_1534 : i32 to index
      %get3A_1632 = arith.constant 144 : index
      %get3A_1633 = tpu.vector_load %arg8[%get3A_1631, %get3A_1632] {strides = array<i32>} : memref<128x256xf32, #tpu.memory_space<vmem>>, vector<1x16xf32>,
      %get3A_1634 = vector.shape_cast %get3A_1633 : vector<1x16xf32> to vector<16xf32>
      %mul3A_1635 = arith.mulf %get3A_1630, %get3A_1634 : vector<16xf32>
      %add3A_1636 = arith.addf %add3A_1626, %mul3A_1635 : vector<16xf32>
      %get3A_1637 = arith.index_cast %add3A_1534 : i32 to index
      %get3A_1638 = arith.constant 160 : index
      %get3A_1639 = tpu.vector_load %arg7[%get3A_1637, %get3A_1638] {strides = array<i32>} : memref<128x256xf32, #tpu.memory_space<vmem>>, vector<1x16xf32>,
      %get3A_1640 = vector.shape_cast %get3A_1639 : vector<1x16xf32> to vector<16xf32>
      %get3A_1641 = arith.index_cast %add3A_1534 : i32 to index
      %get3A_1642 = arith.constant 160 : index
      %get3A_1643 = tpu.vector_load %arg8[%get3A_1641, %get3A_1642] {strides = array<i32>} : memref<128x256xf32, #tpu.memory_space<vmem>>, vector<1x16xf32>,
      %get3A_1644 = vector.shape_cast %get3A_1643 : vector<1x16xf32> to vector<16xf32>
      %mul3A_1645 = arith.mulf %get3A_1640, %get3A_1644 : vector<16xf32>
      %add3A_1646 = arith.addf %add3A_1636, %mul3A_1645 : vector<16xf32>
      %get3A_1647 = arith.index_cast %add3A_1534 : i32 to index
      %get3A_1648 = arith.constant 176 : index
      %get3A_1649 = tpu.vector_load %arg7[%get3A_1647, %get3A_1648] {strides = array<i32>} : memref<128x256xf32, #tpu.memory_space<vmem>>, vector<1x16xf32>,
      %get3A_1650 = vector.shape_cast %get3A_1649 : vector<1x16xf32> to vector<16xf32>
      %get3A_1651 = arith.index_cast %add3A_1534 : i32 to index
      %get3A_1652 = arith.constant 176 : index
      %get3A_1653 = tpu.vector_load %arg8[%get3A_1651, %get3A_1652] {strides = array<i32>} : memref<128x256xf32, #tpu.memory_space<vmem>>, vector<1x16xf32>,
      %get3A_1654 = vector.shape_cast %get3A_1653 : vector<1x16xf32> to vector<16xf32>
      %mul3A_1655 = arith.mulf %get3A_1650, %get3A_1654 : vector<16xf32>
      %add3A_1656 = arith.addf %add3A_1646, %mul3A_1655 : vector<16xf32>
      %get3A_1657 = arith.index_cast %add3A_1534 : i32 to index
      %get3A_1658 = arith.constant 192 : index
      %get3A_1659 = tpu.vector_load %arg7[%get3A_1657, %get3A_1658] {strides = array<i32>} : memref<128x256xf32, #tpu.memory_space<vmem>>, vector<1x16xf32>,
      %get3A_1660 = vector.shape_cast %get3A_1659 : vector<1x16xf32> to vector<16xf32>
      %get3A_1661 = arith.index_cast %add3A_1534 : i32 to index
      %get3A_1662 = arith.constant 192 : index
      %get3A_1663 = tpu.vector_load %arg8[%get3A_1661, %get3A_1662] {strides = array<i32>} : memref<128x256xf32, #tpu.memory_space<vmem>>, vector<1x16xf32>,
      %get3A_1664 = vector.shape_cast %get3A_1663 : vector<1x16xf32> to vector<16xf32>
      %mul3A_1665 = arith.mulf %get3A_1660, %get3A_1664 : vector<16xf32>
      %add3A_1666 = arith.addf %add3A_1656, %mul3A_1665 : vector<16xf32>
      %get3A_1667 = arith.index_cast %add3A_1534 : i32 to index
      %get3A_1668 = arith.constant 208 : index
      %get3A_1669 = tpu.vector_load %arg7[%get3A_1667, %get3A_1668] {strides = array<i32>} : memref<128x256xf32, #tpu.memory_space<vmem>>, vector<1x16xf32>,
      %get3A_1670 = vector.shape_cast %get3A_1669 : vector<1x16xf32> to vector<16xf32>
      %get3A_1671 = arith.index_cast %add3A_1534 : i32 to index
      %get3A_1672 = arith.constant 208 : index
      %get3A_1673 = tpu.vector_load %arg8[%get3A_1671, %get3A_1672] {strides = array<i32>} : memref<128x256xf32, #tpu.memory_space<vmem>>, vector<1x16xf32>,
      %get3A_1674 = vector.shape_cast %get3A_1673 : vector<1x16xf32> to vector<16xf32>
      %mul3A_1675 = arith.mulf %get3A_1670, %get3A_1674 : vector<16xf32>
      %add3A_1676 = arith.addf %add3A_1666, %mul3A_1675 : vector<16xf32>
      %get3A_1677 = arith.index_cast %add3A_1534 : i32 to index
      %get3A_1678 = arith.constant 224 : index
      %get3A_1679 = tpu.vector_load %arg7[%get3A_1677, %get3A_1678] {strides = array<i32>} : memref<128x256xf32, #tpu.memory_space<vmem>>, vector<1x16xf32>,
      %get3A_1680 = vector.shape_cast %get3A_1679 : vector<1x16xf32> to vector<16xf32>
      %get3A_1681 = arith.index_cast %add3A_1534 : i32 to index
      %get3A_1682 = arith.constant 224 : index
      %get3A_1683 = tpu.vector_load %arg8[%get3A_1681, %get3A_1682] {strides = array<i32>} : memref<128x256xf32, #tpu.memory_space<vmem>>, vector<1x16xf32>,
      %get3A_1684 = vector.shape_cast %get3A_1683 : vector<1x16xf32> to vector<16xf32>
      %mul3A_1685 = arith.mulf %get3A_1680, %get3A_1684 : vector<16xf32>
      %add3A_1686 = arith.addf %add3A_1676, %mul3A_1685 : vector<16xf32>
      %get3A_1687 = arith.index_cast %add3A_1534 : i32 to index
      %get3A_1688 = arith.constant 240 : index
      %get3A_1689 = tpu.vector_load %arg7[%get3A_1687, %get3A_1688] {strides = array<i32>} : memref<128x256xf32, #tpu.memory_space<vmem>>, vector<1x16xf32>,
      %get3A_1690 = vector.shape_cast %get3A_1689 : vector<1x16xf32> to vector<16xf32>
      %get3A_1691 = arith.index_cast %add3A_1534 : i32 to index
      %get3A_1692 = arith.constant 240 : index
      %get3A_1693 = tpu.vector_load %arg8[%get3A_1691, %get3A_1692] {strides = array<i32>} : memref<128x256xf32, #tpu.memory_space<vmem>>, vector<1x16xf32>,
      %get3A_1694 = vector.shape_cast %get3A_1693 : vector<1x16xf32> to vector<16xf32>
      %mul3A_1695 = arith.mulf %get3A_1690, %get3A_1694 : vector<16xf32>
      %add3A_1696 = arith.addf %add3A_1686, %mul3A_1695 : vector<16xf32>
      %swap3A_1697 = arith.index_cast %add3A_1534 : i32 to index
      %swap3A_1698 = arith.constant 0 : index
      %swap3A_1699 = tpu.vector_load %arg9[%swap3A_1697, %swap3A_1698] {strides = array<i32>} : memref<128x16xf32, #tpu.memory_space<vmem>>, vector<1x16xf32>,
      %swap3A_1700 = vector.shape_cast %swap3A_1699 : vector<1x16xf32> to vector<16xf32>
      %swap3A_1701 = vector.shape_cast %add3A_1696 : vector<16xf32> to vector<1x16xf32>
      tpu.vector_store %arg9[%swap3A_1697, %swap3A_1698], %swap3A_1701 {strides = array<i32>} : memref<128x16xf32, #tpu.memory_space<vmem>>, vector<1x16xf32>,
      %add3A_1702 = arith.constant 10 : i32
      %add3A_1703 = arith.addi %mul3A_14, %add3A_1702 : i32
      %broadcast_in_dim3A_1704 = arith.constant 0.000000e+00 : f32
      %broadcast_in_dim3A_1705 = vector.broadcast %broadcast_in_dim3A_1704 : f32 to vector<16xf32>
      %get3A_1706 = arith.index_cast %add3A_1703 : i32 to index
      %get3A_1707 = arith.constant 0 : index
      %get3A_1708 = tpu.vector_load %arg7[%get3A_1706, %get3A_1707] {strides = array<i32>} : memref<128x256xf32, #tpu.memory_space<vmem>>, vector<1x16xf32>,
      %get3A_1709 = vector.shape_cast %get3A_1708 : vector<1x16xf32> to vector<16xf32>
      %get3A_1710 = arith.index_cast %add3A_1703 : i32 to index
      %get3A_1711 = arith.constant 0 : index
      %get3A_1712 = tpu.vector_load %arg8[%get3A_1710, %get3A_1711] {strides = array<i32>} : memref<128x256xf32, #tpu.memory_space<vmem>>, vector<1x16xf32>,
      %get3A_1713 = vector.shape_cast %get3A_1712 : vector<1x16xf32> to vector<16xf32>
      %mul3A_1714 = arith.mulf %get3A_1709, %get3A_1713 : vector<16xf32>
      %add3A_1715 = arith.addf %broadcast_in_dim3A_1705, %mul3A_1714 : vector<16xf32>
      %get3A_1716 = arith.index_cast %add3A_1703 : i32 to index
      %get3A_1717 = arith.constant 16 : index
      %get3A_1718 = tpu.vector_load %arg7[%get3A_1716, %get3A_1717] {strides = array<i32>} : memref<128x256xf32, #tpu.memory_space<vmem>>, vector<1x16xf32>,
      %get3A_1719 = vector.shape_cast %get3A_1718 : vector<1x16xf32> to vector<16xf32>
      %get3A_1720 = arith.index_cast %add3A_1703 : i32 to index
      %get3A_1721 = arith.constant 16 : index
      %get3A_1722 = tpu.vector_load %arg8[%get3A_1720, %get3A_1721] {strides = array<i32>} : memref<128x256xf32, #tpu.memory_space<vmem>>, vector<1x16xf32>,
      %get3A_1723 = vector.shape_cast %get3A_1722 : vector<1x16xf32> to vector<16xf32>
      %mul3A_1724 = arith.mulf %get3A_1719, %get3A_1723 : vector<16xf32>
      %add3A_1725 = arith.addf %add3A_1715, %mul3A_1724 : vector<16xf32>
      %get3A_1726 = arith.index_cast %add3A_1703 : i32 to index
      %get3A_1727 = arith.constant 32 : index
      %get3A_1728 = tpu.vector_load %arg7[%get3A_1726, %get3A_1727] {strides = array<i32>} : memref<128x256xf32, #tpu.memory_space<vmem>>, vector<1x16xf32>,
      %get3A_1729 = vector.shape_cast %get3A_1728 : vector<1x16xf32> to vector<16xf32>
      %get3A_1730 = arith.index_cast %add3A_1703 : i32 to index
      %get3A_1731 = arith.constant 32 : index
      %get3A_1732 = tpu.vector_load %arg8[%get3A_1730, %get3A_1731] {strides = array<i32>} : memref<128x256xf32, #tpu.memory_space<vmem>>, vector<1x16xf32>,
      %get3A_1733 = vector.shape_cast %get3A_1732 : vector<1x16xf32> to vector<16xf32>
      %mul3A_1734 = arith.mulf %get3A_1729, %get3A_1733 : vector<16xf32>
      %add3A_1735 = arith.addf %add3A_1725, %mul3A_1734 : vector<16xf32>
      %get3A_1736 = arith.index_cast %add3A_1703 : i32 to index
      %get3A_1737 = arith.constant 48 : index
      %get3A_1738 = tpu.vector_load %arg7[%get3A_1736, %get3A_1737] {strides = array<i32>} : memref<128x256xf32, #tpu.memory_space<vmem>>, vector<1x16xf32>,
      %get3A_1739 = vector.shape_cast %get3A_1738 : vector<1x16xf32> to vector<16xf32>
      %get3A_1740 = arith.index_cast %add3A_1703 : i32 to index
      %get3A_1741 = arith.constant 48 : index
      %get3A_1742 = tpu.vector_load %arg8[%get3A_1740, %get3A_1741] {strides = array<i32>} : memref<128x256xf32, #tpu.memory_space<vmem>>, vector<1x16xf32>,
      %get3A_1743 = vector.shape_cast %get3A_1742 : vector<1x16xf32> to vector<16xf32>
      %mul3A_1744 = arith.mulf %get3A_1739, %get3A_1743 : vector<16xf32>
      %add3A_1745 = arith.addf %add3A_1735, %mul3A_1744 : vector<16xf32>
      %get3A_1746 = arith.index_cast %add3A_1703 : i32 to index
      %get3A_1747 = arith.constant 64 : index
      %get3A_1748 = tpu.vector_load %arg7[%get3A_1746, %get3A_1747] {strides = array<i32>} : memref<128x256xf32, #tpu.memory_space<vmem>>, vector<1x16xf32>,
      %get3A_1749 = vector.shape_cast %get3A_1748 : vector<1x16xf32> to vector<16xf32>
      %get3A_1750 = arith.index_cast %add3A_1703 : i32 to index
      %get3A_1751 = arith.constant 64 : index
      %get3A_1752 = tpu.vector_load %arg8[%get3A_1750, %get3A_1751] {strides = array<i32>} : memref<128x256xf32, #tpu.memory_space<vmem>>, vector<1x16xf32>,
      %get3A_1753 = vector.shape_cast %get3A_1752 : vector<1x16xf32> to vector<16xf32>
      %mul3A_1754 = arith.mulf %get3A_1749, %get3A_1753 : vector<16xf32>
      %add3A_1755 = arith.addf %add3A_1745, %mul3A_1754 : vector<16xf32>
      %get3A_1756 = arith.index_cast %add3A_1703 : i32 to index
      %get3A_1757 = arith.constant 80 : index
      %get3A_1758 = tpu.vector_load %arg7[%get3A_1756, %get3A_1757] {strides = array<i32>} : memref<128x256xf32, #tpu.memory_space<vmem>>, vector<1x16xf32>,
      %get3A_1759 = vector.shape_cast %get3A_1758 : vector<1x16xf32> to vector<16xf32>
      %get3A_1760 = arith.index_cast %add3A_1703 : i32 to index
      %get3A_1761 = arith.constant 80 : index
      %get3A_1762 = tpu.vector_load %arg8[%get3A_1760, %get3A_1761] {strides = array<i32>} : memref<128x256xf32, #tpu.memory_space<vmem>>, vector<1x16xf32>,
      %get3A_1763 = vector.shape_cast %get3A_1762 : vector<1x16xf32> to vector<16xf32>
      %mul3A_1764 = arith.mulf %get3A_1759, %get3A_1763 : vector<16xf32>
      %add3A_1765 = arith.addf %add3A_1755, %mul3A_1764 : vector<16xf32>
      %get3A_1766 = arith.index_cast %add3A_1703 : i32 to index
      %get3A_1767 = arith.constant 96 : index
      %get3A_1768 = tpu.vector_load %arg7[%get3A_1766, %get3A_1767] {strides = array<i32>} : memref<128x256xf32, #tpu.memory_space<vmem>>, vector<1x16xf32>,
      %get3A_1769 = vector.shape_cast %get3A_1768 : vector<1x16xf32> to vector<16xf32>
      %get3A_1770 = arith.index_cast %add3A_1703 : i32 to index
      %get3A_1771 = arith.constant 96 : index
      %get3A_1772 = tpu.vector_load %arg8[%get3A_1770, %get3A_1771] {strides = array<i32>} : memref<128x256xf32, #tpu.memory_space<vmem>>, vector<1x16xf32>,
      %get3A_1773 = vector.shape_cast %get3A_1772 : vector<1x16xf32> to vector<16xf32>
      %mul3A_1774 = arith.mulf %get3A_1769, %get3A_1773 : vector<16xf32>
      %add3A_1775 = arith.addf %add3A_1765, %mul3A_1774 : vector<16xf32>
      %get3A_1776 = arith.index_cast %add3A_1703 : i32 to index
      %get3A_1777 = arith.constant 112 : index
      %get3A_1778 = tpu.vector_load %arg7[%get3A_1776, %get3A_1777] {strides = array<i32>} : memref<128x256xf32, #tpu.memory_space<vmem>>, vector<1x16xf32>,
      %get3A_1779 = vector.shape_cast %get3A_1778 : vector<1x16xf32> to vector<16xf32>
      %get3A_1780 = arith.index_cast %add3A_1703 : i32 to index
      %get3A_1781 = arith.constant 112 : index
      %get3A_1782 = tpu.vector_load %arg8[%get3A_1780, %get3A_1781] {strides = array<i32>} : memref<128x256xf32, #tpu.memory_space<vmem>>, vector<1x16xf32>,
      %get3A_1783 = vector.shape_cast %get3A_1782 : vector<1x16xf32> to vector<16xf32>
      %mul3A_1784 = arith.mulf %get3A_1779, %get3A_1783 : vector<16xf32>
      %add3A_1785 = arith.addf %add3A_1775, %mul3A_1784 : vector<16xf32>
      %get3A_1786 = arith.index_cast %add3A_1703 : i32 to index
      %get3A_1787 = arith.constant 128 : index
      %get3A_1788 = tpu.vector_load %arg7[%get3A_1786, %get3A_1787] {strides = array<i32>} : memref<128x256xf32, #tpu.memory_space<vmem>>, vector<1x16xf32>,
      %get3A_1789 = vector.shape_cast %get3A_1788 : vector<1x16xf32> to vector<16xf32>
      %get3A_1790 = arith.index_cast %add3A_1703 : i32 to index
      %get3A_1791 = arith.constant 128 : index
      %get3A_1792 = tpu.vector_load %arg8[%get3A_1790, %get3A_1791] {strides = array<i32>} : memref<128x256xf32, #tpu.memory_space<vmem>>, vector<1x16xf32>,
      %get3A_1793 = vector.shape_cast %get3A_1792 : vector<1x16xf32> to vector<16xf32>
      %mul3A_1794 = arith.mulf %get3A_1789, %get3A_1793 : vector<16xf32>
      %add3A_1795 = arith.addf %add3A_1785, %mul3A_1794 : vector<16xf32>
      %get3A_1796 = arith.index_cast %add3A_1703 : i32 to index
      %get3A_1797 = arith.constant 144 : index
      %get3A_1798 = tpu.vector_load %arg7[%get3A_1796, %get3A_1797] {strides = array<i32>} : memref<128x256xf32, #tpu.memory_space<vmem>>, vector<1x16xf32>,
      %get3A_1799 = vector.shape_cast %get3A_1798 : vector<1x16xf32> to vector<16xf32>
      %get3A_1800 = arith.index_cast %add3A_1703 : i32 to index
      %get3A_1801 = arith.constant 144 : index
      %get3A_1802 = tpu.vector_load %arg8[%get3A_1800, %get3A_1801] {strides = array<i32>} : memref<128x256xf32, #tpu.memory_space<vmem>>, vector<1x16xf32>,
      %get3A_1803 = vector.shape_cast %get3A_1802 : vector<1x16xf32> to vector<16xf32>
      %mul3A_1804 = arith.mulf %get3A_1799, %get3A_1803 : vector<16xf32>
      %add3A_1805 = arith.addf %add3A_1795, %mul3A_1804 : vector<16xf32>
      %get3A_1806 = arith.index_cast %add3A_1703 : i32 to index
      %get3A_1807 = arith.constant 160 : index
      %get3A_1808 = tpu.vector_load %arg7[%get3A_1806, %get3A_1807] {strides = array<i32>} : memref<128x256xf32, #tpu.memory_space<vmem>>, vector<1x16xf32>,
      %get3A_1809 = vector.shape_cast %get3A_1808 : vector<1x16xf32> to vector<16xf32>
      %get3A_1810 = arith.index_cast %add3A_1703 : i32 to index
      %get3A_1811 = arith.constant 160 : index
      %get3A_1812 = tpu.vector_load %arg8[%get3A_1810, %get3A_1811] {strides = array<i32>} : memref<128x256xf32, #tpu.memory_space<vmem>>, vector<1x16xf32>,
      %get3A_1813 = vector.shape_cast %get3A_1812 : vector<1x16xf32> to vector<16xf32>
      %mul3A_1814 = arith.mulf %get3A_1809, %get3A_1813 : vector<16xf32>
      %add3A_1815 = arith.addf %add3A_1805, %mul3A_1814 : vector<16xf32>
      %get3A_1816 = arith.index_cast %add3A_1703 : i32 to index
      %get3A_1817 = arith.constant 176 : index
      %get3A_1818 = tpu.vector_load %arg7[%get3A_1816, %get3A_1817] {strides = array<i32>} : memref<128x256xf32, #tpu.memory_space<vmem>>, vector<1x16xf32>,
      %get3A_1819 = vector.shape_cast %get3A_1818 : vector<1x16xf32> to vector<16xf32>
      %get3A_1820 = arith.index_cast %add3A_1703 : i32 to index
      %get3A_1821 = arith.constant 176 : index
      %get3A_1822 = tpu.vector_load %arg8[%get3A_1820, %get3A_1821] {strides = array<i32>} : memref<128x256xf32, #tpu.memory_space<vmem>>, vector<1x16xf32>,
      %get3A_1823 = vector.shape_cast %get3A_1822 : vector<1x16xf32> to vector<16xf32>
      %mul3A_1824 = arith.mulf %get3A_1819, %get3A_1823 : vector<16xf32>
      %add3A_1825 = arith.addf %add3A_1815, %mul3A_1824 : vector<16xf32>
      %get3A_1826 = arith.index_cast %add3A_1703 : i32 to index
      %get3A_1827 = arith.constant 192 : index
      %get3A_1828 = tpu.vector_load %arg7[%get3A_1826, %get3A_1827] {strides = array<i32>} : memref<128x256xf32, #tpu.memory_space<vmem>>, vector<1x16xf32>,
      %get3A_1829 = vector.shape_cast %get3A_1828 : vector<1x16xf32> to vector<16xf32>
      %get3A_1830 = arith.index_cast %add3A_1703 : i32 to index
      %get3A_1831 = arith.constant 192 : index
      %get3A_1832 = tpu.vector_load %arg8[%get3A_1830, %get3A_1831] {strides = array<i32>} : memref<128x256xf32, #tpu.memory_space<vmem>>, vector<1x16xf32>,
      %get3A_1833 = vector.shape_cast %get3A_1832 : vector<1x16xf32> to vector<16xf32>
      %mul3A_1834 = arith.mulf %get3A_1829, %get3A_1833 : vector<16xf32>
      %add3A_1835 = arith.addf %add3A_1825, %mul3A_1834 : vector<16xf32>
      %get3A_1836 = arith.index_cast %add3A_1703 : i32 to index
      %get3A_1837 = arith.constant 208 : index
      %get3A_1838 = tpu.vector_load %arg7[%get3A_1836, %get3A_1837] {strides = array<i32>} : memref<128x256xf32, #tpu.memory_space<vmem>>, vector<1x16xf32>,
      %get3A_1839 = vector.shape_cast %get3A_1838 : vector<1x16xf32> to vector<16xf32>
      %get3A_1840 = arith.index_cast %add3A_1703 : i32 to index
      %get3A_1841 = arith.constant 208 : index
      %get3A_1842 = tpu.vector_load %arg8[%get3A_1840, %get3A_1841] {strides = array<i32>} : memref<128x256xf32, #tpu.memory_space<vmem>>, vector<1x16xf32>,
      %get3A_1843 = vector.shape_cast %get3A_1842 : vector<1x16xf32> to vector<16xf32>
      %mul3A_1844 = arith.mulf %get3A_1839, %get3A_1843 : vector<16xf32>
      %add3A_1845 = arith.addf %add3A_1835, %mul3A_1844 : vector<16xf32>
      %get3A_1846 = arith.index_cast %add3A_1703 : i32 to index
      %get3A_1847 = arith.constant 224 : index
      %get3A_1848 = tpu.vector_load %arg7[%get3A_1846, %get3A_1847] {strides = array<i32>} : memref<128x256xf32, #tpu.memory_space<vmem>>, vector<1x16xf32>,
      %get3A_1849 = vector.shape_cast %get3A_1848 : vector<1x16xf32> to vector<16xf32>
      %get3A_1850 = arith.index_cast %add3A_1703 : i32 to index
      %get3A_1851 = arith.constant 224 : index
      %get3A_1852 = tpu.vector_load %arg8[%get3A_1850, %get3A_1851] {strides = array<i32>} : memref<128x256xf32, #tpu.memory_space<vmem>>, vector<1x16xf32>,
      %get3A_1853 = vector.shape_cast %get3A_1852 : vector<1x16xf32> to vector<16xf32>
      %mul3A_1854 = arith.mulf %get3A_1849, %get3A_1853 : vector<16xf32>
      %add3A_1855 = arith.addf %add3A_1845, %mul3A_1854 : vector<16xf32>
      %get3A_1856 = arith.index_cast %add3A_1703 : i32 to index
      %get3A_1857 = arith.constant 240 : index
      %get3A_1858 = tpu.vector_load %arg7[%get3A_1856, %get3A_1857] {strides = array<i32>} : memref<128x256xf32, #tpu.memory_space<vmem>>, vector<1x16xf32>,
      %get3A_1859 = vector.shape_cast %get3A_1858 : vector<1x16xf32> to vector<16xf32>
      %get3A_1860 = arith.index_cast %add3A_1703 : i32 to index
      %get3A_1861 = arith.constant 240 : index
      %get3A_1862 = tpu.vector_load %arg8[%get3A_1860, %get3A_1861] {strides = array<i32>} : memref<128x256xf32, #tpu.memory_space<vmem>>, vector<1x16xf32>,
      %get3A_1863 = vector.shape_cast %get3A_1862 : vector<1x16xf32> to vector<16xf32>
      %mul3A_1864 = arith.mulf %get3A_1859, %get3A_1863 : vector<16xf32>
      %add3A_1865 = arith.addf %add3A_1855, %mul3A_1864 : vector<16xf32>
      %swap3A_1866 = arith.index_cast %add3A_1703 : i32 to index
      %swap3A_1867 = arith.constant 0 : index
      %swap3A_1868 = tpu.vector_load %arg9[%swap3A_1866, %swap3A_1867] {strides = array<i32>} : memref<128x16xf32, #tpu.memory_space<vmem>>, vector<1x16xf32>,
      %swap3A_1869 = vector.shape_cast %swap3A_1868 : vector<1x16xf32> to vector<16xf32>
      %swap3A_1870 = vector.shape_cast %add3A_1865 : vector<16xf32> to vector<1x16xf32>
      tpu.vector_store %arg9[%swap3A_1866, %swap3A_1867], %swap3A_1870 {strides = array<i32>} : memref<128x16xf32, #tpu.memory_space<vmem>>, vector<1x16xf32>,
      %add3A_1871 = arith.constant 11 : i32
      %add3A_1872 = arith.addi %mul3A_14, %add3A_1871 : i32
      %broadcast_in_dim3A_1873 = arith.constant 0.000000e+00 : f32
      %broadcast_in_dim3A_1874 = vector.broadcast %broadcast_in_dim3A_1873 : f32 to vector<16xf32>
      %get3A_1875 = arith.index_cast %add3A_1872 : i32 to index
      %get3A_1876 = arith.constant 0 : index
      %get3A_1877 = tpu.vector_load %arg7[%get3A_1875, %get3A_1876] {strides = array<i32>} : memref<128x256xf32, #tpu.memory_space<vmem>>, vector<1x16xf32>,
      %get3A_1878 = vector.shape_cast %get3A_1877 : vector<1x16xf32> to vector<16xf32>
      %get3A_1879 = arith.index_cast %add3A_1872 : i32 to index
      %get3A_1880 = arith.constant 0 : index
      %get3A_1881 = tpu.vector_load %arg8[%get3A_1879, %get3A_1880] {strides = array<i32>} : memref<128x256xf32, #tpu.memory_space<vmem>>, vector<1x16xf32>,
      %get3A_1882 = vector.shape_cast %get3A_1881 : vector<1x16xf32> to vector<16xf32>
      %mul3A_1883 = arith.mulf %get3A_1878, %get3A_1882 : vector<16xf32>
      %add3A_1884 = arith.addf %broadcast_in_dim3A_1874, %mul3A_1883 : vector<16xf32>
      %get3A_1885 = arith.index_cast %add3A_1872 : i32 to index
      %get3A_1886 = arith.constant 16 : index
      %get3A_1887 = tpu.vector_load %arg7[%get3A_1885, %get3A_1886] {strides = array<i32>} : memref<128x256xf32, #tpu.memory_space<vmem>>, vector<1x16xf32>,
      %get3A_1888 = vector.shape_cast %get3A_1887 : vector<1x16xf32> to vector<16xf32>
      %get3A_1889 = arith.index_cast %add3A_1872 : i32 to index
      %get3A_1890 = arith.constant 16 : index
      %get3A_1891 = tpu.vector_load %arg8[%get3A_1889, %get3A_1890] {strides = array<i32>} : memref<128x256xf32, #tpu.memory_space<vmem>>, vector<1x16xf32>,
      %get3A_1892 = vector.shape_cast %get3A_1891 : vector<1x16xf32> to vector<16xf32>
      %mul3A_1893 = arith.mulf %get3A_1888, %get3A_1892 : vector<16xf32>
      %add3A_1894 = arith.addf %add3A_1884, %mul3A_1893 : vector<16xf32>
      %get3A_1895 = arith.index_cast %add3A_1872 : i32 to index
      %get3A_1896 = arith.constant 32 : index
      %get3A_1897 = tpu.vector_load %arg7[%get3A_1895, %get3A_1896] {strides = array<i32>} : memref<128x256xf32, #tpu.memory_space<vmem>>, vector<1x16xf32>,
      %get3A_1898 = vector.shape_cast %get3A_1897 : vector<1x16xf32> to vector<16xf32>
      %get3A_1899 = arith.index_cast %add3A_1872 : i32 to index
      %get3A_1900 = arith.constant 32 : index
      %get3A_1901 = tpu.vector_load %arg8[%get3A_1899, %get3A_1900] {strides = array<i32>} : memref<128x256xf32, #tpu.memory_space<vmem>>, vector<1x16xf32>,
      %get3A_1902 = vector.shape_cast %get3A_1901 : vector<1x16xf32> to vector<16xf32>
      %mul3A_1903 = arith.mulf %get3A_1898, %get3A_1902 : vector<16xf32>
      %add3A_1904 = arith.addf %add3A_1894, %mul3A_1903 : vector<16xf32>
      %get3A_1905 = arith.index_cast %add3A_1872 : i32 to index
      %get3A_1906 = arith.constant 48 : index
      %get3A_1907 = tpu.vector_load %arg7[%get3A_1905, %get3A_1906] {strides = array<i32>} : memref<128x256xf32, #tpu.memory_space<vmem>>, vector<1x16xf32>,
      %get3A_1908 = vector.shape_cast %get3A_1907 : vector<1x16xf32> to vector<16xf32>
      %get3A_1909 = arith.index_cast %add3A_1872 : i32 to index
      %get3A_1910 = arith.constant 48 : index
      %get3A_1911 = tpu.vector_load %arg8[%get3A_1909, %get3A_1910] {strides = array<i32>} : memref<128x256xf32, #tpu.memory_space<vmem>>, vector<1x16xf32>,
      %get3A_1912 = vector.shape_cast %get3A_1911 : vector<1x16xf32> to vector<16xf32>
      %mul3A_1913 = arith.mulf %get3A_1908, %get3A_1912 : vector<16xf32>
      %add3A_1914 = arith.addf %add3A_1904, %mul3A_1913 : vector<16xf32>
      %get3A_1915 = arith.index_cast %add3A_1872 : i32 to index
      %get3A_1916 = arith.constant 64 : index
      %get3A_1917 = tpu.vector_load %arg7[%get3A_1915, %get3A_1916] {strides = array<i32>} : memref<128x256xf32, #tpu.memory_space<vmem>>, vector<1x16xf32>,
      %get3A_1918 = vector.shape_cast %get3A_1917 : vector<1x16xf32> to vector<16xf32>
      %get3A_1919 = arith.index_cast %add3A_1872 : i32 to index
      %get3A_1920 = arith.constant 64 : index
      %get3A_1921 = tpu.vector_load %arg8[%get3A_1919, %get3A_1920] {strides = array<i32>} : memref<128x256xf32, #tpu.memory_space<vmem>>, vector<1x16xf32>,
      %get3A_1922 = vector.shape_cast %get3A_1921 : vector<1x16xf32> to vector<16xf32>
      %mul3A_1923 = arith.mulf %get3A_1918, %get3A_1922 : vector<16xf32>
      %add3A_1924 = arith.addf %add3A_1914, %mul3A_1923 : vector<16xf32>
      %get3A_1925 = arith.index_cast %add3A_1872 : i32 to index
      %get3A_1926 = arith.constant 80 : index
      %get3A_1927 = tpu.vector_load %arg7[%get3A_1925, %get3A_1926] {strides = array<i32>} : memref<128x256xf32, #tpu.memory_space<vmem>>, vector<1x16xf32>,
      %get3A_1928 = vector.shape_cast %get3A_1927 : vector<1x16xf32> to vector<16xf32>
      %get3A_1929 = arith.index_cast %add3A_1872 : i32 to index
      %get3A_1930 = arith.constant 80 : index
      %get3A_1931 = tpu.vector_load %arg8[%get3A_1929, %get3A_1930] {strides = array<i32>} : memref<128x256xf32, #tpu.memory_space<vmem>>, vector<1x16xf32>,
      %get3A_1932 = vector.shape_cast %get3A_1931 : vector<1x16xf32> to vector<16xf32>
      %mul3A_1933 = arith.mulf %get3A_1928, %get3A_1932 : vector<16xf32>
      %add3A_1934 = arith.addf %add3A_1924, %mul3A_1933 : vector<16xf32>
      %get3A_1935 = arith.index_cast %add3A_1872 : i32 to index
      %get3A_1936 = arith.constant 96 : index
      %get3A_1937 = tpu.vector_load %arg7[%get3A_1935, %get3A_1936] {strides = array<i32>} : memref<128x256xf32, #tpu.memory_space<vmem>>, vector<1x16xf32>,
      %get3A_1938 = vector.shape_cast %get3A_1937 : vector<1x16xf32> to vector<16xf32>
      %get3A_1939 = arith.index_cast %add3A_1872 : i32 to index
      %get3A_1940 = arith.constant 96 : index
      %get3A_1941 = tpu.vector_load %arg8[%get3A_1939, %get3A_1940] {strides = array<i32>} : memref<128x256xf32, #tpu.memory_space<vmem>>, vector<1x16xf32>,
      %get3A_1942 = vector.shape_cast %get3A_1941 : vector<1x16xf32> to vector<16xf32>
      %mul3A_1943 = arith.mulf %get3A_1938, %get3A_1942 : vector<16xf32>
      %add3A_1944 = arith.addf %add3A_1934, %mul3A_1943 : vector<16xf32>
      %get3A_1945 = arith.index_cast %add3A_1872 : i32 to index
      %get3A_1946 = arith.constant 112 : index
      %get3A_1947 = tpu.vector_load %arg7[%get3A_1945, %get3A_1946] {strides = array<i32>} : memref<128x256xf32, #tpu.memory_space<vmem>>, vector<1x16xf32>,
      %get3A_1948 = vector.shape_cast %get3A_1947 : vector<1x16xf32> to vector<16xf32>
      %get3A_1949 = arith.index_cast %add3A_1872 : i32 to index
      %get3A_1950 = arith.constant 112 : index
      %get3A_1951 = tpu.vector_load %arg8[%get3A_1949, %get3A_1950] {strides = array<i32>} : memref<128x256xf32, #tpu.memory_space<vmem>>, vector<1x16xf32>,
      %get3A_1952 = vector.shape_cast %get3A_1951 : vector<1x16xf32> to vector<16xf32>
      %mul3A_1953 = arith.mulf %get3A_1948, %get3A_1952 : vector<16xf32>
      %add3A_1954 = arith.addf %add3A_1944, %mul3A_1953 : vector<16xf32>
      %get3A_1955 = arith.index_cast %add3A_1872 : i32 to index
      %get3A_1956 = arith.constant 128 : index
      %get3A_1957 = tpu.vector_load %arg7[%get3A_1955, %get3A_1956] {strides = array<i32>} : memref<128x256xf32, #tpu.memory_space<vmem>>, vector<1x16xf32>,
      %get3A_1958 = vector.shape_cast %get3A_1957 : vector<1x16xf32> to vector<16xf32>
      %get3A_1959 = arith.index_cast %add3A_1872 : i32 to index
      %get3A_1960 = arith.constant 128 : index
      %get3A_1961 = tpu.vector_load %arg8[%get3A_1959, %get3A_1960] {strides = array<i32>} : memref<128x256xf32, #tpu.memory_space<vmem>>, vector<1x16xf32>,
      %get3A_1962 = vector.shape_cast %get3A_1961 : vector<1x16xf32> to vector<16xf32>
      %mul3A_1963 = arith.mulf %get3A_1958, %get3A_1962 : vector<16xf32>
      %add3A_1964 = arith.addf %add3A_1954, %mul3A_1963 : vector<16xf32>
      %get3A_1965 = arith.index_cast %add3A_1872 : i32 to index
      %get3A_1966 = arith.constant 144 : index
      %get3A_1967 = tpu.vector_load %arg7[%get3A_1965, %get3A_1966] {strides = array<i32>} : memref<128x256xf32, #tpu.memory_space<vmem>>, vector<1x16xf32>,
      %get3A_1968 = vector.shape_cast %get3A_1967 : vector<1x16xf32> to vector<16xf32>
      %get3A_1969 = arith.index_cast %add3A_1872 : i32 to index
      %get3A_1970 = arith.constant 144 : index
      %get3A_1971 = tpu.vector_load %arg8[%get3A_1969, %get3A_1970] {strides = array<i32>} : memref<128x256xf32, #tpu.memory_space<vmem>>, vector<1x16xf32>,
      %get3A_1972 = vector.shape_cast %get3A_1971 : vector<1x16xf32> to vector<16xf32>
      %mul3A_1973 = arith.mulf %get3A_1968, %get3A_1972 : vector<16xf32>
      %add3A_1974 = arith.addf %add3A_1964, %mul3A_1973 : vector<16xf32>
      %get3A_1975 = arith.index_cast %add3A_1872 : i32 to index
      %get3A_1976 = arith.constant 160 : index
      %get3A_1977 = tpu.vector_load %arg7[%get3A_1975, %get3A_1976] {strides = array<i32>} : memref<128x256xf32, #tpu.memory_space<vmem>>, vector<1x16xf32>,
      %get3A_1978 = vector.shape_cast %get3A_1977 : vector<1x16xf32> to vector<16xf32>
      %get3A_1979 = arith.index_cast %add3A_1872 : i32 to index
      %get3A_1980 = arith.constant 160 : index
      %get3A_1981 = tpu.vector_load %arg8[%get3A_1979, %get3A_1980] {strides = array<i32>} : memref<128x256xf32, #tpu.memory_space<vmem>>, vector<1x16xf32>,
      %get3A_1982 = vector.shape_cast %get3A_1981 : vector<1x16xf32> to vector<16xf32>
      %mul3A_1983 = arith.mulf %get3A_1978, %get3A_1982 : vector<16xf32>
      %add3A_1984 = arith.addf %add3A_1974, %mul3A_1983 : vector<16xf32>
      %get3A_1985 = arith.index_cast %add3A_1872 : i32 to index
      %get3A_1986 = arith.constant 176 : index
      %get3A_1987 = tpu.vector_load %arg7[%get3A_1985, %get3A_1986] {strides = array<i32>} : memref<128x256xf32, #tpu.memory_space<vmem>>, vector<1x16xf32>,
      %get3A_1988 = vector.shape_cast %get3A_1987 : vector<1x16xf32> to vector<16xf32>
      %get3A_1989 = arith.index_cast %add3A_1872 : i32 to index
      %get3A_1990 = arith.constant 176 : index
      %get3A_1991 = tpu.vector_load %arg8[%get3A_1989, %get3A_1990] {strides = array<i32>} : memref<128x256xf32, #tpu.memory_space<vmem>>, vector<1x16xf32>,
      %get3A_1992 = vector.shape_cast %get3A_1991 : vector<1x16xf32> to vector<16xf32>
      %mul3A_1993 = arith.mulf %get3A_1988, %get3A_1992 : vector<16xf32>
      %add3A_1994 = arith.addf %add3A_1984, %mul3A_1993 : vector<16xf32>
      %get3A_1995 = arith.index_cast %add3A_1872 : i32 to index
      %get3A_1996 = arith.constant 192 : index
      %get3A_1997 = tpu.vector_load %arg7[%get3A_1995, %get3A_1996] {strides = array<i32>} : memref<128x256xf32, #tpu.memory_space<vmem>>, vector<1x16xf32>,
      %get3A_1998 = vector.shape_cast %get3A_1997 : vector<1x16xf32> to vector<16xf32>
      %get3A_1999 = arith.index_cast %add3A_1872 : i32 to index
      %get3A_2000 = arith.constant 192 : index
      %get3A_2001 = tpu.vector_load %arg8[%get3A_1999, %get3A_2000] {strides = array<i32>} : memref<128x256xf32, #tpu.memory_space<vmem>>, vector<1x16xf32>,
      %get3A_2002 = vector.shape_cast %get3A_2001 : vector<1x16xf32> to vector<16xf32>
      %mul3A_2003 = arith.mulf %get3A_1998, %get3A_2002 : vector<16xf32>
      %add3A_2004 = arith.addf %add3A_1994, %mul3A_2003 : vector<16xf32>
      %get3A_2005 = arith.index_cast %add3A_1872 : i32 to index
      %get3A_2006 = arith.constant 208 : index
      %get3A_2007 = tpu.vector_load %arg7[%get3A_2005, %get3A_2006] {strides = array<i32>} : memref<128x256xf32, #tpu.memory_space<vmem>>, vector<1x16xf32>,
      %get3A_2008 = vector.shape_cast %get3A_2007 : vector<1x16xf32> to vector<16xf32>
      %get3A_2009 = arith.index_cast %add3A_1872 : i32 to index
      %get3A_2010 = arith.constant 208 : index
      %get3A_2011 = tpu.vector_load %arg8[%get3A_2009, %get3A_2010] {strides = array<i32>} : memref<128x256xf32, #tpu.memory_space<vmem>>, vector<1x16xf32>,
      %get3A_2012 = vector.shape_cast %get3A_2011 : vector<1x16xf32> to vector<16xf32>
      %mul3A_2013 = arith.mulf %get3A_2008, %get3A_2012 : vector<16xf32>
      %add3A_2014 = arith.addf %add3A_2004, %mul3A_2013 : vector<16xf32>
      %get3A_2015 = arith.index_cast %add3A_1872 : i32 to index
      %get3A_2016 = arith.constant 224 : index
      %get3A_2017 = tpu.vector_load %arg7[%get3A_2015, %get3A_2016] {strides = array<i32>} : memref<128x256xf32, #tpu.memory_space<vmem>>, vector<1x16xf32>,
      %get3A_2018 = vector.shape_cast %get3A_2017 : vector<1x16xf32> to vector<16xf32>
      %get3A_2019 = arith.index_cast %add3A_1872 : i32 to index
      %get3A_2020 = arith.constant 224 : index
      %get3A_2021 = tpu.vector_load %arg8[%get3A_2019, %get3A_2020] {strides = array<i32>} : memref<128x256xf32, #tpu.memory_space<vmem>>, vector<1x16xf32>,
      %get3A_2022 = vector.shape_cast %get3A_2021 : vector<1x16xf32> to vector<16xf32>
      %mul3A_2023 = arith.mulf %get3A_2018, %get3A_2022 : vector<16xf32>
      %add3A_2024 = arith.addf %add3A_2014, %mul3A_2023 : vector<16xf32>
      %get3A_2025 = arith.index_cast %add3A_1872 : i32 to index
      %get3A_2026 = arith.constant 240 : index
      %get3A_2027 = tpu.vector_load %arg7[%get3A_2025, %get3A_2026] {strides = array<i32>} : memref<128x256xf32, #tpu.memory_space<vmem>>, vector<1x16xf32>,
      %get3A_2028 = vector.shape_cast %get3A_2027 : vector<1x16xf32> to vector<16xf32>
      %get3A_2029 = arith.index_cast %add3A_1872 : i32 to index
      %get3A_2030 = arith.constant 240 : index
      %get3A_2031 = tpu.vector_load %arg8[%get3A_2029, %get3A_2030] {strides = array<i32>} : memref<128x256xf32, #tpu.memory_space<vmem>>, vector<1x16xf32>,
      %get3A_2032 = vector.shape_cast %get3A_2031 : vector<1x16xf32> to vector<16xf32>
      %mul3A_2033 = arith.mulf %get3A_2028, %get3A_2032 : vector<16xf32>
      %add3A_2034 = arith.addf %add3A_2024, %mul3A_2033 : vector<16xf32>
      %swap3A_2035 = arith.index_cast %add3A_1872 : i32 to index
      %swap3A_2036 = arith.constant 0 : index
      %swap3A_2037 = tpu.vector_load %arg9[%swap3A_2035, %swap3A_2036] {strides = array<i32>} : memref<128x16xf32, #tpu.memory_space<vmem>>, vector<1x16xf32>,
      %swap3A_2038 = vector.shape_cast %swap3A_2037 : vector<1x16xf32> to vector<16xf32>
      %swap3A_2039 = vector.shape_cast %add3A_2034 : vector<16xf32> to vector<1x16xf32>
      tpu.vector_store %arg9[%swap3A_2035, %swap3A_2036], %swap3A_2039 {strides = array<i32>} : memref<128x16xf32, #tpu.memory_space<vmem>>, vector<1x16xf32>,
      %add3A_2040 = arith.constant 12 : i32
      %add3A_2041 = arith.addi %mul3A_14, %add3A_2040 : i32
      %broadcast_in_dim3A_2042 = arith.constant 0.000000e+00 : f32
      %broadcast_in_dim3A_2043 = vector.broadcast %broadcast_in_dim3A_2042 : f32 to vector<16xf32>
      %get3A_2044 = arith.index_cast %add3A_2041 : i32 to index
      %get3A_2045 = arith.constant 0 : index
      %get3A_2046 = tpu.vector_load %arg7[%get3A_2044, %get3A_2045] {strides = array<i32>} : memref<128x256xf32, #tpu.memory_space<vmem>>, vector<1x16xf32>,
      %get3A_2047 = vector.shape_cast %get3A_2046 : vector<1x16xf32> to vector<16xf32>
      %get3A_2048 = arith.index_cast %add3A_2041 : i32 to index
      %get3A_2049 = arith.constant 0 : index
      %get3A_2050 = tpu.vector_load %arg8[%get3A_2048, %get3A_2049] {strides = array<i32>} : memref<128x256xf32, #tpu.memory_space<vmem>>, vector<1x16xf32>,
      %get3A_2051 = vector.shape_cast %get3A_2050 : vector<1x16xf32> to vector<16xf32>
      %mul3A_2052 = arith.mulf %get3A_2047, %get3A_2051 : vector<16xf32>
      %add3A_2053 = arith.addf %broadcast_in_dim3A_2043, %mul3A_2052 : vector<16xf32>
      %get3A_2054 = arith.index_cast %add3A_2041 : i32 to index
      %get3A_2055 = arith.constant 16 : index
      %get3A_2056 = tpu.vector_load %arg7[%get3A_2054, %get3A_2055] {strides = array<i32>} : memref<128x256xf32, #tpu.memory_space<vmem>>, vector<1x16xf32>,
      %get3A_2057 = vector.shape_cast %get3A_2056 : vector<1x16xf32> to vector<16xf32>
      %get3A_2058 = arith.index_cast %add3A_2041 : i32 to index
      %get3A_2059 = arith.constant 16 : index
      %get3A_2060 = tpu.vector_load %arg8[%get3A_2058, %get3A_2059] {strides = array<i32>} : memref<128x256xf32, #tpu.memory_space<vmem>>, vector<1x16xf32>,
      %get3A_2061 = vector.shape_cast %get3A_2060 : vector<1x16xf32> to vector<16xf32>
      %mul3A_2062 = arith.mulf %get3A_2057, %get3A_2061 : vector<16xf32>
      %add3A_2063 = arith.addf %add3A_2053, %mul3A_2062 : vector<16xf32>
      %get3A_2064 = arith.index_cast %add3A_2041 : i32 to index
      %get3A_2065 = arith.constant 32 : index
      %get3A_2066 = tpu.vector_load %arg7[%get3A_2064, %get3A_2065] {strides = array<i32>} : memref<128x256xf32, #tpu.memory_space<vmem>>, vector<1x16xf32>,
      %get3A_2067 = vector.shape_cast %get3A_2066 : vector<1x16xf32> to vector<16xf32>
      %get3A_2068 = arith.index_cast %add3A_2041 : i32 to index
      %get3A_2069 = arith.constant 32 : index
      %get3A_2070 = tpu.vector_load %arg8[%get3A_2068, %get3A_2069] {strides = array<i32>} : memref<128x256xf32, #tpu.memory_space<vmem>>, vector<1x16xf32>,
      %get3A_2071 = vector.shape_cast %get3A_2070 : vector<1x16xf32> to vector<16xf32>
      %mul3A_2072 = arith.mulf %get3A_2067, %get3A_2071 : vector<16xf32>
      %add3A_2073 = arith.addf %add3A_2063, %mul3A_2072 : vector<16xf32>
      %get3A_2074 = arith.index_cast %add3A_2041 : i32 to index
      %get3A_2075 = arith.constant 48 : index
      %get3A_2076 = tpu.vector_load %arg7[%get3A_2074, %get3A_2075] {strides = array<i32>} : memref<128x256xf32, #tpu.memory_space<vmem>>, vector<1x16xf32>,
      %get3A_2077 = vector.shape_cast %get3A_2076 : vector<1x16xf32> to vector<16xf32>
      %get3A_2078 = arith.index_cast %add3A_2041 : i32 to index
      %get3A_2079 = arith.constant 48 : index
      %get3A_2080 = tpu.vector_load %arg8[%get3A_2078, %get3A_2079] {strides = array<i32>} : memref<128x256xf32, #tpu.memory_space<vmem>>, vector<1x16xf32>,
      %get3A_2081 = vector.shape_cast %get3A_2080 : vector<1x16xf32> to vector<16xf32>
      %mul3A_2082 = arith.mulf %get3A_2077, %get3A_2081 : vector<16xf32>
      %add3A_2083 = arith.addf %add3A_2073, %mul3A_2082 : vector<16xf32>
      %get3A_2084 = arith.index_cast %add3A_2041 : i32 to index
      %get3A_2085 = arith.constant 64 : index
      %get3A_2086 = tpu.vector_load %arg7[%get3A_2084, %get3A_2085] {strides = array<i32>} : memref<128x256xf32, #tpu.memory_space<vmem>>, vector<1x16xf32>,
      %get3A_2087 = vector.shape_cast %get3A_2086 : vector<1x16xf32> to vector<16xf32>
      %get3A_2088 = arith.index_cast %add3A_2041 : i32 to index
      %get3A_2089 = arith.constant 64 : index
      %get3A_2090 = tpu.vector_load %arg8[%get3A_2088, %get3A_2089] {strides = array<i32>} : memref<128x256xf32, #tpu.memory_space<vmem>>, vector<1x16xf32>,
      %get3A_2091 = vector.shape_cast %get3A_2090 : vector<1x16xf32> to vector<16xf32>
      %mul3A_2092 = arith.mulf %get3A_2087, %get3A_2091 : vector<16xf32>
      %add3A_2093 = arith.addf %add3A_2083, %mul3A_2092 : vector<16xf32>
      %get3A_2094 = arith.index_cast %add3A_2041 : i32 to index
      %get3A_2095 = arith.constant 80 : index
      %get3A_2096 = tpu.vector_load %arg7[%get3A_2094, %get3A_2095] {strides = array<i32>} : memref<128x256xf32, #tpu.memory_space<vmem>>, vector<1x16xf32>,
      %get3A_2097 = vector.shape_cast %get3A_2096 : vector<1x16xf32> to vector<16xf32>
      %get3A_2098 = arith.index_cast %add3A_2041 : i32 to index
      %get3A_2099 = arith.constant 80 : index
      %get3A_2100 = tpu.vector_load %arg8[%get3A_2098, %get3A_2099] {strides = array<i32>} : memref<128x256xf32, #tpu.memory_space<vmem>>, vector<1x16xf32>,
      %get3A_2101 = vector.shape_cast %get3A_2100 : vector<1x16xf32> to vector<16xf32>
      %mul3A_2102 = arith.mulf %get3A_2097, %get3A_2101 : vector<16xf32>
      %add3A_2103 = arith.addf %add3A_2093, %mul3A_2102 : vector<16xf32>
      %get3A_2104 = arith.index_cast %add3A_2041 : i32 to index
      %get3A_2105 = arith.constant 96 : index
      %get3A_2106 = tpu.vector_load %arg7[%get3A_2104, %get3A_2105] {strides = array<i32>} : memref<128x256xf32, #tpu.memory_space<vmem>>, vector<1x16xf32>,
      %get3A_2107 = vector.shape_cast %get3A_2106 : vector<1x16xf32> to vector<16xf32>
      %get3A_2108 = arith.index_cast %add3A_2041 : i32 to index
      %get3A_2109 = arith.constant 96 : index
      %get3A_2110 = tpu.vector_load %arg8[%get3A_2108, %get3A_2109] {strides = array<i32>} : memref<128x256xf32, #tpu.memory_space<vmem>>, vector<1x16xf32>,
      %get3A_2111 = vector.shape_cast %get3A_2110 : vector<1x16xf32> to vector<16xf32>
      %mul3A_2112 = arith.mulf %get3A_2107, %get3A_2111 : vector<16xf32>
      %add3A_2113 = arith.addf %add3A_2103, %mul3A_2112 : vector<16xf32>
      %get3A_2114 = arith.index_cast %add3A_2041 : i32 to index
      %get3A_2115 = arith.constant 112 : index
      %get3A_2116 = tpu.vector_load %arg7[%get3A_2114, %get3A_2115] {strides = array<i32>} : memref<128x256xf32, #tpu.memory_space<vmem>>, vector<1x16xf32>,
      %get3A_2117 = vector.shape_cast %get3A_2116 : vector<1x16xf32> to vector<16xf32>
      %get3A_2118 = arith.index_cast %add3A_2041 : i32 to index
      %get3A_2119 = arith.constant 112 : index
      %get3A_2120 = tpu.vector_load %arg8[%get3A_2118, %get3A_2119] {strides = array<i32>} : memref<128x256xf32, #tpu.memory_space<vmem>>, vector<1x16xf32>,
      %get3A_2121 = vector.shape_cast %get3A_2120 : vector<1x16xf32> to vector<16xf32>
      %mul3A_2122 = arith.mulf %get3A_2117, %get3A_2121 : vector<16xf32>
      %add3A_2123 = arith.addf %add3A_2113, %mul3A_2122 : vector<16xf32>
      %get3A_2124 = arith.index_cast %add3A_2041 : i32 to index
      %get3A_2125 = arith.constant 128 : index
      %get3A_2126 = tpu.vector_load %arg7[%get3A_2124, %get3A_2125] {strides = array<i32>} : memref<128x256xf32, #tpu.memory_space<vmem>>, vector<1x16xf32>,
      %get3A_2127 = vector.shape_cast %get3A_2126 : vector<1x16xf32> to vector<16xf32>
      %get3A_2128 = arith.index_cast %add3A_2041 : i32 to index
      %get3A_2129 = arith.constant 128 : index
      %get3A_2130 = tpu.vector_load %arg8[%get3A_2128, %get3A_2129] {strides = array<i32>} : memref<128x256xf32, #tpu.memory_space<vmem>>, vector<1x16xf32>,
      %get3A_2131 = vector.shape_cast %get3A_2130 : vector<1x16xf32> to vector<16xf32>
      %mul3A_2132 = arith.mulf %get3A_2127, %get3A_2131 : vector<16xf32>
      %add3A_2133 = arith.addf %add3A_2123, %mul3A_2132 : vector<16xf32>
      %get3A_2134 = arith.index_cast %add3A_2041 : i32 to index
      %get3A_2135 = arith.constant 144 : index
      %get3A_2136 = tpu.vector_load %arg7[%get3A_2134, %get3A_2135] {strides = array<i32>} : memref<128x256xf32, #tpu.memory_space<vmem>>, vector<1x16xf32>,
      %get3A_2137 = vector.shape_cast %get3A_2136 : vector<1x16xf32> to vector<16xf32>
      %get3A_2138 = arith.index_cast %add3A_2041 : i32 to index
      %get3A_2139 = arith.constant 144 : index
      %get3A_2140 = tpu.vector_load %arg8[%get3A_2138, %get3A_2139] {strides = array<i32>} : memref<128x256xf32, #tpu.memory_space<vmem>>, vector<1x16xf32>,
      %get3A_2141 = vector.shape_cast %get3A_2140 : vector<1x16xf32> to vector<16xf32>
      %mul3A_2142 = arith.mulf %get3A_2137, %get3A_2141 : vector<16xf32>
      %add3A_2143 = arith.addf %add3A_2133, %mul3A_2142 : vector<16xf32>
      %get3A_2144 = arith.index_cast %add3A_2041 : i32 to index
      %get3A_2145 = arith.constant 160 : index
      %get3A_2146 = tpu.vector_load %arg7[%get3A_2144, %get3A_2145] {strides = array<i32>} : memref<128x256xf32, #tpu.memory_space<vmem>>, vector<1x16xf32>,
      %get3A_2147 = vector.shape_cast %get3A_2146 : vector<1x16xf32> to vector<16xf32>
      %get3A_2148 = arith.index_cast %add3A_2041 : i32 to index
      %get3A_2149 = arith.constant 160 : index
      %get3A_2150 = tpu.vector_load %arg8[%get3A_2148, %get3A_2149] {strides = array<i32>} : memref<128x256xf32, #tpu.memory_space<vmem>>, vector<1x16xf32>,
      %get3A_2151 = vector.shape_cast %get3A_2150 : vector<1x16xf32> to vector<16xf32>
      %mul3A_2152 = arith.mulf %get3A_2147, %get3A_2151 : vector<16xf32>
      %add3A_2153 = arith.addf %add3A_2143, %mul3A_2152 : vector<16xf32>
      %get3A_2154 = arith.index_cast %add3A_2041 : i32 to index
      %get3A_2155 = arith.constant 176 : index
      %get3A_2156 = tpu.vector_load %arg7[%get3A_2154, %get3A_2155] {strides = array<i32>} : memref<128x256xf32, #tpu.memory_space<vmem>>, vector<1x16xf32>,
      %get3A_2157 = vector.shape_cast %get3A_2156 : vector<1x16xf32> to vector<16xf32>
      %get3A_2158 = arith.index_cast %add3A_2041 : i32 to index
      %get3A_2159 = arith.constant 176 : index
      %get3A_2160 = tpu.vector_load %arg8[%get3A_2158, %get3A_2159] {strides = array<i32>} : memref<128x256xf32, #tpu.memory_space<vmem>>, vector<1x16xf32>,
      %get3A_2161 = vector.shape_cast %get3A_2160 : vector<1x16xf32> to vector<16xf32>
      %mul3A_2162 = arith.mulf %get3A_2157, %get3A_2161 : vector<16xf32>
      %add3A_2163 = arith.addf %add3A_2153, %mul3A_2162 : vector<16xf32>
      %get3A_2164 = arith.index_cast %add3A_2041 : i32 to index
      %get3A_2165 = arith.constant 192 : index
      %get3A_2166 = tpu.vector_load %arg7[%get3A_2164, %get3A_2165] {strides = array<i32>} : memref<128x256xf32, #tpu.memory_space<vmem>>, vector<1x16xf32>,
      %get3A_2167 = vector.shape_cast %get3A_2166 : vector<1x16xf32> to vector<16xf32>
      %get3A_2168 = arith.index_cast %add3A_2041 : i32 to index
      %get3A_2169 = arith.constant 192 : index
      %get3A_2170 = tpu.vector_load %arg8[%get3A_2168, %get3A_2169] {strides = array<i32>} : memref<128x256xf32, #tpu.memory_space<vmem>>, vector<1x16xf32>,
      %get3A_2171 = vector.shape_cast %get3A_2170 : vector<1x16xf32> to vector<16xf32>
      %mul3A_2172 = arith.mulf %get3A_2167, %get3A_2171 : vector<16xf32>
      %add3A_2173 = arith.addf %add3A_2163, %mul3A_2172 : vector<16xf32>
      %get3A_2174 = arith.index_cast %add3A_2041 : i32 to index
      %get3A_2175 = arith.constant 208 : index
      %get3A_2176 = tpu.vector_load %arg7[%get3A_2174, %get3A_2175] {strides = array<i32>} : memref<128x256xf32, #tpu.memory_space<vmem>>, vector<1x16xf32>,
      %get3A_2177 = vector.shape_cast %get3A_2176 : vector<1x16xf32> to vector<16xf32>
      %get3A_2178 = arith.index_cast %add3A_2041 : i32 to index
      %get3A_2179 = arith.constant 208 : index
      %get3A_2180 = tpu.vector_load %arg8[%get3A_2178, %get3A_2179] {strides = array<i32>} : memref<128x256xf32, #tpu.memory_space<vmem>>, vector<1x16xf32>,
      %get3A_2181 = vector.shape_cast %get3A_2180 : vector<1x16xf32> to vector<16xf32>
      %mul3A_2182 = arith.mulf %get3A_2177, %get3A_2181 : vector<16xf32>
      %add3A_2183 = arith.addf %add3A_2173, %mul3A_2182 : vector<16xf32>
      %get3A_2184 = arith.index_cast %add3A_2041 : i32 to index
      %get3A_2185 = arith.constant 224 : index
      %get3A_2186 = tpu.vector_load %arg7[%get3A_2184, %get3A_2185] {strides = array<i32>} : memref<128x256xf32, #tpu.memory_space<vmem>>, vector<1x16xf32>,
      %get3A_2187 = vector.shape_cast %get3A_2186 : vector<1x16xf32> to vector<16xf32>
      %get3A_2188 = arith.index_cast %add3A_2041 : i32 to index
      %get3A_2189 = arith.constant 224 : index
      %get3A_2190 = tpu.vector_load %arg8[%get3A_2188, %get3A_2189] {strides = array<i32>} : memref<128x256xf32, #tpu.memory_space<vmem>>, vector<1x16xf32>,
      %get3A_2191 = vector.shape_cast %get3A_2190 : vector<1x16xf32> to vector<16xf32>
      %mul3A_2192 = arith.mulf %get3A_2187, %get3A_2191 : vector<16xf32>
      %add3A_2193 = arith.addf %add3A_2183, %mul3A_2192 : vector<16xf32>
      %get3A_2194 = arith.index_cast %add3A_2041 : i32 to index
      %get3A_2195 = arith.constant 240 : index
      %get3A_2196 = tpu.vector_load %arg7[%get3A_2194, %get3A_2195] {strides = array<i32>} : memref<128x256xf32, #tpu.memory_space<vmem>>, vector<1x16xf32>,
      %get3A_2197 = vector.shape_cast %get3A_2196 : vector<1x16xf32> to vector<16xf32>
      %get3A_2198 = arith.index_cast %add3A_2041 : i32 to index
      %get3A_2199 = arith.constant 240 : index
      %get3A_2200 = tpu.vector_load %arg8[%get3A_2198, %get3A_2199] {strides = array<i32>} : memref<128x256xf32, #tpu.memory_space<vmem>>, vector<1x16xf32>,
      %get3A_2201 = vector.shape_cast %get3A_2200 : vector<1x16xf32> to vector<16xf32>
      %mul3A_2202 = arith.mulf %get3A_2197, %get3A_2201 : vector<16xf32>
      %add3A_2203 = arith.addf %add3A_2193, %mul3A_2202 : vector<16xf32>
      %swap3A_2204 = arith.index_cast %add3A_2041 : i32 to index
      %swap3A_2205 = arith.constant 0 : index
      %swap3A_2206 = tpu.vector_load %arg9[%swap3A_2204, %swap3A_2205] {strides = array<i32>} : memref<128x16xf32, #tpu.memory_space<vmem>>, vector<1x16xf32>,
      %swap3A_2207 = vector.shape_cast %swap3A_2206 : vector<1x16xf32> to vector<16xf32>
      %swap3A_2208 = vector.shape_cast %add3A_2203 : vector<16xf32> to vector<1x16xf32>
      tpu.vector_store %arg9[%swap3A_2204, %swap3A_2205], %swap3A_2208 {strides = array<i32>} : memref<128x16xf32, #tpu.memory_space<vmem>>, vector<1x16xf32>,
      %add3A_2209 = arith.constant 13 : i32
      %add3A_2210 = arith.addi %mul3A_14, %add3A_2209 : i32
      %broadcast_in_dim3A_2211 = arith.constant 0.000000e+00 : f32
      %broadcast_in_dim3A_2212 = vector.broadcast %broadcast_in_dim3A_2211 : f32 to vector<16xf32>
      %get3A_2213 = arith.index_cast %add3A_2210 : i32 to index
      %get3A_2214 = arith.constant 0 : index
      %get3A_2215 = tpu.vector_load %arg7[%get3A_2213, %get3A_2214] {strides = array<i32>} : memref<128x256xf32, #tpu.memory_space<vmem>>, vector<1x16xf32>,
      %get3A_2216 = vector.shape_cast %get3A_2215 : vector<1x16xf32> to vector<16xf32>
      %get3A_2217 = arith.index_cast %add3A_2210 : i32 to index
      %get3A_2218 = arith.constant 0 : index
      %get3A_2219 = tpu.vector_load %arg8[%get3A_2217, %get3A_2218] {strides = array<i32>} : memref<128x256xf32, #tpu.memory_space<vmem>>, vector<1x16xf32>,
      %get3A_2220 = vector.shape_cast %get3A_2219 : vector<1x16xf32> to vector<16xf32>
      %mul3A_2221 = arith.mulf %get3A_2216, %get3A_2220 : vector<16xf32>
      %add3A_2222 = arith.addf %broadcast_in_dim3A_2212, %mul3A_2221 : vector<16xf32>
      %get3A_2223 = arith.index_cast %add3A_2210 : i32 to index
      %get3A_2224 = arith.constant 16 : index
      %get3A_2225 = tpu.vector_load %arg7[%get3A_2223, %get3A_2224] {strides = array<i32>} : memref<128x256xf32, #tpu.memory_space<vmem>>, vector<1x16xf32>,
      %get3A_2226 = vector.shape_cast %get3A_2225 : vector<1x16xf32> to vector<16xf32>
      %get3A_2227 = arith.index_cast %add3A_2210 : i32 to index
      %get3A_2228 = arith.constant 16 : index
      %get3A_2229 = tpu.vector_load %arg8[%get3A_2227, %get3A_2228] {strides = array<i32>} : memref<128x256xf32, #tpu.memory_space<vmem>>, vector<1x16xf32>,
      %get3A_2230 = vector.shape_cast %get3A_2229 : vector<1x16xf32> to vector<16xf32>
      %mul3A_2231 = arith.mulf %get3A_2226, %get3A_2230 : vector<16xf32>
      %add3A_2232 = arith.addf %add3A_2222, %mul3A_2231 : vector<16xf32>
      %get3A_2233 = arith.index_cast %add3A_2210 : i32 to index
      %get3A_2234 = arith.constant 32 : index
      %get3A_2235 = tpu.vector_load %arg7[%get3A_2233, %get3A_2234] {strides = array<i32>} : memref<128x256xf32, #tpu.memory_space<vmem>>, vector<1x16xf32>,
      %get3A_2236 = vector.shape_cast %get3A_2235 : vector<1x16xf32> to vector<16xf32>
      %get3A_2237 = arith.index_cast %add3A_2210 : i32 to index
      %get3A_2238 = arith.constant 32 : index
      %get3A_2239 = tpu.vector_load %arg8[%get3A_2237, %get3A_2238] {strides = array<i32>} : memref<128x256xf32, #tpu.memory_space<vmem>>, vector<1x16xf32>,
      %get3A_2240 = vector.shape_cast %get3A_2239 : vector<1x16xf32> to vector<16xf32>
      %mul3A_2241 = arith.mulf %get3A_2236, %get3A_2240 : vector<16xf32>
      %add3A_2242 = arith.addf %add3A_2232, %mul3A_2241 : vector<16xf32>
      %get3A_2243 = arith.index_cast %add3A_2210 : i32 to index
      %get3A_2244 = arith.constant 48 : index
      %get3A_2245 = tpu.vector_load %arg7[%get3A_2243, %get3A_2244] {strides = array<i32>} : memref<128x256xf32, #tpu.memory_space<vmem>>, vector<1x16xf32>,
      %get3A_2246 = vector.shape_cast %get3A_2245 : vector<1x16xf32> to vector<16xf32>
      %get3A_2247 = arith.index_cast %add3A_2210 : i32 to index
      %get3A_2248 = arith.constant 48 : index
      %get3A_2249 = tpu.vector_load %arg8[%get3A_2247, %get3A_2248] {strides = array<i32>} : memref<128x256xf32, #tpu.memory_space<vmem>>, vector<1x16xf32>,
      %get3A_2250 = vector.shape_cast %get3A_2249 : vector<1x16xf32> to vector<16xf32>
      %mul3A_2251 = arith.mulf %get3A_2246, %get3A_2250 : vector<16xf32>
      %add3A_2252 = arith.addf %add3A_2242, %mul3A_2251 : vector<16xf32>
      %get3A_2253 = arith.index_cast %add3A_2210 : i32 to index
      %get3A_2254 = arith.constant 64 : index
      %get3A_2255 = tpu.vector_load %arg7[%get3A_2253, %get3A_2254] {strides = array<i32>} : memref<128x256xf32, #tpu.memory_space<vmem>>, vector<1x16xf32>,
      %get3A_2256 = vector.shape_cast %get3A_2255 : vector<1x16xf32> to vector<16xf32>
      %get3A_2257 = arith.index_cast %add3A_2210 : i32 to index
      %get3A_2258 = arith.constant 64 : index
      %get3A_2259 = tpu.vector_load %arg8[%get3A_2257, %get3A_2258] {strides = array<i32>} : memref<128x256xf32, #tpu.memory_space<vmem>>, vector<1x16xf32>,
      %get3A_2260 = vector.shape_cast %get3A_2259 : vector<1x16xf32> to vector<16xf32>
      %mul3A_2261 = arith.mulf %get3A_2256, %get3A_2260 : vector<16xf32>
      %add3A_2262 = arith.addf %add3A_2252, %mul3A_2261 : vector<16xf32>
      %get3A_2263 = arith.index_cast %add3A_2210 : i32 to index
      %get3A_2264 = arith.constant 80 : index
      %get3A_2265 = tpu.vector_load %arg7[%get3A_2263, %get3A_2264] {strides = array<i32>} : memref<128x256xf32, #tpu.memory_space<vmem>>, vector<1x16xf32>,
      %get3A_2266 = vector.shape_cast %get3A_2265 : vector<1x16xf32> to vector<16xf32>
      %get3A_2267 = arith.index_cast %add3A_2210 : i32 to index
      %get3A_2268 = arith.constant 80 : index
      %get3A_2269 = tpu.vector_load %arg8[%get3A_2267, %get3A_2268] {strides = array<i32>} : memref<128x256xf32, #tpu.memory_space<vmem>>, vector<1x16xf32>,
      %get3A_2270 = vector.shape_cast %get3A_2269 : vector<1x16xf32> to vector<16xf32>
      %mul3A_2271 = arith.mulf %get3A_2266, %get3A_2270 : vector<16xf32>
      %add3A_2272 = arith.addf %add3A_2262, %mul3A_2271 : vector<16xf32>
      %get3A_2273 = arith.index_cast %add3A_2210 : i32 to index
      %get3A_2274 = arith.constant 96 : index
      %get3A_2275 = tpu.vector_load %arg7[%get3A_2273, %get3A_2274] {strides = array<i32>} : memref<128x256xf32, #tpu.memory_space<vmem>>, vector<1x16xf32>,
      %get3A_2276 = vector.shape_cast %get3A_2275 : vector<1x16xf32> to vector<16xf32>
      %get3A_2277 = arith.index_cast %add3A_2210 : i32 to index
      %get3A_2278 = arith.constant 96 : index
      %get3A_2279 = tpu.vector_load %arg8[%get3A_2277, %get3A_2278] {strides = array<i32>} : memref<128x256xf32, #tpu.memory_space<vmem>>, vector<1x16xf32>,
      %get3A_2280 = vector.shape_cast %get3A_2279 : vector<1x16xf32> to vector<16xf32>
      %mul3A_2281 = arith.mulf %get3A_2276, %get3A_2280 : vector<16xf32>
      %add3A_2282 = arith.addf %add3A_2272, %mul3A_2281 : vector<16xf32>
      %get3A_2283 = arith.index_cast %add3A_2210 : i32 to index
      %get3A_2284 = arith.constant 112 : index
      %get3A_2285 = tpu.vector_load %arg7[%get3A_2283, %get3A_2284] {strides = array<i32>} : memref<128x256xf32, #tpu.memory_space<vmem>>, vector<1x16xf32>,
      %get3A_2286 = vector.shape_cast %get3A_2285 : vector<1x16xf32> to vector<16xf32>
      %get3A_2287 = arith.index_cast %add3A_2210 : i32 to index
      %get3A_2288 = arith.constant 112 : index
      %get3A_2289 = tpu.vector_load %arg8[%get3A_2287, %get3A_2288] {strides = array<i32>} : memref<128x256xf32, #tpu.memory_space<vmem>>, vector<1x16xf32>,
      %get3A_2290 = vector.shape_cast %get3A_2289 : vector<1x16xf32> to vector<16xf32>
      %mul3A_2291 = arith.mulf %get3A_2286, %get3A_2290 : vector<16xf32>
      %add3A_2292 = arith.addf %add3A_2282, %mul3A_2291 : vector<16xf32>
      %get3A_2293 = arith.index_cast %add3A_2210 : i32 to index
      %get3A_2294 = arith.constant 128 : index
      %get3A_2295 = tpu.vector_load %arg7[%get3A_2293, %get3A_2294] {strides = array<i32>} : memref<128x256xf32, #tpu.memory_space<vmem>>, vector<1x16xf32>,
      %get3A_2296 = vector.shape_cast %get3A_2295 : vector<1x16xf32> to vector<16xf32>
      %get3A_2297 = arith.index_cast %add3A_2210 : i32 to index
      %get3A_2298 = arith.constant 128 : index
      %get3A_2299 = tpu.vector_load %arg8[%get3A_2297, %get3A_2298] {strides = array<i32>} : memref<128x256xf32, #tpu.memory_space<vmem>>, vector<1x16xf32>,
      %get3A_2300 = vector.shape_cast %get3A_2299 : vector<1x16xf32> to vector<16xf32>
      %mul3A_2301 = arith.mulf %get3A_2296, %get3A_2300 : vector<16xf32>
      %add3A_2302 = arith.addf %add3A_2292, %mul3A_2301 : vector<16xf32>
      %get3A_2303 = arith.index_cast %add3A_2210 : i32 to index
      %get3A_2304 = arith.constant 144 : index
      %get3A_2305 = tpu.vector_load %arg7[%get3A_2303, %get3A_2304] {strides = array<i32>} : memref<128x256xf32, #tpu.memory_space<vmem>>, vector<1x16xf32>,
      %get3A_2306 = vector.shape_cast %get3A_2305 : vector<1x16xf32> to vector<16xf32>
      %get3A_2307 = arith.index_cast %add3A_2210 : i32 to index
      %get3A_2308 = arith.constant 144 : index
      %get3A_2309 = tpu.vector_load %arg8[%get3A_2307, %get3A_2308] {strides = array<i32>} : memref<128x256xf32, #tpu.memory_space<vmem>>, vector<1x16xf32>,
      %get3A_2310 = vector.shape_cast %get3A_2309 : vector<1x16xf32> to vector<16xf32>
      %mul3A_2311 = arith.mulf %get3A_2306, %get3A_2310 : vector<16xf32>
      %add3A_2312 = arith.addf %add3A_2302, %mul3A_2311 : vector<16xf32>
      %get3A_2313 = arith.index_cast %add3A_2210 : i32 to index
      %get3A_2314 = arith.constant 160 : index
      %get3A_2315 = tpu.vector_load %arg7[%get3A_2313, %get3A_2314] {strides = array<i32>} : memref<128x256xf32, #tpu.memory_space<vmem>>, vector<1x16xf32>,
      %get3A_2316 = vector.shape_cast %get3A_2315 : vector<1x16xf32> to vector<16xf32>
      %get3A_2317 = arith.index_cast %add3A_2210 : i32 to index
      %get3A_2318 = arith.constant 160 : index
      %get3A_2319 = tpu.vector_load %arg8[%get3A_2317, %get3A_2318] {strides = array<i32>} : memref<128x256xf32, #tpu.memory_space<vmem>>, vector<1x16xf32>,
      %get3A_2320 = vector.shape_cast %get3A_2319 : vector<1x16xf32> to vector<16xf32>
      %mul3A_2321 = arith.mulf %get3A_2316, %get3A_2320 : vector<16xf32>
      %add3A_2322 = arith.addf %add3A_2312, %mul3A_2321 : vector<16xf32>
      %get3A_2323 = arith.index_cast %add3A_2210 : i32 to index
      %get3A_2324 = arith.constant 176 : index
      %get3A_2325 = tpu.vector_load %arg7[%get3A_2323, %get3A_2324] {strides = array<i32>} : memref<128x256xf32, #tpu.memory_space<vmem>>, vector<1x16xf32>,
      %get3A_2326 = vector.shape_cast %get3A_2325 : vector<1x16xf32> to vector<16xf32>
      %get3A_2327 = arith.index_cast %add3A_2210 : i32 to index
      %get3A_2328 = arith.constant 176 : index
      %get3A_2329 = tpu.vector_load %arg8[%get3A_2327, %get3A_2328] {strides = array<i32>} : memref<128x256xf32, #tpu.memory_space<vmem>>, vector<1x16xf32>,
      %get3A_2330 = vector.shape_cast %get3A_2329 : vector<1x16xf32> to vector<16xf32>
      %mul3A_2331 = arith.mulf %get3A_2326, %get3A_2330 : vector<16xf32>
      %add3A_2332 = arith.addf %add3A_2322, %mul3A_2331 : vector<16xf32>
      %get3A_2333 = arith.index_cast %add3A_2210 : i32 to index
      %get3A_2334 = arith.constant 192 : index
      %get3A_2335 = tpu.vector_load %arg7[%get3A_2333, %get3A_2334] {strides = array<i32>} : memref<128x256xf32, #tpu.memory_space<vmem>>, vector<1x16xf32>,
      %get3A_2336 = vector.shape_cast %get3A_2335 : vector<1x16xf32> to vector<16xf32>
      %get3A_2337 = arith.index_cast %add3A_2210 : i32 to index
      %get3A_2338 = arith.constant 192 : index
      %get3A_2339 = tpu.vector_load %arg8[%get3A_2337, %get3A_2338] {strides = array<i32>} : memref<128x256xf32, #tpu.memory_space<vmem>>, vector<1x16xf32>,
      %get3A_2340 = vector.shape_cast %get3A_2339 : vector<1x16xf32> to vector<16xf32>
      %mul3A_2341 = arith.mulf %get3A_2336, %get3A_2340 : vector<16xf32>
      %add3A_2342 = arith.addf %add3A_2332, %mul3A_2341 : vector<16xf32>
      %get3A_2343 = arith.index_cast %add3A_2210 : i32 to index
      %get3A_2344 = arith.constant 208 : index
      %get3A_2345 = tpu.vector_load %arg7[%get3A_2343, %get3A_2344] {strides = array<i32>} : memref<128x256xf32, #tpu.memory_space<vmem>>, vector<1x16xf32>,
      %get3A_2346 = vector.shape_cast %get3A_2345 : vector<1x16xf32> to vector<16xf32>
      %get3A_2347 = arith.index_cast %add3A_2210 : i32 to index
      %get3A_2348 = arith.constant 208 : index
      %get3A_2349 = tpu.vector_load %arg8[%get3A_2347, %get3A_2348] {strides = array<i32>} : memref<128x256xf32, #tpu.memory_space<vmem>>, vector<1x16xf32>,
      %get3A_2350 = vector.shape_cast %get3A_2349 : vector<1x16xf32> to vector<16xf32>
      %mul3A_2351 = arith.mulf %get3A_2346, %get3A_2350 : vector<16xf32>
      %add3A_2352 = arith.addf %add3A_2342, %mul3A_2351 : vector<16xf32>
      %get3A_2353 = arith.index_cast %add3A_2210 : i32 to index
      %get3A_2354 = arith.constant 224 : index
      %get3A_2355 = tpu.vector_load %arg7[%get3A_2353, %get3A_2354] {strides = array<i32>} : memref<128x256xf32, #tpu.memory_space<vmem>>, vector<1x16xf32>,
      %get3A_2356 = vector.shape_cast %get3A_2355 : vector<1x16xf32> to vector<16xf32>
      %get3A_2357 = arith.index_cast %add3A_2210 : i32 to index
      %get3A_2358 = arith.constant 224 : index
      %get3A_2359 = tpu.vector_load %arg8[%get3A_2357, %get3A_2358] {strides = array<i32>} : memref<128x256xf32, #tpu.memory_space<vmem>>, vector<1x16xf32>,
      %get3A_2360 = vector.shape_cast %get3A_2359 : vector<1x16xf32> to vector<16xf32>
      %mul3A_2361 = arith.mulf %get3A_2356, %get3A_2360 : vector<16xf32>
      %add3A_2362 = arith.addf %add3A_2352, %mul3A_2361 : vector<16xf32>
      %get3A_2363 = arith.index_cast %add3A_2210 : i32 to index
      %get3A_2364 = arith.constant 240 : index
      %get3A_2365 = tpu.vector_load %arg7[%get3A_2363, %get3A_2364] {strides = array<i32>} : memref<128x256xf32, #tpu.memory_space<vmem>>, vector<1x16xf32>,
      %get3A_2366 = vector.shape_cast %get3A_2365 : vector<1x16xf32> to vector<16xf32>
      %get3A_2367 = arith.index_cast %add3A_2210 : i32 to index
      %get3A_2368 = arith.constant 240 : index
      %get3A_2369 = tpu.vector_load %arg8[%get3A_2367, %get3A_2368] {strides = array<i32>} : memref<128x256xf32, #tpu.memory_space<vmem>>, vector<1x16xf32>,
      %get3A_2370 = vector.shape_cast %get3A_2369 : vector<1x16xf32> to vector<16xf32>
      %mul3A_2371 = arith.mulf %get3A_2366, %get3A_2370 : vector<16xf32>
      %add3A_2372 = arith.addf %add3A_2362, %mul3A_2371 : vector<16xf32>
      %swap3A_2373 = arith.index_cast %add3A_2210 : i32 to index
      %swap3A_2374 = arith.constant 0 : index
      %swap3A_2375 = tpu.vector_load %arg9[%swap3A_2373, %swap3A_2374] {strides = array<i32>} : memref<128x16xf32, #tpu.memory_space<vmem>>, vector<1x16xf32>,
      %swap3A_2376 = vector.shape_cast %swap3A_2375 : vector<1x16xf32> to vector<16xf32>
      %swap3A_2377 = vector.shape_cast %add3A_2372 : vector<16xf32> to vector<1x16xf32>
      tpu.vector_store %arg9[%swap3A_2373, %swap3A_2374], %swap3A_2377 {strides = array<i32>} : memref<128x16xf32, #tpu.memory_space<vmem>>, vector<1x16xf32>,
      %add3A_2378 = arith.constant 14 : i32
      %add3A_2379 = arith.addi %mul3A_14, %add3A_2378 : i32
      %broadcast_in_dim3A_2380 = arith.constant 0.000000e+00 : f32
      %broadcast_in_dim3A_2381 = vector.broadcast %broadcast_in_dim3A_2380 : f32 to vector<16xf32>
      %get3A_2382 = arith.index_cast %add3A_2379 : i32 to index
      %get3A_2383 = arith.constant 0 : index
      %get3A_2384 = tpu.vector_load %arg7[%get3A_2382, %get3A_2383] {strides = array<i32>} : memref<128x256xf32, #tpu.memory_space<vmem>>, vector<1x16xf32>,
      %get3A_2385 = vector.shape_cast %get3A_2384 : vector<1x16xf32> to vector<16xf32>
      %get3A_2386 = arith.index_cast %add3A_2379 : i32 to index
      %get3A_2387 = arith.constant 0 : index
      %get3A_2388 = tpu.vector_load %arg8[%get3A_2386, %get3A_2387] {strides = array<i32>} : memref<128x256xf32, #tpu.memory_space<vmem>>, vector<1x16xf32>,
      %get3A_2389 = vector.shape_cast %get3A_2388 : vector<1x16xf32> to vector<16xf32>
      %mul3A_2390 = arith.mulf %get3A_2385, %get3A_2389 : vector<16xf32>
      %add3A_2391 = arith.addf %broadcast_in_dim3A_2381, %mul3A_2390 : vector<16xf32>
      %get3A_2392 = arith.index_cast %add3A_2379 : i32 to index
      %get3A_2393 = arith.constant 16 : index
      %get3A_2394 = tpu.vector_load %arg7[%get3A_2392, %get3A_2393] {strides = array<i32>} : memref<128x256xf32, #tpu.memory_space<vmem>>, vector<1x16xf32>,
      %get3A_2395 = vector.shape_cast %get3A_2394 : vector<1x16xf32> to vector<16xf32>
      %get3A_2396 = arith.index_cast %add3A_2379 : i32 to index
      %get3A_2397 = arith.constant 16 : index
      %get3A_2398 = tpu.vector_load %arg8[%get3A_2396, %get3A_2397] {strides = array<i32>} : memref<128x256xf32, #tpu.memory_space<vmem>>, vector<1x16xf32>,
      %get3A_2399 = vector.shape_cast %get3A_2398 : vector<1x16xf32> to vector<16xf32>
      %mul3A_2400 = arith.mulf %get3A_2395, %get3A_2399 : vector<16xf32>
      %add3A_2401 = arith.addf %add3A_2391, %mul3A_2400 : vector<16xf32>
      %get3A_2402 = arith.index_cast %add3A_2379 : i32 to index
      %get3A_2403 = arith.constant 32 : index
      %get3A_2404 = tpu.vector_load %arg7[%get3A_2402, %get3A_2403] {strides = array<i32>} : memref<128x256xf32, #tpu.memory_space<vmem>>, vector<1x16xf32>,
      %get3A_2405 = vector.shape_cast %get3A_2404 : vector<1x16xf32> to vector<16xf32>
      %get3A_2406 = arith.index_cast %add3A_2379 : i32 to index
      %get3A_2407 = arith.constant 32 : index
      %get3A_2408 = tpu.vector_load %arg8[%get3A_2406, %get3A_2407] {strides = array<i32>} : memref<128x256xf32, #tpu.memory_space<vmem>>, vector<1x16xf32>,
      %get3A_2409 = vector.shape_cast %get3A_2408 : vector<1x16xf32> to vector<16xf32>
      %mul3A_2410 = arith.mulf %get3A_2405, %get3A_2409 : vector<16xf32>
      %add3A_2411 = arith.addf %add3A_2401, %mul3A_2410 : vector<16xf32>
      %get3A_2412 = arith.index_cast %add3A_2379 : i32 to index
      %get3A_2413 = arith.constant 48 : index
      %get3A_2414 = tpu.vector_load %arg7[%get3A_2412, %get3A_2413] {strides = array<i32>} : memref<128x256xf32, #tpu.memory_space<vmem>>, vector<1x16xf32>,
      %get3A_2415 = vector.shape_cast %get3A_2414 : vector<1x16xf32> to vector<16xf32>
      %get3A_2416 = arith.index_cast %add3A_2379 : i32 to index
      %get3A_2417 = arith.constant 48 : index
      %get3A_2418 = tpu.vector_load %arg8[%get3A_2416, %get3A_2417] {strides = array<i32>} : memref<128x256xf32, #tpu.memory_space<vmem>>, vector<1x16xf32>,
      %get3A_2419 = vector.shape_cast %get3A_2418 : vector<1x16xf32> to vector<16xf32>
      %mul3A_2420 = arith.mulf %get3A_2415, %get3A_2419 : vector<16xf32>
      %add3A_2421 = arith.addf %add3A_2411, %mul3A_2420 : vector<16xf32>
      %get3A_2422 = arith.index_cast %add3A_2379 : i32 to index
      %get3A_2423 = arith.constant 64 : index
      %get3A_2424 = tpu.vector_load %arg7[%get3A_2422, %get3A_2423] {strides = array<i32>} : memref<128x256xf32, #tpu.memory_space<vmem>>, vector<1x16xf32>,
      %get3A_2425 = vector.shape_cast %get3A_2424 : vector<1x16xf32> to vector<16xf32>
      %get3A_2426 = arith.index_cast %add3A_2379 : i32 to index
      %get3A_2427 = arith.constant 64 : index
      %get3A_2428 = tpu.vector_load %arg8[%get3A_2426, %get3A_2427] {strides = array<i32>} : memref<128x256xf32, #tpu.memory_space<vmem>>, vector<1x16xf32>,
      %get3A_2429 = vector.shape_cast %get3A_2428 : vector<1x16xf32> to vector<16xf32>
      %mul3A_2430 = arith.mulf %get3A_2425, %get3A_2429 : vector<16xf32>
      %add3A_2431 = arith.addf %add3A_2421, %mul3A_2430 : vector<16xf32>
      %get3A_2432 = arith.index_cast %add3A_2379 : i32 to index
      %get3A_2433 = arith.constant 80 : index
      %get3A_2434 = tpu.vector_load %arg7[%get3A_2432, %get3A_2433] {strides = array<i32>} : memref<128x256xf32, #tpu.memory_space<vmem>>, vector<1x16xf32>,
      %get3A_2435 = vector.shape_cast %get3A_2434 : vector<1x16xf32> to vector<16xf32>
      %get3A_2436 = arith.index_cast %add3A_2379 : i32 to index
      %get3A_2437 = arith.constant 80 : index
      %get3A_2438 = tpu.vector_load %arg8[%get3A_2436, %get3A_2437] {strides = array<i32>} : memref<128x256xf32, #tpu.memory_space<vmem>>, vector<1x16xf32>,
      %get3A_2439 = vector.shape_cast %get3A_2438 : vector<1x16xf32> to vector<16xf32>
      %mul3A_2440 = arith.mulf %get3A_2435, %get3A_2439 : vector<16xf32>
      %add3A_2441 = arith.addf %add3A_2431, %mul3A_2440 : vector<16xf32>
      %get3A_2442 = arith.index_cast %add3A_2379 : i32 to index
      %get3A_2443 = arith.constant 96 : index
      %get3A_2444 = tpu.vector_load %arg7[%get3A_2442, %get3A_2443] {strides = array<i32>} : memref<128x256xf32, #tpu.memory_space<vmem>>, vector<1x16xf32>,
      %get3A_2445 = vector.shape_cast %get3A_2444 : vector<1x16xf32> to vector<16xf32>
      %get3A_2446 = arith.index_cast %add3A_2379 : i32 to index
      %get3A_2447 = arith.constant 96 : index
      %get3A_2448 = tpu.vector_load %arg8[%get3A_2446, %get3A_2447] {strides = array<i32>} : memref<128x256xf32, #tpu.memory_space<vmem>>, vector<1x16xf32>,
      %get3A_2449 = vector.shape_cast %get3A_2448 : vector<1x16xf32> to vector<16xf32>
      %mul3A_2450 = arith.mulf %get3A_2445, %get3A_2449 : vector<16xf32>
      %add3A_2451 = arith.addf %add3A_2441, %mul3A_2450 : vector<16xf32>
      %get3A_2452 = arith.index_cast %add3A_2379 : i32 to index
      %get3A_2453 = arith.constant 112 : index
      %get3A_2454 = tpu.vector_load %arg7[%get3A_2452, %get3A_2453] {strides = array<i32>} : memref<128x256xf32, #tpu.memory_space<vmem>>, vector<1x16xf32>,
      %get3A_2455 = vector.shape_cast %get3A_2454 : vector<1x16xf32> to vector<16xf32>
      %get3A_2456 = arith.index_cast %add3A_2379 : i32 to index
      %get3A_2457 = arith.constant 112 : index
      %get3A_2458 = tpu.vector_load %arg8[%get3A_2456, %get3A_2457] {strides = array<i32>} : memref<128x256xf32, #tpu.memory_space<vmem>>, vector<1x16xf32>,
      %get3A_2459 = vector.shape_cast %get3A_2458 : vector<1x16xf32> to vector<16xf32>
      %mul3A_2460 = arith.mulf %get3A_2455, %get3A_2459 : vector<16xf32>
      %add3A_2461 = arith.addf %add3A_2451, %mul3A_2460 : vector<16xf32>
      %get3A_2462 = arith.index_cast %add3A_2379 : i32 to index
      %get3A_2463 = arith.constant 128 : index
      %get3A_2464 = tpu.vector_load %arg7[%get3A_2462, %get3A_2463] {strides = array<i32>} : memref<128x256xf32, #tpu.memory_space<vmem>>, vector<1x16xf32>,
      %get3A_2465 = vector.shape_cast %get3A_2464 : vector<1x16xf32> to vector<16xf32>
      %get3A_2466 = arith.index_cast %add3A_2379 : i32 to index
      %get3A_2467 = arith.constant 128 : index
      %get3A_2468 = tpu.vector_load %arg8[%get3A_2466, %get3A_2467] {strides = array<i32>} : memref<128x256xf32, #tpu.memory_space<vmem>>, vector<1x16xf32>,
      %get3A_2469 = vector.shape_cast %get3A_2468 : vector<1x16xf32> to vector<16xf32>
      %mul3A_2470 = arith.mulf %get3A_2465, %get3A_2469 : vector<16xf32>
      %add3A_2471 = arith.addf %add3A_2461, %mul3A_2470 : vector<16xf32>
      %get3A_2472 = arith.index_cast %add3A_2379 : i32 to index
      %get3A_2473 = arith.constant 144 : index
      %get3A_2474 = tpu.vector_load %arg7[%get3A_2472, %get3A_2473] {strides = array<i32>} : memref<128x256xf32, #tpu.memory_space<vmem>>, vector<1x16xf32>,
      %get3A_2475 = vector.shape_cast %get3A_2474 : vector<1x16xf32> to vector<16xf32>
      %get3A_2476 = arith.index_cast %add3A_2379 : i32 to index
      %get3A_2477 = arith.constant 144 : index
      %get3A_2478 = tpu.vector_load %arg8[%get3A_2476, %get3A_2477] {strides = array<i32>} : memref<128x256xf32, #tpu.memory_space<vmem>>, vector<1x16xf32>,
      %get3A_2479 = vector.shape_cast %get3A_2478 : vector<1x16xf32> to vector<16xf32>
      %mul3A_2480 = arith.mulf %get3A_2475, %get3A_2479 : vector<16xf32>
      %add3A_2481 = arith.addf %add3A_2471, %mul3A_2480 : vector<16xf32>
      %get3A_2482 = arith.index_cast %add3A_2379 : i32 to index
      %get3A_2483 = arith.constant 160 : index
      %get3A_2484 = tpu.vector_load %arg7[%get3A_2482, %get3A_2483] {strides = array<i32>} : memref<128x256xf32, #tpu.memory_space<vmem>>, vector<1x16xf32>,
      %get3A_2485 = vector.shape_cast %get3A_2484 : vector<1x16xf32> to vector<16xf32>
      %get3A_2486 = arith.index_cast %add3A_2379 : i32 to index
      %get3A_2487 = arith.constant 160 : index
      %get3A_2488 = tpu.vector_load %arg8[%get3A_2486, %get3A_2487] {strides = array<i32>} : memref<128x256xf32, #tpu.memory_space<vmem>>, vector<1x16xf32>,
      %get3A_2489 = vector.shape_cast %get3A_2488 : vector<1x16xf32> to vector<16xf32>
      %mul3A_2490 = arith.mulf %get3A_2485, %get3A_2489 : vector<16xf32>
      %add3A_2491 = arith.addf %add3A_2481, %mul3A_2490 : vector<16xf32>
      %get3A_2492 = arith.index_cast %add3A_2379 : i32 to index
      %get3A_2493 = arith.constant 176 : index
      %get3A_2494 = tpu.vector_load %arg7[%get3A_2492, %get3A_2493] {strides = array<i32>} : memref<128x256xf32, #tpu.memory_space<vmem>>, vector<1x16xf32>,
      %get3A_2495 = vector.shape_cast %get3A_2494 : vector<1x16xf32> to vector<16xf32>
      %get3A_2496 = arith.index_cast %add3A_2379 : i32 to index
      %get3A_2497 = arith.constant 176 : index
      %get3A_2498 = tpu.vector_load %arg8[%get3A_2496, %get3A_2497] {strides = array<i32>} : memref<128x256xf32, #tpu.memory_space<vmem>>, vector<1x16xf32>,
      %get3A_2499 = vector.shape_cast %get3A_2498 : vector<1x16xf32> to vector<16xf32>
      %mul3A_2500 = arith.mulf %get3A_2495, %get3A_2499 : vector<16xf32>
      %add3A_2501 = arith.addf %add3A_2491, %mul3A_2500 : vector<16xf32>
      %get3A_2502 = arith.index_cast %add3A_2379 : i32 to index
      %get3A_2503 = arith.constant 192 : index
      %get3A_2504 = tpu.vector_load %arg7[%get3A_2502, %get3A_2503] {strides = array<i32>} : memref<128x256xf32, #tpu.memory_space<vmem>>, vector<1x16xf32>,
      %get3A_2505 = vector.shape_cast %get3A_2504 : vector<1x16xf32> to vector<16xf32>
      %get3A_2506 = arith.index_cast %add3A_2379 : i32 to index
      %get3A_2507 = arith.constant 192 : index
      %get3A_2508 = tpu.vector_load %arg8[%get3A_2506, %get3A_2507] {strides = array<i32>} : memref<128x256xf32, #tpu.memory_space<vmem>>, vector<1x16xf32>,
      %get3A_2509 = vector.shape_cast %get3A_2508 : vector<1x16xf32> to vector<16xf32>
      %mul3A_2510 = arith.mulf %get3A_2505, %get3A_2509 : vector<16xf32>
      %add3A_2511 = arith.addf %add3A_2501, %mul3A_2510 : vector<16xf32>
      %get3A_2512 = arith.index_cast %add3A_2379 : i32 to index
      %get3A_2513 = arith.constant 208 : index
      %get3A_2514 = tpu.vector_load %arg7[%get3A_2512, %get3A_2513] {strides = array<i32>} : memref<128x256xf32, #tpu.memory_space<vmem>>, vector<1x16xf32>,
      %get3A_2515 = vector.shape_cast %get3A_2514 : vector<1x16xf32> to vector<16xf32>
      %get3A_2516 = arith.index_cast %add3A_2379 : i32 to index
      %get3A_2517 = arith.constant 208 : index
      %get3A_2518 = tpu.vector_load %arg8[%get3A_2516, %get3A_2517] {strides = array<i32>} : memref<128x256xf32, #tpu.memory_space<vmem>>, vector<1x16xf32>,
      %get3A_2519 = vector.shape_cast %get3A_2518 : vector<1x16xf32> to vector<16xf32>
      %mul3A_2520 = arith.mulf %get3A_2515, %get3A_2519 : vector<16xf32>
      %add3A_2521 = arith.addf %add3A_2511, %mul3A_2520 : vector<16xf32>
      %get3A_2522 = arith.index_cast %add3A_2379 : i32 to index
      %get3A_2523 = arith.constant 224 : index
      %get3A_2524 = tpu.vector_load %arg7[%get3A_2522, %get3A_2523] {strides = array<i32>} : memref<128x256xf32, #tpu.memory_space<vmem>>, vector<1x16xf32>,
      %get3A_2525 = vector.shape_cast %get3A_2524 : vector<1x16xf32> to vector<16xf32>
      %get3A_2526 = arith.index_cast %add3A_2379 : i32 to index
      %get3A_2527 = arith.constant 224 : index
      %get3A_2528 = tpu.vector_load %arg8[%get3A_2526, %get3A_2527] {strides = array<i32>} : memref<128x256xf32, #tpu.memory_space<vmem>>, vector<1x16xf32>,
      %get3A_2529 = vector.shape_cast %get3A_2528 : vector<1x16xf32> to vector<16xf32>
      %mul3A_2530 = arith.mulf %get3A_2525, %get3A_2529 : vector<16xf32>
      %add3A_2531 = arith.addf %add3A_2521, %mul3A_2530 : vector<16xf32>
      %get3A_2532 = arith.index_cast %add3A_2379 : i32 to index
      %get3A_2533 = arith.constant 240 : index
      %get3A_2534 = tpu.vector_load %arg7[%get3A_2532, %get3A_2533] {strides = array<i32>} : memref<128x256xf32, #tpu.memory_space<vmem>>, vector<1x16xf32>,
      %get3A_2535 = vector.shape_cast %get3A_2534 : vector<1x16xf32> to vector<16xf32>
      %get3A_2536 = arith.index_cast %add3A_2379 : i32 to index
      %get3A_2537 = arith.constant 240 : index
      %get3A_2538 = tpu.vector_load %arg8[%get3A_2536, %get3A_2537] {strides = array<i32>} : memref<128x256xf32, #tpu.memory_space<vmem>>, vector<1x16xf32>,
      %get3A_2539 = vector.shape_cast %get3A_2538 : vector<1x16xf32> to vector<16xf32>
      %mul3A_2540 = arith.mulf %get3A_2535, %get3A_2539 : vector<16xf32>
      %add3A_2541 = arith.addf %add3A_2531, %mul3A_2540 : vector<16xf32>
      %swap3A_2542 = arith.index_cast %add3A_2379 : i32 to index
      %swap3A_2543 = arith.constant 0 : index
      %swap3A_2544 = tpu.vector_load %arg9[%swap3A_2542, %swap3A_2543] {strides = array<i32>} : memref<128x16xf32, #tpu.memory_space<vmem>>, vector<1x16xf32>,
      %swap3A_2545 = vector.shape_cast %swap3A_2544 : vector<1x16xf32> to vector<16xf32>
      %swap3A_2546 = vector.shape_cast %add3A_2541 : vector<16xf32> to vector<1x16xf32>
      tpu.vector_store %arg9[%swap3A_2542, %swap3A_2543], %swap3A_2546 {strides = array<i32>} : memref<128x16xf32, #tpu.memory_space<vmem>>, vector<1x16xf32>,
      %add3A_2547 = arith.constant 15 : i32
      %add3A_2548 = arith.addi %mul3A_14, %add3A_2547 : i32
      %broadcast_in_dim3A_2549 = arith.constant 0.000000e+00 : f32
      %broadcast_in_dim3A_2550 = vector.broadcast %broadcast_in_dim3A_2549 : f32 to vector<16xf32>
      %get3A_2551 = arith.index_cast %add3A_2548 : i32 to index
      %get3A_2552 = arith.constant 0 : index
      %get3A_2553 = tpu.vector_load %arg7[%get3A_2551, %get3A_2552] {strides = array<i32>} : memref<128x256xf32, #tpu.memory_space<vmem>>, vector<1x16xf32>,
      %get3A_2554 = vector.shape_cast %get3A_2553 : vector<1x16xf32> to vector<16xf32>
      %get3A_2555 = arith.index_cast %add3A_2548 : i32 to index
      %get3A_2556 = arith.constant 0 : index
      %get3A_2557 = tpu.vector_load %arg8[%get3A_2555, %get3A_2556] {strides = array<i32>} : memref<128x256xf32, #tpu.memory_space<vmem>>, vector<1x16xf32>,
      %get3A_2558 = vector.shape_cast %get3A_2557 : vector<1x16xf32> to vector<16xf32>
      %mul3A_2559 = arith.mulf %get3A_2554, %get3A_2558 : vector<16xf32>
      %add3A_2560 = arith.addf %broadcast_in_dim3A_2550, %mul3A_2559 : vector<16xf32>
      %get3A_2561 = arith.index_cast %add3A_2548 : i32 to index
      %get3A_2562 = arith.constant 16 : index
      %get3A_2563 = tpu.vector_load %arg7[%get3A_2561, %get3A_2562] {strides = array<i32>} : memref<128x256xf32, #tpu.memory_space<vmem>>, vector<1x16xf32>,
      %get3A_2564 = vector.shape_cast %get3A_2563 : vector<1x16xf32> to vector<16xf32>
      %get3A_2565 = arith.index_cast %add3A_2548 : i32 to index
      %get3A_2566 = arith.constant 16 : index
      %get3A_2567 = tpu.vector_load %arg8[%get3A_2565, %get3A_2566] {strides = array<i32>} : memref<128x256xf32, #tpu.memory_space<vmem>>, vector<1x16xf32>,
      %get3A_2568 = vector.shape_cast %get3A_2567 : vector<1x16xf32> to vector<16xf32>
      %mul3A_2569 = arith.mulf %get3A_2564, %get3A_2568 : vector<16xf32>
      %add3A_2570 = arith.addf %add3A_2560, %mul3A_2569 : vector<16xf32>
      %get3A_2571 = arith.index_cast %add3A_2548 : i32 to index
      %get3A_2572 = arith.constant 32 : index
      %get3A_2573 = tpu.vector_load %arg7[%get3A_2571, %get3A_2572] {strides = array<i32>} : memref<128x256xf32, #tpu.memory_space<vmem>>, vector<1x16xf32>,
      %get3A_2574 = vector.shape_cast %get3A_2573 : vector<1x16xf32> to vector<16xf32>
      %get3A_2575 = arith.index_cast %add3A_2548 : i32 to index
      %get3A_2576 = arith.constant 32 : index
      %get3A_2577 = tpu.vector_load %arg8[%get3A_2575, %get3A_2576] {strides = array<i32>} : memref<128x256xf32, #tpu.memory_space<vmem>>, vector<1x16xf32>,
      %get3A_2578 = vector.shape_cast %get3A_2577 : vector<1x16xf32> to vector<16xf32>
      %mul3A_2579 = arith.mulf %get3A_2574, %get3A_2578 : vector<16xf32>
      %add3A_2580 = arith.addf %add3A_2570, %mul3A_2579 : vector<16xf32>
      %get3A_2581 = arith.index_cast %add3A_2548 : i32 to index
      %get3A_2582 = arith.constant 48 : index
      %get3A_2583 = tpu.vector_load %arg7[%get3A_2581, %get3A_2582] {strides = array<i32>} : memref<128x256xf32, #tpu.memory_space<vmem>>, vector<1x16xf32>,
      %get3A_2584 = vector.shape_cast %get3A_2583 : vector<1x16xf32> to vector<16xf32>
      %get3A_2585 = arith.index_cast %add3A_2548 : i32 to index
      %get3A_2586 = arith.constant 48 : index
      %get3A_2587 = tpu.vector_load %arg8[%get3A_2585, %get3A_2586] {strides = array<i32>} : memref<128x256xf32, #tpu.memory_space<vmem>>, vector<1x16xf32>,
      %get3A_2588 = vector.shape_cast %get3A_2587 : vector<1x16xf32> to vector<16xf32>
      %mul3A_2589 = arith.mulf %get3A_2584, %get3A_2588 : vector<16xf32>
      %add3A_2590 = arith.addf %add3A_2580, %mul3A_2589 : vector<16xf32>
      %get3A_2591 = arith.index_cast %add3A_2548 : i32 to index
      %get3A_2592 = arith.constant 64 : index
      %get3A_2593 = tpu.vector_load %arg7[%get3A_2591, %get3A_2592] {strides = array<i32>} : memref<128x256xf32, #tpu.memory_space<vmem>>, vector<1x16xf32>,
      %get3A_2594 = vector.shape_cast %get3A_2593 : vector<1x16xf32> to vector<16xf32>
      %get3A_2595 = arith.index_cast %add3A_2548 : i32 to index
      %get3A_2596 = arith.constant 64 : index
      %get3A_2597 = tpu.vector_load %arg8[%get3A_2595, %get3A_2596] {strides = array<i32>} : memref<128x256xf32, #tpu.memory_space<vmem>>, vector<1x16xf32>,
      %get3A_2598 = vector.shape_cast %get3A_2597 : vector<1x16xf32> to vector<16xf32>
      %mul3A_2599 = arith.mulf %get3A_2594, %get3A_2598 : vector<16xf32>
      %add3A_2600 = arith.addf %add3A_2590, %mul3A_2599 : vector<16xf32>
      %get3A_2601 = arith.index_cast %add3A_2548 : i32 to index
      %get3A_2602 = arith.constant 80 : index
      %get3A_2603 = tpu.vector_load %arg7[%get3A_2601, %get3A_2602] {strides = array<i32>} : memref<128x256xf32, #tpu.memory_space<vmem>>, vector<1x16xf32>,
      %get3A_2604 = vector.shape_cast %get3A_2603 : vector<1x16xf32> to vector<16xf32>
      %get3A_2605 = arith.index_cast %add3A_2548 : i32 to index
      %get3A_2606 = arith.constant 80 : index
      %get3A_2607 = tpu.vector_load %arg8[%get3A_2605, %get3A_2606] {strides = array<i32>} : memref<128x256xf32, #tpu.memory_space<vmem>>, vector<1x16xf32>,
      %get3A_2608 = vector.shape_cast %get3A_2607 : vector<1x16xf32> to vector<16xf32>
      %mul3A_2609 = arith.mulf %get3A_2604, %get3A_2608 : vector<16xf32>
      %add3A_2610 = arith.addf %add3A_2600, %mul3A_2609 : vector<16xf32>
      %get3A_2611 = arith.index_cast %add3A_2548 : i32 to index
      %get3A_2612 = arith.constant 96 : index
      %get3A_2613 = tpu.vector_load %arg7[%get3A_2611, %get3A_2612] {strides = array<i32>} : memref<128x256xf32, #tpu.memory_space<vmem>>, vector<1x16xf32>,
      %get3A_2614 = vector.shape_cast %get3A_2613 : vector<1x16xf32> to vector<16xf32>
      %get3A_2615 = arith.index_cast %add3A_2548 : i32 to index
      %get3A_2616 = arith.constant 96 : index
      %get3A_2617 = tpu.vector_load %arg8[%get3A_2615, %get3A_2616] {strides = array<i32>} : memref<128x256xf32, #tpu.memory_space<vmem>>, vector<1x16xf32>,
      %get3A_2618 = vector.shape_cast %get3A_2617 : vector<1x16xf32> to vector<16xf32>
      %mul3A_2619 = arith.mulf %get3A_2614, %get3A_2618 : vector<16xf32>
      %add3A_2620 = arith.addf %add3A_2610, %mul3A_2619 : vector<16xf32>
      %get3A_2621 = arith.index_cast %add3A_2548 : i32 to index
      %get3A_2622 = arith.constant 112 : index
      %get3A_2623 = tpu.vector_load %arg7[%get3A_2621, %get3A_2622] {strides = array<i32>} : memref<128x256xf32, #tpu.memory_space<vmem>>, vector<1x16xf32>,
      %get3A_2624 = vector.shape_cast %get3A_2623 : vector<1x16xf32> to vector<16xf32>
      %get3A_2625 = arith.index_cast %add3A_2548 : i32 to index
      %get3A_2626 = arith.constant 112 : index
      %get3A_2627 = tpu.vector_load %arg8[%get3A_2625, %get3A_2626] {strides = array<i32>} : memref<128x256xf32, #tpu.memory_space<vmem>>, vector<1x16xf32>,
      %get3A_2628 = vector.shape_cast %get3A_2627 : vector<1x16xf32> to vector<16xf32>
      %mul3A_2629 = arith.mulf %get3A_2624, %get3A_2628 : vector<16xf32>
      %add3A_2630 = arith.addf %add3A_2620, %mul3A_2629 : vector<16xf32>
      %get3A_2631 = arith.index_cast %add3A_2548 : i32 to index
      %get3A_2632 = arith.constant 128 : index
      %get3A_2633 = tpu.vector_load %arg7[%get3A_2631, %get3A_2632] {strides = array<i32>} : memref<128x256xf32, #tpu.memory_space<vmem>>, vector<1x16xf32>,
      %get3A_2634 = vector.shape_cast %get3A_2633 : vector<1x16xf32> to vector<16xf32>
      %get3A_2635 = arith.index_cast %add3A_2548 : i32 to index
      %get3A_2636 = arith.constant 128 : index
      %get3A_2637 = tpu.vector_load %arg8[%get3A_2635, %get3A_2636] {strides = array<i32>} : memref<128x256xf32, #tpu.memory_space<vmem>>, vector<1x16xf32>,
      %get3A_2638 = vector.shape_cast %get3A_2637 : vector<1x16xf32> to vector<16xf32>
      %mul3A_2639 = arith.mulf %get3A_2634, %get3A_2638 : vector<16xf32>
      %add3A_2640 = arith.addf %add3A_2630, %mul3A_2639 : vector<16xf32>
      %get3A_2641 = arith.index_cast %add3A_2548 : i32 to index
      %get3A_2642 = arith.constant 144 : index
      %get3A_2643 = tpu.vector_load %arg7[%get3A_2641, %get3A_2642] {strides = array<i32>} : memref<128x256xf32, #tpu.memory_space<vmem>>, vector<1x16xf32>,
      %get3A_2644 = vector.shape_cast %get3A_2643 : vector<1x16xf32> to vector<16xf32>
      %get3A_2645 = arith.index_cast %add3A_2548 : i32 to index
      %get3A_2646 = arith.constant 144 : index
      %get3A_2647 = tpu.vector_load %arg8[%get3A_2645, %get3A_2646] {strides = array<i32>} : memref<128x256xf32, #tpu.memory_space<vmem>>, vector<1x16xf32>,
      %get3A_2648 = vector.shape_cast %get3A_2647 : vector<1x16xf32> to vector<16xf32>
      %mul3A_2649 = arith.mulf %get3A_2644, %get3A_2648 : vector<16xf32>
      %add3A_2650 = arith.addf %add3A_2640, %mul3A_2649 : vector<16xf32>
      %get3A_2651 = arith.index_cast %add3A_2548 : i32 to index
      %get3A_2652 = arith.constant 160 : index
      %get3A_2653 = tpu.vector_load %arg7[%get3A_2651, %get3A_2652] {strides = array<i32>} : memref<128x256xf32, #tpu.memory_space<vmem>>, vector<1x16xf32>,
      %get3A_2654 = vector.shape_cast %get3A_2653 : vector<1x16xf32> to vector<16xf32>
      %get3A_2655 = arith.index_cast %add3A_2548 : i32 to index
      %get3A_2656 = arith.constant 160 : index
      %get3A_2657 = tpu.vector_load %arg8[%get3A_2655, %get3A_2656] {strides = array<i32>} : memref<128x256xf32, #tpu.memory_space<vmem>>, vector<1x16xf32>,
      %get3A_2658 = vector.shape_cast %get3A_2657 : vector<1x16xf32> to vector<16xf32>
      %mul3A_2659 = arith.mulf %get3A_2654, %get3A_2658 : vector<16xf32>
      %add3A_2660 = arith.addf %add3A_2650, %mul3A_2659 : vector<16xf32>
      %get3A_2661 = arith.index_cast %add3A_2548 : i32 to index
      %get3A_2662 = arith.constant 176 : index
      %get3A_2663 = tpu.vector_load %arg7[%get3A_2661, %get3A_2662] {strides = array<i32>} : memref<128x256xf32, #tpu.memory_space<vmem>>, vector<1x16xf32>,
      %get3A_2664 = vector.shape_cast %get3A_2663 : vector<1x16xf32> to vector<16xf32>
      %get3A_2665 = arith.index_cast %add3A_2548 : i32 to index
      %get3A_2666 = arith.constant 176 : index
      %get3A_2667 = tpu.vector_load %arg8[%get3A_2665, %get3A_2666] {strides = array<i32>} : memref<128x256xf32, #tpu.memory_space<vmem>>, vector<1x16xf32>,
      %get3A_2668 = vector.shape_cast %get3A_2667 : vector<1x16xf32> to vector<16xf32>
      %mul3A_2669 = arith.mulf %get3A_2664, %get3A_2668 : vector<16xf32>
      %add3A_2670 = arith.addf %add3A_2660, %mul3A_2669 : vector<16xf32>
      %get3A_2671 = arith.index_cast %add3A_2548 : i32 to index
      %get3A_2672 = arith.constant 192 : index
      %get3A_2673 = tpu.vector_load %arg7[%get3A_2671, %get3A_2672] {strides = array<i32>} : memref<128x256xf32, #tpu.memory_space<vmem>>, vector<1x16xf32>,
      %get3A_2674 = vector.shape_cast %get3A_2673 : vector<1x16xf32> to vector<16xf32>
      %get3A_2675 = arith.index_cast %add3A_2548 : i32 to index
      %get3A_2676 = arith.constant 192 : index
      %get3A_2677 = tpu.vector_load %arg8[%get3A_2675, %get3A_2676] {strides = array<i32>} : memref<128x256xf32, #tpu.memory_space<vmem>>, vector<1x16xf32>,
      %get3A_2678 = vector.shape_cast %get3A_2677 : vector<1x16xf32> to vector<16xf32>
      %mul3A_2679 = arith.mulf %get3A_2674, %get3A_2678 : vector<16xf32>
      %add3A_2680 = arith.addf %add3A_2670, %mul3A_2679 : vector<16xf32>
      %get3A_2681 = arith.index_cast %add3A_2548 : i32 to index
      %get3A_2682 = arith.constant 208 : index
      %get3A_2683 = tpu.vector_load %arg7[%get3A_2681, %get3A_2682] {strides = array<i32>} : memref<128x256xf32, #tpu.memory_space<vmem>>, vector<1x16xf32>,
      %get3A_2684 = vector.shape_cast %get3A_2683 : vector<1x16xf32> to vector<16xf32>
      %get3A_2685 = arith.index_cast %add3A_2548 : i32 to index
      %get3A_2686 = arith.constant 208 : index
      %get3A_2687 = tpu.vector_load %arg8[%get3A_2685, %get3A_2686] {strides = array<i32>} : memref<128x256xf32, #tpu.memory_space<vmem>>, vector<1x16xf32>,
      %get3A_2688 = vector.shape_cast %get3A_2687 : vector<1x16xf32> to vector<16xf32>
      %mul3A_2689 = arith.mulf %get3A_2684, %get3A_2688 : vector<16xf32>
      %add3A_2690 = arith.addf %add3A_2680, %mul3A_2689 : vector<16xf32>
      %get3A_2691 = arith.index_cast %add3A_2548 : i32 to index
      %get3A_2692 = arith.constant 224 : index
      %get3A_2693 = tpu.vector_load %arg7[%get3A_2691, %get3A_2692] {strides = array<i32>} : memref<128x256xf32, #tpu.memory_space<vmem>>, vector<1x16xf32>,
      %get3A_2694 = vector.shape_cast %get3A_2693 : vector<1x16xf32> to vector<16xf32>
      %get3A_2695 = arith.index_cast %add3A_2548 : i32 to index
      %get3A_2696 = arith.constant 224 : index
      %get3A_2697 = tpu.vector_load %arg8[%get3A_2695, %get3A_2696] {strides = array<i32>} : memref<128x256xf32, #tpu.memory_space<vmem>>, vector<1x16xf32>,
      %get3A_2698 = vector.shape_cast %get3A_2697 : vector<1x16xf32> to vector<16xf32>
      %mul3A_2699 = arith.mulf %get3A_2694, %get3A_2698 : vector<16xf32>
      %add3A_2700 = arith.addf %add3A_2690, %mul3A_2699 : vector<16xf32>
      %get3A_2701 = arith.index_cast %add3A_2548 : i32 to index
      %get3A_2702 = arith.constant 240 : index
      %get3A_2703 = tpu.vector_load %arg7[%get3A_2701, %get3A_2702] {strides = array<i32>} : memref<128x256xf32, #tpu.memory_space<vmem>>, vector<1x16xf32>,
      %get3A_2704 = vector.shape_cast %get3A_2703 : vector<1x16xf32> to vector<16xf32>
      %get3A_2705 = arith.index_cast %add3A_2548 : i32 to index
      %get3A_2706 = arith.constant 240 : index
      %get3A_2707 = tpu.vector_load %arg8[%get3A_2705, %get3A_2706] {strides = array<i32>} : memref<128x256xf32, #tpu.memory_space<vmem>>, vector<1x16xf32>,
      %get3A_2708 = vector.shape_cast %get3A_2707 : vector<1x16xf32> to vector<16xf32>
      %mul3A_2709 = arith.mulf %get3A_2704, %get3A_2708 : vector<16xf32>
      %add3A_2710 = arith.addf %add3A_2700, %mul3A_2709 : vector<16xf32>
      %swap3A_2711 = arith.index_cast %add3A_2548 : i32 to index
      %swap3A_2712 = arith.constant 0 : index
      %swap3A_2713 = tpu.vector_load %arg9[%swap3A_2711, %swap3A_2712] {strides = array<i32>} : memref<128x16xf32, #tpu.memory_space<vmem>>, vector<1x16xf32>,
      %swap3A_2714 = vector.shape_cast %swap3A_2713 : vector<1x16xf32> to vector<16xf32>
      %swap3A_2715 = vector.shape_cast %add3A_2710 : vector<16xf32> to vector<1x16xf32>
      tpu.vector_store %arg9[%swap3A_2711, %swap3A_2712], %swap3A_2715 {strides = array<i32>} : memref<128x16xf32, #tpu.memory_space<vmem>>, vector<1x16xf32>,
    }
    %scan3A_11 = arith.constant 8 : i32
    "tpu.region"() ({
      %run_scoped3A = tpu.sem_alloc : memref<!tpu.dma_semaphore, #tpu.memory_space<semaphore_mem>>
      %dma_start3A_12 = arith.constant 0 : i32
      %dma_start3A_13 = tpu.memref_slice %arg5[%mul3A_2, %dma_start3A_12] : memref<4096x16xf32, #tpu.memory_space<hbm>> -> memref<128x16xf32, #tpu.memory_space<hbm>>
      %dma_start3A_14 = arith.constant 0 : i32
      %dma_start3A_15 = tpu.memref_slice %arg5[%mul3A_2, %dma_start3A_14] : memref<4096x16xf32, #tpu.memory_space<hbm>> -> memref<128x16xf32, #tpu.memory_space<hbm>>
      tpu.enqueue_dma source(%arg9 : memref<128x16xf32, #tpu.memory_space<vmem>>) target(%dma_start3A_15 : memref<128x16xf32, #tpu.memory_space<hbm>>) target_semaphore(%run_scoped3A : memref<!tpu.dma_semaphore, #tpu.memory_space<semaphore_mem>>)
      %dma_wait3A_16 = arith.constant 0 : i32
      %dma_wait3A_17 = tpu.memref_slice %arg5[%mul3A_2, %dma_wait3A_16] : memref<4096x16xf32, #tpu.memory_space<hbm>> -> memref<128x16xf32, #tpu.memory_space<hbm>>
      %dma_wait3A_18 = arith.constant 0 : i32
      %dma_wait3A_19 = tpu.memref_slice %arg5[%mul3A_2, %dma_wait3A_18] : memref<4096x16xf32, #tpu.memory_space<hbm>> -> memref<128x16xf32, #tpu.memory_space<hbm>>
      tpu.wait_dma2 semaphore(%run_scoped3A : memref<!tpu.dma_semaphore, #tpu.memory_space<semaphore_mem>>) src(%arg9 : memref<128x16xf32, #tpu.memory_space<vmem>>) dst(%dma_wait3A_19 : memref<128x16xf32, #tpu.memory_space<hbm>>)
      tpu.yield
    }) : () -> ()
    return
  }
}

module attributes {stable_mosaic.version = 14 : i64} {
  func.func @_main_body(%arg0: i32, %arg1: memref<512x256xf32, #tpu.memory_space<vmem>>, %arg2: memref<256x6768xbf16, #tpu.memory_space<vmem>>, %arg3: memref<512x16xf32, #tpu.memory_space<vmem>>, %arg4: memref<512x6768xf32, #tpu.memory_space<vmem>>, %arg5: memref<1x1xf32, #tpu.memory_space<smem>>) attributes {dimension_semantics = [#tpu.dimension_semantics<arbitrary>], iteration_bounds = array<i64: 8>, scalar_prefetch = 0 : i64, scratch_operands = 0 : i64, tpu.core_type = #tpu.core_type<tc>, window_params = [{transform_indices = @transform_0, window_bounds = array<i64: 512, 256>}, {pipeline_mode = #tpu.pipeline_mode<synchronous>, transform_indices = @transform_1, window_bounds = array<i64: 256, 6768>}, {transform_indices = @transform_2, window_bounds = array<i64: 512, 16>}, {transform_indices = @transform_3, window_bounds = array<i64: 512, 6768>}, {transform_indices = @transform_4, window_bounds = array<i64: 1, 1>}]} {
    %get3A = arith.constant 0 : index
    %get3A_0 = arith.constant 0 : index
    %get3A_1 = vector.load %arg1[%get3A, %get3A_0] : memref<512x256xf32, #tpu.memory_space<vmem>>, vector<512x256xf32>
    %mul3A = arith.mulf %get3A_1, %get3A_1 : vector<512x256xf32>
    %reduce_sum3A = arith.constant dense<0.000000e+00> : vector<512xf32>
    %reduce_sum3A_2 = vector.multi_reduction <add>, %mul3A, %reduce_sum3A [1] : vector<512x256xf32> to vector<512xf32>
    %broadcast_in_dim3A = vector.shape_cast %reduce_sum3A_2 : vector<512xf32> to vector<512x1xf32>
    %sqrt3A = math.sqrt %broadcast_in_dim3A : vector<512x1xf32>
    %add3A = arith.constant 9.99999996E-13 : f32
    %add3A_3 = vector.broadcast %add3A : f32 to vector<512x1xf32>
    %add3A_4 = arith.addf %sqrt3A, %add3A_3 : vector<512x1xf32>
    %div3A = vector.broadcast %add3A_4 : vector<512x1xf32> to vector<512x256xf32>
    %div3A_5 = arith.divf %get3A_1, %div3A : vector<512x256xf32>
    %convert_element_type3A = arith.truncf %div3A_5 : vector<512x256xf32> to vector<512x256xbf16>
    %get3A_6 = arith.constant 0 : index
    %get3A_7 = arith.constant 0 : index
    %get3A_8 = vector.load %arg2[%get3A_6, %get3A_7] : memref<256x6768xbf16, #tpu.memory_space<vmem>>, vector<256x6768xbf16>
    %dot_general3A = arith.constant dense<0.000000e+00> : vector<512x6768xf32>
    %dot_general3A_9 = tpu.matmul %convert_element_type3A, %get3A_8, %dot_general3A {dimension_numbers = #tpu.dot_dimension_numbers<[1], [0], [0], [1], [0, 0, 1, 1], [], []>, transpose_lhs_hint = false} : vector<512x256xbf16>, vector<256x6768xbf16>, vector<512x6768xf32> -> vector<512x6768xf32>
    %mul3A_10 = arith.constant 3.000000e+01 : f32
    %mul3A_11 = vector.broadcast %mul3A_10 : f32 to vector<512x6768xf32>
    %mul3A_12 = arith.mulf %dot_general3A_9, %mul3A_11 : vector<512x6768xf32>
    %swap3A = arith.constant 0 : index
    %swap3A_13 = arith.constant 0 : index
    %swap3A_14 = vector.load %arg4[%swap3A, %swap3A_13] : memref<512x6768xf32, #tpu.memory_space<vmem>>, vector<512x6768xf32>
    tpu.vector_store %arg4[%swap3A, %swap3A_13], %mul3A_12 {strides = array<i32>} : memref<512x6768xf32, #tpu.memory_space<vmem>>, vector<512x6768xf32>,
    %sub3A = arith.constant 3.000000e+01 : f32
    %sub3A_15 = vector.broadcast %sub3A : f32 to vector<512x6768xf32>
    %sub3A_16 = arith.subf %mul3A_12, %sub3A_15 : vector<512x6768xf32>
    %exp3A = math.exp %sub3A_16 : vector<512x6768xf32>
    %reduce_sum3A_17 = arith.constant dense<0.000000e+00> : vector<512xf32>
    %reduce_sum3A_18 = vector.multi_reduction <add>, %exp3A, %reduce_sum3A_17 [1] : vector<512x6768xf32> to vector<512xf32>
    %get3A_19 = arith.constant 0 : index
    %get3A_20 = arith.constant 0 : index
    %get3A_21 = vector.load %arg3[%get3A_19, %get3A_20] : memref<512x16xf32, #tpu.memory_space<vmem>>, vector<512x16xf32>
    %reduce_sum3A_22 = arith.constant dense<0.000000e+00> : vector<512xf32>
    %reduce_sum3A_23 = vector.multi_reduction <add>, %get3A_21, %reduce_sum3A_22 [1] : vector<512x16xf32> to vector<512xf32>
    %mul3A_24 = arith.constant 3.000000e+01 : f32
    %mul3A_25 = vector.broadcast %mul3A_24 : f32 to vector<512xf32>
    %mul3A_26 = arith.mulf %mul3A_25, %reduce_sum3A_23 : vector<512xf32>
    %squeeze3A = vector.shape_cast %add3A_4 : vector<512x1xf32> to vector<512xf32>
    %div3A_27 = arith.divf %mul3A_26, %squeeze3A : vector<512xf32>
    %log3A = math.log %reduce_sum3A_18 : vector<512xf32>
    %add3A_28 = arith.constant 3.000000e+01 : f32
    %add3A_29 = vector.broadcast %add3A_28 : f32 to vector<512xf32>
    %add3A_30 = arith.addf %add3A_29, %log3A : vector<512xf32>
    %sub3A_31 = arith.subf %add3A_30, %div3A_27 : vector<512xf32>
    %reduce_sum3A_32 = vector.shape_cast %sub3A_31 : vector<512xf32> to vector<1x512xf32>
    %reduce_sum3A_33 = arith.constant dense<0.000000e+00> : vector<1xf32>
    %reduce_sum3A_34 = vector.multi_reduction <add>, %reduce_sum3A_32, %reduce_sum3A_33 [1] : vector<1x512xf32> to vector<1xf32>
    %reduce_sum3A_35 = vector.shape_cast %reduce_sum3A_34 : vector<1xf32> to vector<1x1xf32>
    %reduce_sum3A_36 = vector.extract %reduce_sum3A_35[0, 0] : f32 from vector<1x1xf32>
    %mul3A_37 = arith.constant 2.44140625E-4 : f32
    %mul3A_38 = arith.mulf %reduce_sum3A_36, %mul3A_37 : f32
    %eq3A = arith.constant 0 : i32
    %eq3A_39 = arith.cmpi eq, %arg0, %eq3A : i32
    %convert_element_type3A_40 = arith.extui %eq3A_39 : i1 to i32
    %cond3A = arith.constant 0 : i32
    %cond3A_41 = arith.cmpi ne, %convert_element_type3A_40, %cond3A : i32
    scf.if %cond3A_41 {
      %swap3A_49 = arith.constant 0.000000e+00 : f32
      %swap3A_50 = arith.constant 0 : index
      %swap3A_51 = arith.constant 0 : index
      %swap3A_52 = memref.load %arg5[%swap3A_50, %swap3A_51] : memref<1x1xf32, #tpu.memory_space<smem>>
      memref.store %swap3A_49, %arg5[%swap3A_50, %swap3A_51] : memref<1x1xf32, #tpu.memory_space<smem>>
    } else {
    }
    %get3A_42 = arith.constant 0 : index
    %get3A_43 = arith.constant 0 : index
    %get3A_44 = memref.load %arg5[%get3A_42, %get3A_43] : memref<1x1xf32, #tpu.memory_space<smem>>
    %add3A_45 = arith.addf %get3A_44, %mul3A_38 : f32
    %swap3A_46 = arith.constant 0 : index
    %swap3A_47 = arith.constant 0 : index
    %swap3A_48 = memref.load %arg5[%swap3A_46, %swap3A_47] : memref<1x1xf32, #tpu.memory_space<smem>>
    memref.store %add3A_45, %arg5[%swap3A_46, %swap3A_47] : memref<1x1xf32, #tpu.memory_space<smem>>
    return
  }
  func.func @transform_0(%arg0: i32) -> (i32, i32) {
    %c0_i32 = arith.constant 0 : i32
    %c0_i32_0 = arith.constant 0 : i32
    return %arg0, %c0_i32 : i32, i32
  }
  func.func @transform_1(%arg0: i32) -> (i32, i32) {
    %c0_i32 = arith.constant 0 : i32
    %c0_i32_0 = arith.constant 0 : i32
    %c0_i32_1 = arith.constant 0 : i32
    return %c0_i32, %c0_i32_0 : i32, i32
  }
  func.func @transform_2(%arg0: i32) -> (i32, i32) {
    %c0_i32 = arith.constant 0 : i32
    %c0_i32_0 = arith.constant 0 : i32
    return %arg0, %c0_i32 : i32, i32
  }
  func.func @transform_3(%arg0: i32) -> (i32, i32) {
    %c0_i32 = arith.constant 0 : i32
    %c0_i32_0 = arith.constant 0 : i32
    return %arg0, %c0_i32 : i32, i32
  }
  func.func @transform_4(%arg0: i32) -> (i32, i32) {
    %c0_i32 = arith.constant 0 : i32
    %c0_i32_0 = arith.constant 0 : i32
    %c0_i32_1 = arith.constant 0 : i32
    return %c0_i32, %c0_i32_0 : i32, i32
  }
}

</mosaic_0001>

<sc_bundles>
// kernel: kernel.4.cloned.1.call-start
scs
__scs_entry_jumppad:
0x0: {  	(pc) =	sbr.rel $0x88, $3  }
0x1: {  	(tag) =	ssettag $0x0;
	lr =	simm.s32 $0x1  }
0x2: {  	[smem:$0x3F9D] =	sst lr;
	_ =	strace $0xD0000000  }
0x3: {  	_ = 	snop  }
0x4: {  	_ = 	snop  }
0x5: {  	_ = 	snop  }
0x6: {  	_ = 	snop  }
0x7: {  	_ = 	snop  }
__scs_overlays_trampoline_lowered:
0x8: {  	[smem:$0x3FAC] =	sst s0  }
0x9: {  	[smem:$0x3FAD] =	sst s1  }
0xa: {  	[smem:$0x3FAE] =	sst s2  }
0xb: {  	[smem:$0x3FAF] =	sst s3  }
0xc: {  	[smem:$0x3FB0] =	sst s4  }
0xd: {  	[smem:$0x3FB1] =	sst s5  }
0xe: {  	[smem:$0x3FB2] =	sst s6  }
0xf: {  	[smem:$0x3FB3] =	sst s7  }
0x10: {  	[smem:$0x3FB4] =	sst s8  }
0x11: {  	[smem:$0x3FB5] =	sst s9;
	s0 =	simm.s32 @!p0 $0x0  }
0x12: {  	s1 =	sld [smem:$0x3F9B];
	s0 =	simm.s32 @p0 $0x1  }
0x13: {  	[smem:$0x3FB6] =	sst s0;
	s0 =	simm.s32 @!p1 $0x0  }
0x14: {  	s2 =	sld [smem:$0x3F9A];
	s0 =	simm.s32 @p1 $0x1  }
0x15: {  	[smem:$0x3FB7] =	sst s0;
	s0 =	simm.s32 @!p2 $0x0  }
0x16: {  	s3 =	sld [smem:$0x3FDB];
	s0 =	simm.s32 @p2 $0x1  }
0x17: {  	s4 =	simm.s32 $0x1BF5;
	[smem:$0x3FB9] =	sst s0  }
0x18: {  	s0 =	sld [smem:$0x3F9C];
	_ =	swait.ge [sflag:s4], $0x0  }
0x19: {  	s7 =	sld [smem:$0x3F9D]  }
0x1a: {  	s8 =	sadd.s32 $0xFFFFE003, lr  }
0x1b: {  	s9 =	sadd.s32 $0xFFFFFEF7, lr;
	s5 =	simm.s32 $0xFFFFFFFF;
	p2 =	slt.u32 s8, $0xFFFFF086  }
0x1c: {  	p1 =	slt.u32 s9, $0xF7A;
	s5 =	simm.s32 @!p2 $0x0  }
0x1d: {  	s5 =	simm.s32 @p1 $0x1;
	p0 =	seq.s32 s7, s2  }
0x1e: {  	s7 =	smul.u32 @!p0 $0xF7A, s2;
	p2 =	seq.s32 @!p0 s5, $0x0  }
0x1f: {  	s9 =	smul.u32 $0xF7A, s1;
	s8 =	simm.s32 @!p0 $0x1BF5;
	p2 =	por !p2, p0  }
0x20: {  	[sflag:s8] =	ssyncset.s32 @!p0 $0xFFFFF086;
	s6 =	sadd.s32 @!p0 s3, s7;
	s7 =	simm.s32 @!p0 $0x108  }
0x21: {  	s3 =	sadd.s32 s3, s9;
	s6 =	sadd.s32 @!p0 $0x88, s6;
	s7 =	simm.s32 @p2 $0x1082  }
0x22: {  	[simem:s7], [sflag:s8] =	dma.local @!p0 [hbm:s6], $0xF7A  }
0x23: {  	s9 =	sor.u32 $0xD0000000, s2;
	s6 =	simm.s32 $0x108;
	_ =	swait.ge @!p0 [sflag:s8], $0x0  }
0x24: {  	s3 =	sadd.s32 $0x88, s3;
	s6 =	simm.s32 @!p1 $0x1082;
	[sflag:s4] =	ssyncset.s32 $0xFFFFF086  }
0x25: {  	[simem:s6], [sflag:s4] =	dma.local [hbm:s3], $0xF7A  }
0x26: {  	[smem:$0x3F9D] =	sst s1;
	(tag) =	ssettag s2;
	_ =	strace s9  }
0x27: {  	s1 =	sld [smem:$0x3FAD]  }
0x28: {  	s2 =	sld [smem:$0x3FAE]  }
0x29: {  	s4 =	sld [smem:$0x3FB0]  }
0x2a: {  	p0 =	seq.s32 s5, $0x0;
	s5 =	sld [smem:$0x3FB1]  }
0x2b: {  	s6 =	sld [smem:$0x3FB2]  }
0x2c: {  	s7 =	sld [smem:$0x3FB3]  }
0x2d: {  	s3 =	simm.s32 $0x108;
	s8 =	sld [smem:$0x3FB4]  }
0x2e: {  	s3 =	simm.s32 @!p0 $0x1082;
	s9 =	sld [smem:$0x3FB5]  }
0x2f: {  	lr =	sadd.s32 s0, s3;
	s0 =	sld [smem:$0x3FAC]  }
0x30: {  	s3 =	sld [smem:$0x3FAF]  }
0x31: {  	[smem:$0x3FB8] =	sst s10  }
0x32: {  	s10 =	sld [smem:$0x3FB6];
	_ =	sdelay $0x3  }
0x33: {  	p0 =	seq.s32 s10, $0x1;
	s10 =	sld [smem:$0x3FB8];
	_ =	sdelay $0x3  }
0x34: {  	[smem:$0x3FB8] =	sst s10  }
0x35: {  	s10 =	sld [smem:$0x3FB7];
	_ =	sdelay $0x3  }
0x36: {  	p1 =	seq.s32 s10, $0x1;
	s10 =	sld [smem:$0x3FB8];
	_ =	sdelay $0x3  }
0x37: {  	[smem:$0x3FB8] =	sst s10  }
0x38: {  	s10 =	sld [smem:$0x3FB9]  }
0x39: {  	_ = 	snop;
	(pc) =	sbr.ind lr, $3  }
0x3a: {  	_ = 	snop  }
0x3b: {  	_ = 	snop  }
0x3c: {  	p2 =	seq.s32 s10, $0x1;
	s10 =	sld [smem:$0x3FB8]  }
0x3d: {  	_ =	shalt  }
0x3e: {  	_ =	shalt  }
0x3f: {  	_ =	shalt  }
0x40: {  	_ =	shalt  }
0x41: {  	_ =	shalt  }
0x42: {  	_ =	shalt  }
0x43: {  	_ =	shalt  }
0x44: {  	_ =	shalt  }
0x45: {  	_ =	shalt  }
0x46: {  	_ =	shalt  }
0x47: {  	_ =	shalt  }
0x48: {  	_ =	shalt  }
0x49: {  	_ =	shalt  }
0x4a: {  	_ =	shalt  }
0x4b: {  	_ =	shalt  }
0x4c: {  	_ =	shalt  }
0x4d: {  	_ =	shalt  }
0x4e: {  	_ =	shalt  }
0x4f: {  	_ =	shalt  }
0x50: {  	_ =	shalt  }
0x51: {  	_ =	shalt  }
0x52: {  	_ =	shalt  }
0x53: {  	_ =	shalt  }
0x54: {  	_ =	shalt  }
0x55: {  	_ =	shalt  }
0x56: {  	_ =	shalt  }
0x57: {  	_ =	shalt  }
0x58: {  	_ =	shalt  }
0x59: {  	_ =	shalt  }
0x5a: {  	_ =	shalt  }
0x5b: {  	_ =	shalt  }
0x5c: {  	_ =	shalt  }
0x5d: {  	_ =	shalt  }
0x5e: {  	_ =	shalt  }
0x5f: {  	_ =	shalt  }
0x60: {  	_ =	shalt  }
0x61: {  	_ =	shalt  }
0x62: {  	_ =	shalt  }
0x63: {  	_ =	shalt  }
0x64: {  	_ =	shalt  }
0x65: {  	_ =	shalt  }
0x66: {  	_ =	shalt  }
0x67: {  	_ =	shalt  }
0x68: {  	_ =	shalt  }
0x69: {  	_ =	shalt  }
0x6a: {  	_ =	shalt  }
0x6b: {  	_ =	shalt  }
0x6c: {  	_ =	shalt  }
0x6d: {  	_ =	shalt  }
0x6e: {  	_ =	shalt  }
0x6f: {  	_ =	shalt  }
0x70: {  	_ =	shalt  }
0x71: {  	_ =	shalt  }
0x72: {  	_ =	shalt  }
0x73: {  	_ =	shalt  }
0x74: {  	_ =	shalt  }
0x75: {  	_ =	shalt  }
0x76: {  	_ =	shalt  }
0x77: {  	_ =	shalt  }
0x78: {  	_ =	shalt  }
0x79: {  	_ =	shalt  }
0x7a: {  	_ =	shalt  }
0x7b: {  	_ =	shalt  }
0x7c: {  	_ =	shalt  }
0x7d: {  	_ =	shalt  }
0x7e: {  	_ =	shalt  }
0x7f: {  	_ =	shalt  }
0x80: {  	_ =	shalt  }
0x81: {  	_ =	shalt  }
0x82: {  	_ =	shalt  }
0x83: {  	_ =	shalt  }
0x84: {  	_ =	shalt  }
0x85: {  	_ =	shalt  }
0x86: {  	_ =	shalt  }
0x87: {  	_ =	shalt  }
.Lfunc_end0:
.L_simem_size_0:
called_computation_lowered:
.L_overlay_start_0:
0x88: {  	s2 =	sld [smem:$0x3FD9]  }
0x89: {  	s3 =	sld [smem:$0x3FFE];
	_ =	sdelay $0x1  }
0x8a: {  	s1 =	srdreg.scid  }
0x8b: {  	s0 =	sand.u32 $0x1, s1  }
0x8c: {  	s15 =	sshll.u32 s0, $0xA;
	s2 =	sadd.s32 s3, s2  }
0x8d: {  	s2 =	sadd.s32 s2, s15  }
0x8e: {  	[smem:$0x3FC4] =	sst s2  }
0x8f: {  	_ = 	snop  }
0x90: {  	s2 =	sld [smem:$0x3FD0]  }
0x91: {  	s16 =	sld [smem:$0x3FC9]  }
0x92: {  	s4 =	sld [smem:$0x3FC8]  }
0x93: {  	s6 =	simm.s32 $0xA;
	s7 =	simm.s32 $0x10;
	s5 =	sld [smem:$0x3FC7]  }
0x94: {  	[smem:s7], [sflag:s6] =	dma.local [hbm:s2], $0x1  }
0x95: {  	_ =	swait.eq [sflag:s6], $0x1  }
0x96: {  	[sflag:s6] =	ssyncset.done $0x0  }
0x97: {  	[sflag:s6] =	ssyncadd.s32 $0xFFFFFFFF  }
0x98: {  	s17 =	sld [smem:$0x11];
	(tm) =	ssettm $0x1  }
0x99: {  	s18 =	sld [smem:$0x3FFB];
	_ =	sdelay $0x3  }
0x9a: {  	_ =	strace s18  }
0x9b: {  	s6 =	sld [smem:$0x3FFC];
	_ =	sdelay $0x3  }
0x9c: {  	_ =	strace s6  }
0x9d: {  	s6 =	sld [smem:$0x3FFD];
	_ =	sdelay $0x3  }
0x9e: {  	_ =	strace s6  }
0x9f: {  	_ =	strace $0x8FFFFFFF  }
0xa0: {  	s19 =	sld [smem:$0x3FDB];
	_ =	sdelay $0x1  }
0xa1: {  	s20 =	simm.s32 $_scs_section_size  }
0xa2: {  	s8 =	simm.s32 $_size__tile_overlayer_lowered;
	s9 =	simm.s32 $_tile_overlayer_lowered  }
0xa3: {  	s23 =	simm.s32 $0x1BFF;
	s22 =	sshll.u32 s9, $0x1;
	s6 =	sadd.s32 s20, s19  }
0xa4: {  	s10 =	simm.s32 $0x0;
	s21 =	sshll.u32 s8, $0x1;
	s8 =	sadd.s32 s22, s6  }
0xa5: {  	[timem:s10], [sflag:s23] =	dma.local [hbm:s8], s21  }
0xa6: {  	_ =	swait.ge [sflag:s23], s21  }
0xa7: {  	s7 =	ssub.s32 $0x0, s21;
	[sflag:s23] =	ssyncset.done $0x0  }
0xa8: {  	[sflag:s23] =	ssyncadd.s32 s7;
	_ =	sdelay $0x1  }
0xa9: {  	s24 =	simm.s32 $0x1B8B  }
0xaa: {  	_ =	swait.ge [sflag:s24], $0x1  }
0xab: {  	[sflag:s24] =	ssyncset.done $0x0  }
0xac: {  	s25 =	simm.s32 $0x1B8E;
	[sflag:s24] =	ssyncadd.s32 $0xFFFFFFFF  }
0xad: {  	s26 =	simm.s32 $execute0_lowered;
	[smem:$0x3FD2] =	sst s25  }
0xae: {  	s7 =	sshll.u32 s26, $0x1;
	_ =	strace $0x80000046;
	[dreg:$0x1] =	wrdreg $0xFFFFFFFF  }
0xaf: {  	s28 =	simm.s32 $_size_execute0_lowered;
	s6 =	sadd.s32 s6, s7;
	[dreg:$0x0] =	wrdreg $0x0  }
0xb0: {  	s7 =	sshll.u32 s28, $0x1;
	[dreg:$0x2] =	wrdreg s6  }
0xb1: {  	[dreg:$0x3] =	wrdreg s7  }
0xb2: {  	[dreg:$0x4] =	wrdreg $0xC0  }
0xb3: {  	_ =	task [dreg:s10], $0x5FFFF  }
0xb4: {  	[dreg:$0x1] =	wrdreg $0xFFFFFFFF  }
0xb5: {  	[dreg:$0x0] =	wrdreg $0x60  }
0xb6: {  	[dreg:$0x2] =	wrdreg s16  }
0xb7: {  	[dreg:$0x3] =	wrdreg s4  }
0xb8: {  	[dreg:$0x4] =	wrdreg s5  }
0xb9: {  	[dreg:$0x5] =	wrdreg s17  }
0xba: {  	[dreg:$0x6] =	wrdreg $0x9  }
0xbb: {  	_ =	task.clear_ibuf [dreg:s10], $0x7FFFF;
	_ =	strace $0x90000046  }
0xbc: {  	s29 =	simm.s32 $0x9;
	_ =	strace $0x80000048  }
0xbd: {  	_ =	swait.ge [sflag:s29], $0x1  }
0xbe: {  	[sflag:s29] =	ssyncadd.s32 $0xFFFFFFFF  }
0xbf: {  	_ =	strace $0x90000048  }
0xc0: {  	_ =	sfence  }
0xc1: {  	s30 =	sld [smem:$0x0];
	_ =	sdelay $0x2  }
0xc2: {  	s31 =	sshll.u32 s1, $0xD;
	s1 =	sshrl.u32 s1, $0x2  }
0xc3: {  	s3 =	sand.u32 $0x4000, s31;
	s1 =	sadd.s32 s1, s30  }
0xc4: {  	s0 =	sor.u32 s3, s0;
	s1 =	sshll.u32 s1, $0x11  }
0xc5: {  	s0 =	sor.u32 s1, s0  }
0xc6: {  	s0 =	sadd.s32 $0x8F2B, s0  }
0xc7: {  	[sflag:s0] =	ssyncadd.remote.s32 $0x1  }
0xc8: {  	_ =	sfence.sel $0xFFFF  }
0xc9: {  	[dreg:$0x0] =	wrdreg $0xFFFFFFFF;
	(pc) =	sbr.abs _section_cstart, $3  }
0xca: {  	[dreg:$0x1] =	wrdreg $0xFFFFFFFF  }
0xcb: {  	_ =	task.clear_ibuf [dreg:s10], $0x2FFFF;
	_ =	strace $0x9FFFFFFF  }
0xcc: {  	(tm) =	ssettm $0x7FFFFFFF  }
0xcd: {  	_ =	shalt  }
tec
execute0_lowered:
.L_overlay_start_1:
0x0: {  	(tag) =	ssettag $0x1  }
0x1: {  	s0 =	rddreg [dreg:$0x0]  }
0x2: {  	s2 =	rddreg [dreg:$0x1]  }
0x3: {  	s1 =	rddreg [dreg:$0x2]  }
0x4: {  	s6 =	rddreg [dreg:$0x3]  }
0x5: {  	s4 =	srdreg.scid;
	s3 =	simm.s32 $0x0;
	s7 =	stileid.u32  }
0x6: {  	s10 =	simm.s32 $0x8080;
	s11 =	simm.s32 $0x8880;
	s12 =	simm.s32 $0x9080  }
0x7: {  	s13 =	simm.s32 $0x9880;
	s14 =	simm.s32 $0xA080;
	s15 =	simm.s32 $0xA880  }
0x8: {  	s16 =	simm.s32 $0xB080;
	s17 =	simm.s32 $0xB880;
	s18 =	simm.s32 $0xC080  }
0x9: {  	s19 =	simm.s32 $0xC880;
	s20 =	simm.s32 $0xD080;
	s21 =	simm.s32 $0xD880  }
0xa: {  	s22 =	simm.s32 $0xE080;
	s23 =	simm.s32 $0xE880;
	s24 =	simm.s32 $0xF080  }
0xb: {  	s25 =	simm.s32 $0xF880;
	s26 =	simm.s32 $0x1;
	s28 =	simm.s32 $0x10080  }
0xc: {  	s29 =	simm.s32 $0x0;
	s4 =	sand.u32 $0x1, s4;
	s7 =	sshll.u32 s7, $0x8  }
0xd: {  	[smem:$0x7FF] =	sst s3;
	s5 =	ssub.s32 $0x2, s4;
	s4 =	sshll.u32 s4, $0x7  }
0xe: {  	_ =	strace $0x80000047;
	s8 =	sshrl.u32 s5, $0x1;
	s7 =	sor.u32 s4, s7  }
0xf: {  	v2 =	vlaneseq.u32;
	s8 =	ssub.s32 s5, s8;
	s4 =	sshrl.u32 s7, $0x3;
	s31 =	sshll.u32 s7, $0x5  }
0x10: {  	vm0 =	vmmov $0xffff;
	v1 =	vshrl.u32 v2, $0x3;
	s7 =	sshll.u32 s7, $0x4;
	s4 =	sadd.s32 s2, s4;
	s5 =	sadd.s32 s0, s31  }
0x11: {  	v0 =	vand.u32 $0x7, v2;
	v2 =	vor.u32 $0x8, v2;
	v1 =	vmul.u32 $0x8, v1;
	s6 =	sadd.s32 s6, s7;
	s7 =	smax.u32 s8, $0x1;
	s8 =	simm.s32 $0x2  }
.LBB2_1:
0x12: {  	[tilespmem:s3], [sflag:$0x2] =	stream.linear.gather [hbm4b:s4+s3], $0x80, $0x38;
	[tilespmem:$0x14080] =	vst v63  }
0x13: {  	_ =	swait.ge [sflag:s8], $0x80  }
0x14: {  	[sflag:s8] =	ssyncset.done $0x0  }
0x15: {  	s0 =	simm.s32 $0x80;
	[sflag:s8] =	ssyncadd.s32 $0xFFFFFF80  }
0x16: {  	[tilespmem:s0], [sflag:$0x2] =	stream.linear.gather [hbm4b:s5+s3], $0x8000, $0x38;
	[tilespmem:$0x14080] =	vst v63  }
0x17: {  	_ =	swait.ge [sflag:s8], $0x8000  }
0x18: {  	[sflag:s8] =	ssyncset.done $0x0  }
0x19: {  	[sflag:s8] =	ssyncadd.s32 $0xFFFF8000  }
0x1a: {  	v3 =	vld [tilespmem:$0x0];
	_ =	sdelay $0x4  }
0x1b: {  	v4 =	vshll.u32 v3, $0x1  }
0x1c: {  	v3 =	vand.u32 $0x7, v3;
	v4 =	vand.u32 $0xFFFFFFF0, v4  }
0x1d: {  	v3 =	vor.u32 v3, v4  }
0x1e: {  	v4 =	vperm.xlane v3, v0;
	_ =	sdelay $0x1  }
0x1f: {  	v3 =	vperm.xlane v3, v2;
	v4 =	vadd.s32 v1, v4;
	_ =	sdelay $0x1  }
0x20: {  	v3 =	vadd.s32 v1, v3;
	_ =	sdelay $0x2  }
0x21: {  	[tilespmem:s10], [sflag:$0x1] =	stream.indirect_vreg.gather [hbm4b:s1+s3], $0x80, v4, vm0, $0xb8;
	[tilespmem:$0x14080] =	vst v63  }
0x22: {  	_ = 	snop  }
0x23: {  	[tilespmem:s11], [sflag:$0x1] =	stream.indirect_vreg.gather [hbm4b:s1+s3], $0x80, v3, vm0, $0xb8;
	[tilespmem:$0x14080] =	vst v63  }
0x24: {  	v3 =	vld [tilespmem:$0x10];
	_ =	sdelay $0x4  }
0x25: {  	v57 =	vshll.u32 v3, $0x1  }
0x26: {  	v3 =	vand.u32 $0x7, v3;
	v4 =	vand.u32 $0xFFFFFFF0, v57  }
0x27: {  	v3 =	vor.u32 v3, v4  }
0x28: {  	v4 =	vperm.xlane v3, v0;
	_ =	sdelay $0x1  }
0x29: {  	v3 =	vperm.xlane v3, v2;
	v4 =	vadd.s32 v1, v4;
	_ =	sdelay $0x1  }
0x2a: {  	v3 =	vadd.s32 v1, v3;
	_ =	sdelay $0x2  }
0x2b: {  	[tilespmem:s12], [sflag:$0x1] =	stream.indirect_vreg.gather [hbm4b:s1+s3], $0x80, v4, vm0, $0xb8;
	[tilespmem:$0x14080] =	vst v63  }
0x2c: {  	_ = 	snop  }
0x2d: {  	[tilespmem:s13], [sflag:$0x1] =	stream.indirect_vreg.gather [hbm4b:s1+s3], $0x80, v3, vm0, $0xb8;
	[tilespmem:$0x14080] =	vst v63  }
0x2e: {  	v3 =	vld [tilespmem:$0x20];
	_ =	sdelay $0x4  }
0x2f: {  	v58 =	vshll.u32 v3, $0x1  }
0x30: {  	v3 =	vand.u32 $0x7, v3;
	v4 =	vand.u32 $0xFFFFFFF0, v58  }
0x31: {  	v3 =	vor.u32 v3, v4  }
0x32: {  	v4 =	vperm.xlane v3, v0;
	_ =	sdelay $0x1  }
0x33: {  	v3 =	vperm.xlane v3, v2;
	v4 =	vadd.s32 v1, v4;
	_ =	sdelay $0x1  }
0x34: {  	v3 =	vadd.s32 v1, v3;
	_ =	sdelay $0x2  }
0x35: {  	[tilespmem:s14], [sflag:$0x1] =	stream.indirect_vreg.gather [hbm4b:s1+s3], $0x80, v4, vm0, $0xb8;
	[tilespmem:$0x14080] =	vst v63  }
0x36: {  	_ = 	snop  }
0x37: {  	[tilespmem:s15], [sflag:$0x1] =	stream.indirect_vreg.gather [hbm4b:s1+s3], $0x80, v3, vm0, $0xb8;
	[tilespmem:$0x14080] =	vst v63  }
0x38: {  	v3 =	vld [tilespmem:$0x30];
	_ =	sdelay $0x4  }
0x39: {  	v59 =	vshll.u32 v3, $0x1  }
0x3a: {  	v3 =	vand.u32 $0x7, v3;
	v4 =	vand.u32 $0xFFFFFFF0, v59  }
0x3b: {  	v3 =	vor.u32 v3, v4  }
0x3c: {  	v4 =	vperm.xlane v3, v0;
	_ =	sdelay $0x1  }
0x3d: {  	v3 =	vperm.xlane v3, v2;
	v4 =	vadd.s32 v1, v4;
	_ =	sdelay $0x1  }
0x3e: {  	v3 =	vadd.s32 v1, v3;
	_ =	sdelay $0x2  }
0x3f: {  	[tilespmem:s16], [sflag:$0x1] =	stream.indirect_vreg.gather [hbm4b:s1+s3], $0x80, v4, vm0, $0xb8;
	[tilespmem:$0x14080] =	vst v63  }
0x40: {  	_ = 	snop  }
0x41: {  	[tilespmem:s17], [sflag:$0x1] =	stream.indirect_vreg.gather [hbm4b:s1+s3], $0x80, v3, vm0, $0xb8;
	[tilespmem:$0x14080] =	vst v63  }
0x42: {  	v3 =	vld [tilespmem:$0x40];
	_ =	sdelay $0x4  }
0x43: {  	v60 =	vshll.u32 v3, $0x1  }
0x44: {  	v3 =	vand.u32 $0x7, v3;
	v4 =	vand.u32 $0xFFFFFFF0, v60  }
0x45: {  	v3 =	vor.u32 v3, v4  }
0x46: {  	v4 =	vperm.xlane v3, v0;
	_ =	sdelay $0x1  }
0x47: {  	v3 =	vperm.xlane v3, v2;
	v4 =	vadd.s32 v1, v4;
	_ =	sdelay $0x1  }
0x48: {  	v3 =	vadd.s32 v1, v3;
	_ =	sdelay $0x2  }
0x49: {  	[tilespmem:s18], [sflag:$0x1] =	stream.indirect_vreg.gather [hbm4b:s1+s3], $0x80, v4, vm0, $0xb8;
	[tilespmem:$0x14080] =	vst v63  }
0x4a: {  	_ = 	snop  }
0x4b: {  	[tilespmem:s19], [sflag:$0x1] =	stream.indirect_vreg.gather [hbm4b:s1+s3], $0x80, v3, vm0, $0xb8;
	[tilespmem:$0x14080] =	vst v63  }
0x4c: {  	v3 =	vld [tilespmem:$0x50];
	_ =	sdelay $0x4  }
0x4d: {  	v61 =	vshll.u32 v3, $0x1  }
0x4e: {  	v3 =	vand.u32 $0x7, v3;
	v4 =	vand.u32 $0xFFFFFFF0, v61  }
0x4f: {  	v3 =	vor.u32 v3, v4  }
0x50: {  	v4 =	vperm.xlane v3, v0;
	_ =	sdelay $0x1  }
0x51: {  	v3 =	vperm.xlane v3, v2;
	v4 =	vadd.s32 v1, v4;
	_ =	sdelay $0x1  }
0x52: {  	v3 =	vadd.s32 v1, v3;
	_ =	sdelay $0x2  }
0x53: {  	[tilespmem:s20], [sflag:$0x1] =	stream.indirect_vreg.gather [hbm4b:s1+s3], $0x80, v4, vm0, $0xb8;
	[tilespmem:$0x14080] =	vst v63  }
0x54: {  	_ = 	snop  }
0x55: {  	[tilespmem:s21], [sflag:$0x1] =	stream.indirect_vreg.gather [hbm4b:s1+s3], $0x80, v3, vm0, $0xb8;
	[tilespmem:$0x14080] =	vst v63  }
0x56: {  	v3 =	vld [tilespmem:$0x60];
	_ =	sdelay $0x4  }
0x57: {  	v62 =	vshll.u32 v3, $0x1  }
0x58: {  	v3 =	vand.u32 $0x7, v3;
	v4 =	vand.u32 $0xFFFFFFF0, v62  }
0x59: {  	v3 =	vor.u32 v3, v4  }
0x5a: {  	v4 =	vperm.xlane v3, v0;
	_ =	sdelay $0x1  }
0x5b: {  	v3 =	vperm.xlane v3, v2;
	v4 =	vadd.s32 v1, v4;
	_ =	sdelay $0x1  }
0x5c: {  	v3 =	vadd.s32 v1, v3;
	_ =	sdelay $0x2  }
0x5d: {  	[tilespmem:s22], [sflag:$0x1] =	stream.indirect_vreg.gather [hbm4b:s1+s3], $0x80, v4, vm0, $0xb8;
	[tilespmem:$0x14080] =	vst v63  }
0x5e: {  	_ = 	snop  }
0x5f: {  	[tilespmem:s23], [sflag:$0x1] =	stream.indirect_vreg.gather [hbm4b:s1+s3], $0x80, v3, vm0, $0xb8;
	[tilespmem:$0x14080] =	vst v63  }
0x60: {  	v3 =	vld [tilespmem:$0x70];
	_ =	sdelay $0x4  }
0x61: {  	v63 =	vshll.u32 v3, $0x1  }
0x62: {  	v3 =	vand.u32 $0x7, v3;
	v4 =	vand.u32 $0xFFFFFFF0, v63  }
0x63: {  	v3 =	vor.u32 v3, v4  }
0x64: {  	v4 =	vperm.xlane v3, v0;
	_ =	sdelay $0x1  }
0x65: {  	v3 =	vperm.xlane v3, v2;
	v4 =	vadd.s32 v1, v4;
	_ =	sdelay $0x1  }
0x66: {  	v3 =	vadd.s32 v1, v3;
	_ =	sdelay $0x2  }
0x67: {  	[tilespmem:s24], [sflag:$0x1] =	stream.indirect_vreg.gather [hbm4b:s1+s3], $0x80, v4, vm0, $0xb8;
	[tilespmem:$0x14080] =	vst v63  }
0x68: {  	_ = 	snop  }
0x69: {  	[tilespmem:s25], [sflag:$0x1] =	stream.indirect_vreg.gather [hbm4b:s1+s3], $0x80, v3, vm0, $0xb8;
	[tilespmem:$0x14080] =	vst v63  }
0x6a: {  	_ =	swait.ge [sflag:s26], $0x8000  }
0x6b: {  	[sflag:s26] =	ssyncset.done $0x0  }
0x6c: {  	s30 =	simm.s32 $0x0;
	[sflag:s26] =	ssyncadd.s32 $0xFFFF8000  }
.LBB2_2:
0x6d: {  	s31 =	sshll.u32 s30, $0xC  }
0x6e: {  	v3 =	vld [tilespmem:s31+$0x80]  }
0x6f: {  	v4 =	vld [tilespmem:s31+$0x8080]  }
0x70: {  	v5 =	vld [tilespmem:s31+$0x90]  }
0x71: {  	v6 =	vld [tilespmem:s31+$0x8090]  }
0x72: {  	v7 =	vld [tilespmem:s31+$0xA0]  }
0x73: {  	v8 =	vld [tilespmem:s31+$0x80A0]  }
0x74: {  	v45 =	vld [tilespmem:s31+$0xB0];
	v3 =	vmul.f32 v4, v3  }
0x75: {  	v9 =	vld [tilespmem:s31+$0x80B0]  }
0x76: {  	v46 =	vld [tilespmem:s31+$0xC0];
	v5 =	vmul.f32 v6, v5;
	v3 =	vadd.f32 $0.0e+00, v3  }
0x77: {  	v10 =	vld [tilespmem:s31+$0x80C0]  }
0x78: {  	v48 =	vld [tilespmem:s31+$0xD0];
	v47 =	vmul.f32 v8, v7;
	v3 =	vadd.f32 v5, v3  }
0x79: {  	v49 =	vld [tilespmem:s31+$0x80D0]  }
0x7a: {  	v50 =	vld [tilespmem:s31+$0xE0];
	v4 =	vmul.f32 v9, v45;
	v3 =	vadd.f32 v47, v3  }
0x7b: {  	v51 =	vld [tilespmem:s31+$0x80E0]  }
0x7c: {  	v53 =	vld [tilespmem:s31+$0xF0];
	v52 =	vmul.f32 v10, v46;
	v3 =	vadd.f32 v4, v3  }
0x7d: {  	v54 =	vld [tilespmem:s31+$0x80F0]  }
0x7e: {  	v56 =	vld [tilespmem:s31+$0x480];
	v55 =	vmul.f32 v49, v48;
	v3 =	vadd.f32 v52, v3  }
0x7f: {  	v57 =	vld [tilespmem:s31+$0x8480]  }
0x80: {  	v59 =	vld [tilespmem:s31+$0x490];
	v58 =	vmul.f32 v51, v50;
	v3 =	vadd.f32 v55, v3  }
0x81: {  	v60 =	vld [tilespmem:s31+$0x8490]  }
0x82: {  	v62 =	vld [tilespmem:s31+$0x4A0];
	v61 =	vmul.f32 v54, v53;
	v3 =	vadd.f32 v58, v3  }
0x83: {  	v63 =	vld [tilespmem:s31+$0x84A0]  }
0x84: {  	v13 =	vld [tilespmem:s31+$0x4B0];
	v12 =	vmul.f32 v57, v56;
	v3 =	vadd.f32 v61, v3  }
0x85: {  	v14 =	vld [tilespmem:s31+$0x84B0]  }
0x86: {  	v16 =	vld [tilespmem:s31+$0x4C0];
	v15 =	vmul.f32 v60, v59;
	v3 =	vadd.f32 v12, v3  }
0x87: {  	v17 =	vld [tilespmem:s31+$0x84C0]  }
0x88: {  	v19 =	vld [tilespmem:s31+$0x4D0];
	v18 =	vmul.f32 v63, v62;
	v3 =	vadd.f32 v15, v3  }
0x89: {  	v20 =	vld [tilespmem:s31+$0x84D0]  }
0x8a: {  	v22 =	vld [tilespmem:s31+$0x4E0];
	v21 =	vmul.f32 v14, v13;
	v3 =	vadd.f32 v18, v3  }
0x8b: {  	v23 =	vld [tilespmem:s31+$0x84E0]  }
0x8c: {  	v25 =	vld [tilespmem:s31+$0x4F0];
	v24 =	vmul.f32 v17, v16;
	v3 =	vadd.f32 v21, v3  }
0x8d: {  	v26 =	vld [tilespmem:s31+$0x84F0]  }
0x8e: {  	v27 =	vmul.f32 v20, v19;
	v3 =	vadd.f32 v24, v3;
	_ =	sdelay $0x1  }
0x8f: {  	v28 =	vmul.f32 v23, v22;
	v3 =	vadd.f32 v27, v3;
	_ =	sdelay $0x1  }
0x90: {  	v29 =	vmul.f32 v26, v25;
	v3 =	vadd.f32 v28, v3;
	_ =	sdelay $0x1  }
0x91: {  	s0 =	sshll.u32 s30, $0xB;
	v3 =	vadd.f32 v29, v3  }
0x92: {  	s0 =	sand.u32 $0x3FFFF800, s0  }
0x93: {  	[tilespmem:s0+$0x10080] =	vst v3  }
0x94: {  	v3 =	vld [tilespmem:s31+$0x100]  }
0x95: {  	v30 =	vld [tilespmem:s31+$0x8100]  }
0x96: {  	v31 =	vld [tilespmem:s31+$0x110]  }
0x97: {  	v32 =	vld [tilespmem:s31+$0x8110]  }
0x98: {  	v33 =	vld [tilespmem:s31+$0x120]  }
0x99: {  	v34 =	vld [tilespmem:s31+$0x8120]  }
0x9a: {  	v35 =	vld [tilespmem:s31+$0x130];
	v3 =	vmul.f32 v30, v3  }
0x9b: {  	v36 =	vld [tilespmem:s31+$0x8130]  }
0x9c: {  	v37 =	vld [tilespmem:s31+$0x140];
	v5 =	vmul.f32 v32, v31;
	v3 =	vadd.f32 $0.0e+00, v3  }
0x9d: {  	v38 =	vld [tilespmem:s31+$0x8140]  }
0x9e: {  	v40 =	vld [tilespmem:s31+$0x150];
	v39 =	vmul.f32 v34, v33;
	v3 =	vadd.f32 v5, v3  }
0x9f: {  	v41 =	vld [tilespmem:s31+$0x8150]  }
0xa0: {  	v42 =	vld [tilespmem:s31+$0x160];
	v4 =	vmul.f32 v36, v35;
	v3 =	vadd.f32 v39, v3  }
0xa1: {  	v43 =	vld [tilespmem:s31+$0x8160]  }
0xa2: {  	v45 =	vld [tilespmem:s31+$0x170];
	v44 =	vmul.f32 v38, v37;
	v3 =	vadd.f32 v4, v3  }
0xa3: {  	v46 =	vld [tilespmem:s31+$0x8170]  }
0xa4: {  	v48 =	vld [tilespmem:s31+$0x500];
	v47 =	vmul.f32 v41, v40;
	v3 =	vadd.f32 v44, v3  }
0xa5: {  	v49 =	vld [tilespmem:s31+$0x8500]  }
0xa6: {  	v51 =	vld [tilespmem:s31+$0x510];
	v50 =	vmul.f32 v43, v42;
	v3 =	vadd.f32 v47, v3  }
0xa7: {  	v52 =	vld [tilespmem:s31+$0x8510]  }
0xa8: {  	v54 =	vld [tilespmem:s31+$0x520];
	v53 =	vmul.f32 v46, v45;
	v3 =	vadd.f32 v50, v3  }
0xa9: {  	v55 =	vld [tilespmem:s31+$0x8520]  }
0xaa: {  	v57 =	vld [tilespmem:s31+$0x530];
	v56 =	vmul.f32 v49, v48;
	v3 =	vadd.f32 v53, v3  }
0xab: {  	v58 =	vld [tilespmem:s31+$0x8530]  }
0xac: {  	v60 =	vld [tilespmem:s31+$0x540];
	v59 =	vmul.f32 v52, v51;
	v3 =	vadd.f32 v56, v3  }
0xad: {  	v61 =	vld [tilespmem:s31+$0x8540]  }
0xae: {  	v63 =	vld [tilespmem:s31+$0x550];
	v62 =	vmul.f32 v55, v54;
	v3 =	vadd.f32 v59, v3  }
0xaf: {  	v12 =	vld [tilespmem:s31+$0x8550]  }
0xb0: {  	v14 =	vld [tilespmem:s31+$0x560];
	v13 =	vmul.f32 v58, v57;
	v3 =	vadd.f32 v62, v3  }
0xb1: {  	v15 =	vld [tilespmem:s31+$0x8560]  }
0xb2: {  	v17 =	vld [tilespmem:s31+$0x570];
	v16 =	vmul.f32 v61, v60;
	v3 =	vadd.f32 v13, v3  }
0xb3: {  	v18 =	vld [tilespmem:s31+$0x8570]  }
0xb4: {  	v19 =	vmul.f32 v12, v63;
	v3 =	vadd.f32 v16, v3;
	_ =	sdelay $0x1  }
0xb5: {  	v20 =	vmul.f32 v15, v14;
	v3 =	vadd.f32 v19, v3;
	_ =	sdelay $0x1  }
0xb6: {  	v21 =	vmul.f32 v18, v17;
	v3 =	vadd.f32 v20, v3;
	_ =	sdelay $0x1  }
0xb7: {  	v3 =	vadd.f32 v21, v3;
	_ =	sdelay $0x1  }
0xb8: {  	[tilespmem:s0+$0x10100] =	vst v3  }
0xb9: {  	v3 =	vld [tilespmem:s31+$0x180]  }
0xba: {  	v22 =	vld [tilespmem:s31+$0x8180]  }
0xbb: {  	v23 =	vld [tilespmem:s31+$0x190]  }
0xbc: {  	v24 =	vld [tilespmem:s31+$0x8190]  }
0xbd: {  	v25 =	vld [tilespmem:s31+$0x1A0]  }
0xbe: {  	v26 =	vld [tilespmem:s31+$0x81A0]  }
0xbf: {  	v27 =	vld [tilespmem:s31+$0x1B0];
	v3 =	vmul.f32 v22, v3  }
0xc0: {  	v28 =	vld [tilespmem:s31+$0x81B0]  }
0xc1: {  	v29 =	vld [tilespmem:s31+$0x1C0];
	v5 =	vmul.f32 v24, v23;
	v3 =	vadd.f32 $0.0e+00, v3  }
0xc2: {  	v30 =	vld [tilespmem:s31+$0x81C0]  }
0xc3: {  	v32 =	vld [tilespmem:s31+$0x1D0];
	v31 =	vmul.f32 v26, v25;
	v3 =	vadd.f32 v5, v3  }
0xc4: {  	v33 =	vld [tilespmem:s31+$0x81D0]  }
0xc5: {  	v34 =	vld [tilespmem:s31+$0x1E0];
	v4 =	vmul.f32 v28, v27;
	v3 =	vadd.f32 v31, v3  }
0xc6: {  	v35 =	vld [tilespmem:s31+$0x81E0]  }
0xc7: {  	v37 =	vld [tilespmem:s31+$0x1F0];
	v36 =	vmul.f32 v30, v29;
	v3 =	vadd.f32 v4, v3  }
0xc8: {  	v38 =	vld [tilespmem:s31+$0x81F0]  }
0xc9: {  	v40 =	vld [tilespmem:s31+$0x580];
	v39 =	vmul.f32 v33, v32;
	v3 =	vadd.f32 v36, v3  }
0xca: {  	v41 =	vld [tilespmem:s31+$0x8580]  }
0xcb: {  	v43 =	vld [tilespmem:s31+$0x590];
	v42 =	vmul.f32 v35, v34;
	v3 =	vadd.f32 v39, v3  }
0xcc: {  	v44 =	vld [tilespmem:s31+$0x8590]  }
0xcd: {  	v46 =	vld [tilespmem:s31+$0x5A0];
	v45 =	vmul.f32 v38, v37;
	v3 =	vadd.f32 v42, v3  }
0xce: {  	v47 =	vld [tilespmem:s31+$0x85A0]  }
0xcf: {  	v49 =	vld [tilespmem:s31+$0x5B0];
	v48 =	vmul.f32 v41, v40;
	v3 =	vadd.f32 v45, v3  }
0xd0: {  	v50 =	vld [tilespmem:s31+$0x85B0]  }
0xd1: {  	v52 =	vld [tilespmem:s31+$0x5C0];
	v51 =	vmul.f32 v44, v43;
	v3 =	vadd.f32 v48, v3  }
0xd2: {  	v53 =	vld [tilespmem:s31+$0x85C0]  }
0xd3: {  	v55 =	vld [tilespmem:s31+$0x5D0];
	v54 =	vmul.f32 v47, v46;
	v3 =	vadd.f32 v51, v3  }
0xd4: {  	v56 =	vld [tilespmem:s31+$0x85D0]  }
0xd5: {  	v58 =	vld [tilespmem:s31+$0x5E0];
	v57 =	vmul.f32 v50, v49;
	v3 =	vadd.f32 v54, v3  }
0xd6: {  	v59 =	vld [tilespmem:s31+$0x85E0]  }
0xd7: {  	v61 =	vld [tilespmem:s31+$0x5F0];
	v60 =	vmul.f32 v53, v52;
	v3 =	vadd.f32 v57, v3  }
0xd8: {  	v62 =	vld [tilespmem:s31+$0x85F0]  }
0xd9: {  	v63 =	vmul.f32 v56, v55;
	v3 =	vadd.f32 v60, v3;
	_ =	sdelay $0x1  }
0xda: {  	v10 =	vmul.f32 v59, v58;
	v3 =	vadd.f32 v63, v3;
	_ =	sdelay $0x1  }
0xdb: {  	v11 =	vmul.f32 v62, v61;
	v3 =	vadd.f32 v10, v3;
	_ =	sdelay $0x1  }
0xdc: {  	v3 =	vadd.f32 v11, v3;
	_ =	sdelay $0x1  }
0xdd: {  	[tilespmem:s0+$0x10180] =	vst v3  }
0xde: {  	v3 =	vld [tilespmem:s31+$0x200]  }
0xdf: {  	v12 =	vld [tilespmem:s31+$0x8200]  }
0xe0: {  	v13 =	vld [tilespmem:s31+$0x210]  }
0xe1: {  	v14 =	vld [tilespmem:s31+$0x8210]  }
0xe2: {  	v15 =	vld [tilespmem:s31+$0x220]  }
0xe3: {  	v16 =	vld [tilespmem:s31+$0x8220]  }
0xe4: {  	v17 =	vld [tilespmem:s31+$0x230];
	v3 =	vmul.f32 v12, v3  }
0xe5: {  	v18 =	vld [tilespmem:s31+$0x8230]  }
0xe6: {  	v19 =	vld [tilespmem:s31+$0x240];
	v5 =	vmul.f32 v14, v13;
	v3 =	vadd.f32 $0.0e+00, v3  }
0xe7: {  	v20 =	vld [tilespmem:s31+$0x8240]  }
0xe8: {  	v22 =	vld [tilespmem:s31+$0x250];
	v21 =	vmul.f32 v16, v15;
	v3 =	vadd.f32 v5, v3  }
0xe9: {  	v23 =	vld [tilespmem:s31+$0x8250]  }
0xea: {  	v24 =	vld [tilespmem:s31+$0x260];
	v4 =	vmul.f32 v18, v17;
	v3 =	vadd.f32 v21, v3  }
0xeb: {  	v25 =	vld [tilespmem:s31+$0x8260]  }
0xec: {  	v27 =	vld [tilespmem:s31+$0x270];
	v26 =	vmul.f32 v20, v19;
	v3 =	vadd.f32 v4, v3  }
0xed: {  	v28 =	vld [tilespmem:s31+$0x8270]  }
0xee: {  	v30 =	vld [tilespmem:s31+$0x600];
	v29 =	vmul.f32 v23, v22;
	v3 =	vadd.f32 v26, v3  }
0xef: {  	v31 =	vld [tilespmem:s31+$0x8600]  }
0xf0: {  	v33 =	vld [tilespmem:s31+$0x610];
	v32 =	vmul.f32 v25, v24;
	v3 =	vadd.f32 v29, v3  }
0xf1: {  	v34 =	vld [tilespmem:s31+$0x8610]  }
0xf2: {  	v36 =	vld [tilespmem:s31+$0x620];
	v35 =	vmul.f32 v28, v27;
	v3 =	vadd.f32 v32, v3  }
0xf3: {  	v37 =	vld [tilespmem:s31+$0x8620]  }
0xf4: {  	v39 =	vld [tilespmem:s31+$0x630];
	v38 =	vmul.f32 v31, v30;
	v3 =	vadd.f32 v35, v3  }
0xf5: {  	v40 =	vld [tilespmem:s31+$0x8630]  }
0xf6: {  	v42 =	vld [tilespmem:s31+$0x640];
	v41 =	vmul.f32 v34, v33;
	v3 =	vadd.f32 v38, v3  }
0xf7: {  	v43 =	vld [tilespmem:s31+$0x8640]  }
0xf8: {  	v45 =	vld [tilespmem:s31+$0x650];
	v44 =	vmul.f32 v37, v36;
	v3 =	vadd.f32 v41, v3  }
0xf9: {  	v46 =	vld [tilespmem:s31+$0x8650]  }
0xfa: {  	v48 =	vld [tilespmem:s31+$0x660];
	v47 =	vmul.f32 v40, v39;
	v3 =	vadd.f32 v44, v3  }
0xfb: {  	v49 =	vld [tilespmem:s31+$0x8660]  }
0xfc: {  	v51 =	vld [tilespmem:s31+$0x670];
	v50 =	vmul.f32 v43, v42;
	v3 =	vadd.f32 v47, v3  }
0xfd: {  	v52 =	vld [tilespmem:s31+$0x8670]  }
0xfe: {  	v53 =	vmul.f32 v46, v45;
	v3 =	vadd.f32 v50, v3;
	_ =	sdelay $0x1  }
0xff: {  	v54 =	vmul.f32 v49, v48;
	v3 =	vadd.f32 v53, v3;
	_ =	sdelay $0x1  }
0x100: {  	v55 =	vmul.f32 v52, v51;
	v3 =	vadd.f32 v54, v3;
	_ =	sdelay $0x1  }
0x101: {  	v3 =	vadd.f32 v55, v3;
	_ =	sdelay $0x1  }
0x102: {  	[tilespmem:s0+$0x10200] =	vst v3  }
0x103: {  	v3 =	vld [tilespmem:s31+$0x280]  }
0x104: {  	v56 =	vld [tilespmem:s31+$0x8280]  }
0x105: {  	v57 =	vld [tilespmem:s31+$0x290]  }
0x106: {  	v58 =	vld [tilespmem:s31+$0x8290]  }
0x107: {  	v59 =	vld [tilespmem:s31+$0x2A0]  }
0x108: {  	v60 =	vld [tilespmem:s31+$0x82A0]  }
0x109: {  	v61 =	vld [tilespmem:s31+$0x2B0];
	v3 =	vmul.f32 v56, v3  }
0x10a: {  	v62 =	vld [tilespmem:s31+$0x82B0]  }
0x10b: {  	v63 =	vld [tilespmem:s31+$0x2C0];
	v5 =	vmul.f32 v58, v57;
	v3 =	vadd.f32 $0.0e+00, v3  }
0x10c: {  	v12 =	vld [tilespmem:s31+$0x82C0]  }
0x10d: {  	v14 =	vld [tilespmem:s31+$0x2D0];
	v13 =	vmul.f32 v60, v59;
	v3 =	vadd.f32 v5, v3  }
0x10e: {  	v15 =	vld [tilespmem:s31+$0x82D0]  }
0x10f: {  	v16 =	vld [tilespmem:s31+$0x2E0];
	v4 =	vmul.f32 v62, v61;
	v3 =	vadd.f32 v13, v3  }
0x110: {  	v17 =	vld [tilespmem:s31+$0x82E0]  }
0x111: {  	v19 =	vld [tilespmem:s31+$0x2F0];
	v18 =	vmul.f32 v12, v63;
	v3 =	vadd.f32 v4, v3  }
0x112: {  	v20 =	vld [tilespmem:s31+$0x82F0]  }
0x113: {  	v22 =	vld [tilespmem:s31+$0x680];
	v21 =	vmul.f32 v15, v14;
	v3 =	vadd.f32 v18, v3  }
0x114: {  	v23 =	vld [tilespmem:s31+$0x8680]  }
0x115: {  	v25 =	vld [tilespmem:s31+$0x690];
	v24 =	vmul.f32 v17, v16;
	v3 =	vadd.f32 v21, v3  }
0x116: {  	v26 =	vld [tilespmem:s31+$0x8690]  }
0x117: {  	v28 =	vld [tilespmem:s31+$0x6A0];
	v27 =	vmul.f32 v20, v19;
	v3 =	vadd.f32 v24, v3  }
0x118: {  	v29 =	vld [tilespmem:s31+$0x86A0]  }
0x119: {  	v31 =	vld [tilespmem:s31+$0x6B0];
	v30 =	vmul.f32 v23, v22;
	v3 =	vadd.f32 v27, v3  }
0x11a: {  	v32 =	vld [tilespmem:s31+$0x86B0]  }
0x11b: {  	v34 =	vld [tilespmem:s31+$0x6C0];
	v33 =	vmul.f32 v26, v25;
	v3 =	vadd.f32 v30, v3  }
0x11c: {  	v35 =	vld [tilespmem:s31+$0x86C0]  }
0x11d: {  	v37 =	vld [tilespmem:s31+$0x6D0];
	v36 =	vmul.f32 v29, v28;
	v3 =	vadd.f32 v33, v3  }
0x11e: {  	v38 =	vld [tilespmem:s31+$0x86D0]  }
0x11f: {  	v40 =	vld [tilespmem:s31+$0x6E0];
	v39 =	vmul.f32 v32, v31;
	v3 =	vadd.f32 v36, v3  }
0x120: {  	v41 =	vld [tilespmem:s31+$0x86E0]  }
0x121: {  	v43 =	vld [tilespmem:s31+$0x6F0];
	v42 =	vmul.f32 v35, v34;
	v3 =	vadd.f32 v39, v3  }
0x122: {  	v44 =	vld [tilespmem:s31+$0x86F0]  }
0x123: {  	v45 =	vmul.f32 v38, v37;
	v3 =	vadd.f32 v42, v3;
	_ =	sdelay $0x1  }
0x124: {  	v46 =	vmul.f32 v41, v40;
	v3 =	vadd.f32 v45, v3;
	_ =	sdelay $0x1  }
0x125: {  	v47 =	vmul.f32 v44, v43;
	v3 =	vadd.f32 v46, v3;
	_ =	sdelay $0x1  }
0x126: {  	v3 =	vadd.f32 v47, v3;
	_ =	sdelay $0x1  }
0x127: {  	[tilespmem:s0+$0x10280] =	vst v3  }
0x128: {  	v3 =	vld [tilespmem:s31+$0x300]  }
0x129: {  	v48 =	vld [tilespmem:s31+$0x8300]  }
0x12a: {  	v49 =	vld [tilespmem:s31+$0x310]  }
0x12b: {  	v50 =	vld [tilespmem:s31+$0x8310]  }
0x12c: {  	v51 =	vld [tilespmem:s31+$0x320]  }
0x12d: {  	v52 =	vld [tilespmem:s31+$0x8320]  }
0x12e: {  	v53 =	vld [tilespmem:s31+$0x330];
	v3 =	vmul.f32 v48, v3  }
0x12f: {  	v54 =	vld [tilespmem:s31+$0x8330]  }
0x130: {  	v55 =	vld [tilespmem:s31+$0x340];
	v5 =	vmul.f32 v50, v49;
	v3 =	vadd.f32 $0.0e+00, v3  }
0x131: {  	v56 =	vld [tilespmem:s31+$0x8340]  }
0x132: {  	v58 =	vld [tilespmem:s31+$0x350];
	v57 =	vmul.f32 v52, v51;
	v3 =	vadd.f32 v5, v3  }
0x133: {  	v59 =	vld [tilespmem:s31+$0x8350]  }
0x134: {  	v60 =	vld [tilespmem:s31+$0x360];
	v4 =	vmul.f32 v54, v53;
	v3 =	vadd.f32 v57, v3  }
0x135: {  	v61 =	vld [tilespmem:s31+$0x8360]  }
0x136: {  	v63 =	vld [tilespmem:s31+$0x370];
	v62 =	vmul.f32 v56, v55;
	v3 =	vadd.f32 v4, v3  }
0x137: {  	v12 =	vld [tilespmem:s31+$0x8370]  }
0x138: {  	v14 =	vld [tilespmem:s31+$0x700];
	v13 =	vmul.f32 v59, v58;
	v3 =	vadd.f32 v62, v3  }
0x139: {  	v15 =	vld [tilespmem:s31+$0x8700]  }
0x13a: {  	v17 =	vld [tilespmem:s31+$0x710];
	v16 =	vmul.f32 v61, v60;
	v3 =	vadd.f32 v13, v3  }
0x13b: {  	v18 =	vld [tilespmem:s31+$0x8710]  }
0x13c: {  	v20 =	vld [tilespmem:s31+$0x720];
	v19 =	vmul.f32 v12, v63;
	v3 =	vadd.f32 v16, v3  }
0x13d: {  	v21 =	vld [tilespmem:s31+$0x8720]  }
0x13e: {  	v23 =	vld [tilespmem:s31+$0x730];
	v22 =	vmul.f32 v15, v14;
	v3 =	vadd.f32 v19, v3  }
0x13f: {  	v24 =	vld [tilespmem:s31+$0x8730]  }
0x140: {  	v26 =	vld [tilespmem:s31+$0x740];
	v25 =	vmul.f32 v18, v17;
	v3 =	vadd.f32 v22, v3  }
0x141: {  	v27 =	vld [tilespmem:s31+$0x8740]  }
0x142: {  	v29 =	vld [tilespmem:s31+$0x750];
	v28 =	vmul.f32 v21, v20;
	v3 =	vadd.f32 v25, v3  }
0x143: {  	v30 =	vld [tilespmem:s31+$0x8750]  }
0x144: {  	v32 =	vld [tilespmem:s31+$0x760];
	v31 =	vmul.f32 v24, v23;
	v3 =	vadd.f32 v28, v3  }
0x145: {  	v33 =	vld [tilespmem:s31+$0x8760]  }
0x146: {  	v35 =	vld [tilespmem:s31+$0x770];
	v34 =	vmul.f32 v27, v26;
	v3 =	vadd.f32 v31, v3  }
0x147: {  	v36 =	vld [tilespmem:s31+$0x8770]  }
0x148: {  	v37 =	vmul.f32 v30, v29;
	v3 =	vadd.f32 v34, v3;
	_ =	sdelay $0x1  }
0x149: {  	v38 =	vmul.f32 v33, v32;
	v3 =	vadd.f32 v37, v3;
	_ =	sdelay $0x1  }
0x14a: {  	v39 =	vmul.f32 v36, v35;
	v3 =	vadd.f32 v38, v3;
	_ =	sdelay $0x1  }
0x14b: {  	v3 =	vadd.f32 v39, v3;
	_ =	sdelay $0x1  }
0x14c: {  	[tilespmem:s0+$0x10300] =	vst v3  }
0x14d: {  	v3 =	vld [tilespmem:s31+$0x380]  }
0x14e: {  	v40 =	vld [tilespmem:s31+$0x8380]  }
0x14f: {  	v41 =	vld [tilespmem:s31+$0x390]  }
0x150: {  	v42 =	vld [tilespmem:s31+$0x8390]  }
0x151: {  	v43 =	vld [tilespmem:s31+$0x3A0]  }
0x152: {  	v44 =	vld [tilespmem:s31+$0x83A0]  }
0x153: {  	v45 =	vld [tilespmem:s31+$0x3B0];
	v3 =	vmul.f32 v40, v3  }
0x154: {  	v46 =	vld [tilespmem:s31+$0x83B0]  }
0x155: {  	v47 =	vld [tilespmem:s31+$0x3C0];
	v5 =	vmul.f32 v42, v41;
	v3 =	vadd.f32 $0.0e+00, v3  }
0x156: {  	v48 =	vld [tilespmem:s31+$0x83C0]  }
0x157: {  	v50 =	vld [tilespmem:s31+$0x3D0];
	v49 =	vmul.f32 v44, v43;
	v3 =	vadd.f32 v5, v3  }
0x158: {  	v51 =	vld [tilespmem:s31+$0x83D0]  }
0x159: {  	v52 =	vld [tilespmem:s31+$0x3E0];
	v4 =	vmul.f32 v46, v45;
	v3 =	vadd.f32 v49, v3  }
0x15a: {  	v53 =	vld [tilespmem:s31+$0x83E0]  }
0x15b: {  	v55 =	vld [tilespmem:s31+$0x3F0];
	v54 =	vmul.f32 v48, v47;
	v3 =	vadd.f32 v4, v3  }
0x15c: {  	v56 =	vld [tilespmem:s31+$0x83F0]  }
0x15d: {  	v58 =	vld [tilespmem:s31+$0x780];
	v57 =	vmul.f32 v51, v50;
	v3 =	vadd.f32 v54, v3  }
0x15e: {  	v59 =	vld [tilespmem:s31+$0x8780]  }
0x15f: {  	v61 =	vld [tilespmem:s31+$0x790];
	v60 =	vmul.f32 v53, v52;
	v3 =	vadd.f32 v57, v3  }
0x160: {  	v62 =	vld [tilespmem:s31+$0x8790]  }
0x161: {  	v12 =	vld [tilespmem:s31+$0x7A0];
	v63 =	vmul.f32 v56, v55;
	v3 =	vadd.f32 v60, v3  }
0x162: {  	v13 =	vld [tilespmem:s31+$0x87A0]  }
0x163: {  	v15 =	vld [tilespmem:s31+$0x7B0];
	v14 =	vmul.f32 v59, v58;
	v3 =	vadd.f32 v63, v3  }
0x164: {  	v16 =	vld [tilespmem:s31+$0x87B0]  }
0x165: {  	v18 =	vld [tilespmem:s31+$0x7C0];
	v17 =	vmul.f32 v62, v61;
	v3 =	vadd.f32 v14, v3  }
0x166: {  	v19 =	vld [tilespmem:s31+$0x87C0]  }
0x167: {  	v21 =	vld [tilespmem:s31+$0x7D0];
	v20 =	vmul.f32 v13, v12;
	v3 =	vadd.f32 v17, v3  }
0x168: {  	v22 =	vld [tilespmem:s31+$0x87D0]  }
0x169: {  	v24 =	vld [tilespmem:s31+$0x7E0];
	v23 =	vmul.f32 v16, v15;
	v3 =	vadd.f32 v20, v3  }
0x16a: {  	v25 =	vld [tilespmem:s31+$0x87E0]  }
0x16b: {  	v27 =	vld [tilespmem:s31+$0x7F0];
	v26 =	vmul.f32 v19, v18;
	v3 =	vadd.f32 v23, v3  }
0x16c: {  	v28 =	vld [tilespmem:s31+$0x87F0]  }
0x16d: {  	v29 =	vmul.f32 v22, v21;
	v3 =	vadd.f32 v26, v3;
	_ =	sdelay $0x1  }
0x16e: {  	v30 =	vmul.f32 v25, v24;
	v3 =	vadd.f32 v29, v3;
	_ =	sdelay $0x1  }
0x16f: {  	v31 =	vmul.f32 v28, v27;
	v3 =	vadd.f32 v30, v3;
	_ =	sdelay $0x1  }
0x170: {  	v3 =	vadd.f32 v31, v3;
	_ =	sdelay $0x1  }
0x171: {  	[tilespmem:s0+$0x10380] =	vst v3  }
0x172: {  	v3 =	vld [tilespmem:s31+$0x400]  }
0x173: {  	v32 =	vld [tilespmem:s31+$0x8400]  }
0x174: {  	v33 =	vld [tilespmem:s31+$0x410]  }
0x175: {  	v34 =	vld [tilespmem:s31+$0x8410]  }
0x176: {  	v35 =	vld [tilespmem:s31+$0x420]  }
0x177: {  	v36 =	vld [tilespmem:s31+$0x8420]  }
0x178: {  	v37 =	vld [tilespmem:s31+$0x430];
	v3 =	vmul.f32 v32, v3  }
0x179: {  	v38 =	vld [tilespmem:s31+$0x8430]  }
0x17a: {  	v39 =	vld [tilespmem:s31+$0x440];
	v5 =	vmul.f32 v34, v33;
	v3 =	vadd.f32 $0.0e+00, v3  }
0x17b: {  	v40 =	vld [tilespmem:s31+$0x8440]  }
0x17c: {  	v42 =	vld [tilespmem:s31+$0x450];
	v41 =	vmul.f32 v36, v35;
	v3 =	vadd.f32 v5, v3  }
0x17d: {  	v43 =	vld [tilespmem:s31+$0x8450]  }
0x17e: {  	v44 =	vld [tilespmem:s31+$0x460];
	v4 =	vmul.f32 v38, v37;
	v3 =	vadd.f32 v41, v3  }
0x17f: {  	v45 =	vld [tilespmem:s31+$0x8460]  }
0x180: {  	v47 =	vld [tilespmem:s31+$0x470];
	v46 =	vmul.f32 v40, v39;
	v3 =	vadd.f32 v4, v3  }
0x181: {  	v48 =	vld [tilespmem:s31+$0x8470]  }
0x182: {  	v50 =	vld [tilespmem:s31+$0x800];
	v49 =	vmul.f32 v43, v42;
	v3 =	vadd.f32 v46, v3  }
0x183: {  	v51 =	vld [tilespmem:s31+$0x8800]  }
0x184: {  	v53 =	vld [tilespmem:s31+$0x810];
	v52 =	vmul.f32 v45, v44;
	v3 =	vadd.f32 v49, v3  }
0x185: {  	v54 =	vld [tilespmem:s31+$0x8810]  }
0x186: {  	v56 =	vld [tilespmem:s31+$0x820];
	v55 =	vmul.f32 v48, v47;
	v3 =	vadd.f32 v52, v3  }
0x187: {  	v57 =	vld [tilespmem:s31+$0x8820]  }
0x188: {  	v59 =	vld [tilespmem:s31+$0x830];
	v58 =	vmul.f32 v51, v50;
	v3 =	vadd.f32 v55, v3  }
0x189: {  	v60 =	vld [tilespmem:s31+$0x8830]  }
0x18a: {  	v62 =	vld [tilespmem:s31+$0x840];
	v61 =	vmul.f32 v54, v53;
	v3 =	vadd.f32 v58, v3  }
0x18b: {  	v63 =	vld [tilespmem:s31+$0x8840]  }
0x18c: {  	v13 =	vld [tilespmem:s31+$0x850];
	v12 =	vmul.f32 v57, v56;
	v3 =	vadd.f32 v61, v3  }
0x18d: {  	v14 =	vld [tilespmem:s31+$0x8850]  }
0x18e: {  	v16 =	vld [tilespmem:s31+$0x860];
	v15 =	vmul.f32 v60, v59;
	v3 =	vadd.f32 v12, v3  }
0x18f: {  	v17 =	vld [tilespmem:s31+$0x8860]  }
0x190: {  	v19 =	vld [tilespmem:s31+$0x870];
	v18 =	vmul.f32 v63, v62;
	v3 =	vadd.f32 v15, v3  }
0x191: {  	v20 =	vld [tilespmem:s31+$0x8870]  }
0x192: {  	v21 =	vmul.f32 v14, v13;
	v3 =	vadd.f32 v18, v3;
	_ =	sdelay $0x1  }
0x193: {  	v22 =	vmul.f32 v17, v16;
	v3 =	vadd.f32 v21, v3;
	_ =	sdelay $0x1  }
0x194: {  	v23 =	vmul.f32 v20, v19;
	v3 =	vadd.f32 v22, v3;
	_ =	sdelay $0x1  }
0x195: {  	s31 =	sshll.u32 s30, $0x4;
	v3 =	vadd.f32 v23, v3  }
0x196: {  	s2 =	sor.u32 $0x8, s31  }
0x197: {  	s9 =	sshll.u32 s2, $0x8;
	[tilespmem:s0+$0x10400] =	vst v3  }
0x198: {  	v3 =	vld [tilespmem:s9+$0x80]  }
0x199: {  	v24 =	vld [tilespmem:s9+$0x8080]  }
0x19a: {  	v25 =	vld [tilespmem:s9+$0x90]  }
0x19b: {  	v26 =	vld [tilespmem:s9+$0x8090]  }
0x19c: {  	v27 =	vld [tilespmem:s9+$0xA0]  }
0x19d: {  	v28 =	vld [tilespmem:s9+$0x80A0]  }
0x19e: {  	v29 =	vld [tilespmem:s9+$0xB0];
	v3 =	vmul.f32 v24, v3  }
0x19f: {  	v30 =	vld [tilespmem:s9+$0x80B0]  }
0x1a0: {  	v31 =	vld [tilespmem:s9+$0xC0];
	v5 =	vmul.f32 v26, v25;
	v3 =	vadd.f32 $0.0e+00, v3  }
0x1a1: {  	v32 =	vld [tilespmem:s9+$0x80C0]  }
0x1a2: {  	v34 =	vld [tilespmem:s9+$0xD0];
	v33 =	vmul.f32 v28, v27;
	v3 =	vadd.f32 v5, v3  }
0x1a3: {  	v35 =	vld [tilespmem:s9+$0x80D0]  }
0x1a4: {  	v36 =	vld [tilespmem:s9+$0xE0];
	v4 =	vmul.f32 v30, v29;
	v3 =	vadd.f32 v33, v3  }
0x1a5: {  	v37 =	vld [tilespmem:s9+$0x80E0]  }
0x1a6: {  	v39 =	vld [tilespmem:s9+$0xF0];
	v38 =	vmul.f32 v32, v31;
	v3 =	vadd.f32 v4, v3  }
0x1a7: {  	v40 =	vld [tilespmem:s9+$0x80F0]  }
0x1a8: {  	v42 =	vld [tilespmem:s9+$0x480];
	v41 =	vmul.f32 v35, v34;
	v3 =	vadd.f32 v38, v3  }
0x1a9: {  	v43 =	vld [tilespmem:s9+$0x8480]  }
0x1aa: {  	v45 =	vld [tilespmem:s9+$0x490];
	v44 =	vmul.f32 v37, v36;
	v3 =	vadd.f32 v41, v3  }
0x1ab: {  	v46 =	vld [tilespmem:s9+$0x8490]  }
0x1ac: {  	v48 =	vld [tilespmem:s9+$0x4A0];
	v47 =	vmul.f32 v40, v39;
	v3 =	vadd.f32 v44, v3  }
0x1ad: {  	v49 =	vld [tilespmem:s9+$0x84A0]  }
0x1ae: {  	v51 =	vld [tilespmem:s9+$0x4B0];
	v50 =	vmul.f32 v43, v42;
	v3 =	vadd.f32 v47, v3  }
0x1af: {  	v52 =	vld [tilespmem:s9+$0x84B0]  }
0x1b0: {  	v54 =	vld [tilespmem:s9+$0x4C0];
	v53 =	vmul.f32 v46, v45;
	v3 =	vadd.f32 v50, v3  }
0x1b1: {  	v55 =	vld [tilespmem:s9+$0x84C0]  }
0x1b2: {  	v57 =	vld [tilespmem:s9+$0x4D0];
	v56 =	vmul.f32 v49, v48;
	v3 =	vadd.f32 v53, v3  }
0x1b3: {  	v58 =	vld [tilespmem:s9+$0x84D0]  }
0x1b4: {  	v60 =	vld [tilespmem:s9+$0x4E0];
	v59 =	vmul.f32 v52, v51;
	v3 =	vadd.f32 v56, v3  }
0x1b5: {  	v61 =	vld [tilespmem:s9+$0x84E0]  }
0x1b6: {  	v63 =	vld [tilespmem:s9+$0x4F0];
	v62 =	vmul.f32 v55, v54;
	v3 =	vadd.f32 v59, v3  }
0x1b7: {  	v12 =	vld [tilespmem:s9+$0x84F0]  }
0x1b8: {  	v13 =	vmul.f32 v58, v57;
	v3 =	vadd.f32 v62, v3;
	_ =	sdelay $0x1  }
0x1b9: {  	v14 =	vmul.f32 v61, v60;
	v3 =	vadd.f32 v13, v3;
	_ =	sdelay $0x1  }
0x1ba: {  	v15 =	vmul.f32 v12, v63;
	v3 =	vadd.f32 v14, v3;
	_ =	sdelay $0x1  }
0x1bb: {  	s2 =	sshll.u32 s2, $0x7;
	s0 =	sor.u32 $0x9, s31;
	v3 =	vadd.f32 v15, v3  }
0x1bc: {  	s2 =	sand.u32 $0x3FFFFC00, s2;
	s9 =	sshll.u32 s0, $0x8  }
0x1bd: {  	s9 =	sand.u32 $0x7800, s9;
	[tilespmem:s2+$0x10080] =	vst v3  }
0x1be: {  	v3 =	vld [tilespmem:s9+$0x100]  }
0x1bf: {  	v16 =	vld [tilespmem:s9+$0x8100]  }
0x1c0: {  	v17 =	vld [tilespmem:s9+$0x110]  }
0x1c1: {  	v18 =	vld [tilespmem:s9+$0x8110]  }
0x1c2: {  	v19 =	vld [tilespmem:s9+$0x120]  }
0x1c3: {  	v20 =	vld [tilespmem:s9+$0x8120]  }
0x1c4: {  	v21 =	vld [tilespmem:s9+$0x130];
	v3 =	vmul.f32 v16, v3  }
0x1c5: {  	v22 =	vld [tilespmem:s9+$0x8130]  }
0x1c6: {  	v23 =	vld [tilespmem:s9+$0x140];
	v5 =	vmul.f32 v18, v17;
	v3 =	vadd.f32 $0.0e+00, v3  }
0x1c7: {  	v24 =	vld [tilespmem:s9+$0x8140]  }
0x1c8: {  	v26 =	vld [tilespmem:s9+$0x150];
	v25 =	vmul.f32 v20, v19;
	v3 =	vadd.f32 v5, v3  }
0x1c9: {  	v27 =	vld [tilespmem:s9+$0x8150]  }
0x1ca: {  	v28 =	vld [tilespmem:s9+$0x160];
	v4 =	vmul.f32 v22, v21;
	v3 =	vadd.f32 v25, v3  }
0x1cb: {  	v29 =	vld [tilespmem:s9+$0x8160]  }
0x1cc: {  	v31 =	vld [tilespmem:s9+$0x170];
	v30 =	vmul.f32 v24, v23;
	v3 =	vadd.f32 v4, v3  }
0x1cd: {  	v32 =	vld [tilespmem:s9+$0x8170]  }
0x1ce: {  	v34 =	vld [tilespmem:s9+$0x500];
	v33 =	vmul.f32 v27, v26;
	v3 =	vadd.f32 v30, v3  }
0x1cf: {  	v35 =	vld [tilespmem:s9+$0x8500]  }
0x1d0: {  	v37 =	vld [tilespmem:s9+$0x510];
	v36 =	vmul.f32 v29, v28;
	v3 =	vadd.f32 v33, v3  }
0x1d1: {  	v38 =	vld [tilespmem:s9+$0x8510]  }
0x1d2: {  	v40 =	vld [tilespmem:s9+$0x520];
	v39 =	vmul.f32 v32, v31;
	v3 =	vadd.f32 v36, v3  }
0x1d3: {  	v41 =	vld [tilespmem:s9+$0x8520]  }
0x1d4: {  	v43 =	vld [tilespmem:s9+$0x530];
	v42 =	vmul.f32 v35, v34;
	v3 =	vadd.f32 v39, v3  }
0x1d5: {  	v44 =	vld [tilespmem:s9+$0x8530]  }
0x1d6: {  	v46 =	vld [tilespmem:s9+$0x540];
	v45 =	vmul.f32 v38, v37;
	v3 =	vadd.f32 v42, v3  }
0x1d7: {  	v47 =	vld [tilespmem:s9+$0x8540]  }
0x1d8: {  	v49 =	vld [tilespmem:s9+$0x550];
	v48 =	vmul.f32 v41, v40;
	v3 =	vadd.f32 v45, v3  }
0x1d9: {  	v50 =	vld [tilespmem:s9+$0x8550]  }
0x1da: {  	v52 =	vld [tilespmem:s9+$0x560];
	v51 =	vmul.f32 v44, v43;
	v3 =	vadd.f32 v48, v3  }
0x1db: {  	v53 =	vld [tilespmem:s9+$0x8560]  }
0x1dc: {  	v55 =	vld [tilespmem:s9+$0x570];
	v54 =	vmul.f32 v47, v46;
	v3 =	vadd.f32 v51, v3  }
0x1dd: {  	v56 =	vld [tilespmem:s9+$0x8570]  }
0x1de: {  	v57 =	vmul.f32 v50, v49;
	v3 =	vadd.f32 v54, v3;
	_ =	sdelay $0x1  }
0x1df: {  	v58 =	vmul.f32 v53, v52;
	v3 =	vadd.f32 v57, v3;
	_ =	sdelay $0x1  }
0x1e0: {  	v59 =	vmul.f32 v56, v55;
	v3 =	vadd.f32 v58, v3;
	_ =	sdelay $0x1  }
0x1e1: {  	s9 =	sshll.u32 s0, $0x7;
	s0 =	sor.u32 $0xA, s31;
	v3 =	vadd.f32 v59, v3  }
0x1e2: {  	s2 =	sand.u32 $0x3FFFFC80, s9;
	s9 =	sshll.u32 s0, $0x8  }
0x1e3: {  	s9 =	sand.u32 $0x7800, s9;
	[tilespmem:s2+$0x10080] =	vst v3  }
0x1e4: {  	v3 =	vld [tilespmem:s9+$0x180]  }
0x1e5: {  	v60 =	vld [tilespmem:s9+$0x8180]  }
0x1e6: {  	v61 =	vld [tilespmem:s9+$0x190]  }
0x1e7: {  	v62 =	vld [tilespmem:s9+$0x8190]  }
0x1e8: {  	v63 =	vld [tilespmem:s9+$0x1A0]  }
0x1e9: {  	v12 =	vld [tilespmem:s9+$0x81A0]  }
0x1ea: {  	v13 =	vld [tilespmem:s9+$0x1B0];
	v3 =	vmul.f32 v60, v3  }
0x1eb: {  	v14 =	vld [tilespmem:s9+$0x81B0]  }
0x1ec: {  	v15 =	vld [tilespmem:s9+$0x1C0];
	v5 =	vmul.f32 v62, v61;
	v3 =	vadd.f32 $0.0e+00, v3  }
0x1ed: {  	v16 =	vld [tilespmem:s9+$0x81C0]  }
0x1ee: {  	v18 =	vld [tilespmem:s9+$0x1D0];
	v17 =	vmul.f32 v12, v63;
	v3 =	vadd.f32 v5, v3  }
0x1ef: {  	v19 =	vld [tilespmem:s9+$0x81D0]  }
0x1f0: {  	v20 =	vld [tilespmem:s9+$0x1E0];
	v4 =	vmul.f32 v14, v13;
	v3 =	vadd.f32 v17, v3  }
0x1f1: {  	v21 =	vld [tilespmem:s9+$0x81E0]  }
0x1f2: {  	v23 =	vld [tilespmem:s9+$0x1F0];
	v22 =	vmul.f32 v16, v15;
	v3 =	vadd.f32 v4, v3  }
0x1f3: {  	v24 =	vld [tilespmem:s9+$0x81F0]  }
0x1f4: {  	v26 =	vld [tilespmem:s9+$0x580];
	v25 =	vmul.f32 v19, v18;
	v3 =	vadd.f32 v22, v3  }
0x1f5: {  	v27 =	vld [tilespmem:s9+$0x8580]  }
0x1f6: {  	v29 =	vld [tilespmem:s9+$0x590];
	v28 =	vmul.f32 v21, v20;
	v3 =	vadd.f32 v25, v3  }
0x1f7: {  	v30 =	vld [tilespmem:s9+$0x8590]  }
0x1f8: {  	v32 =	vld [tilespmem:s9+$0x5A0];
	v31 =	vmul.f32 v24, v23;
	v3 =	vadd.f32 v28, v3  }
0x1f9: {  	v33 =	vld [tilespmem:s9+$0x85A0]  }
0x1fa: {  	v35 =	vld [tilespmem:s9+$0x5B0];
	v34 =	vmul.f32 v27, v26;
	v3 =	vadd.f32 v31, v3  }
0x1fb: {  	v36 =	vld [tilespmem:s9+$0x85B0]  }
0x1fc: {  	v38 =	vld [tilespmem:s9+$0x5C0];
	v37 =	vmul.f32 v30, v29;
	v3 =	vadd.f32 v34, v3  }
0x1fd: {  	v39 =	vld [tilespmem:s9+$0x85C0]  }
0x1fe: {  	v41 =	vld [tilespmem:s9+$0x5D0];
	v40 =	vmul.f32 v33, v32;
	v3 =	vadd.f32 v37, v3  }
0x1ff: {  	v42 =	vld [tilespmem:s9+$0x85D0]  }
0x200: {  	v44 =	vld [tilespmem:s9+$0x5E0];
	v43 =	vmul.f32 v36, v35;
	v3 =	vadd.f32 v40, v3  }
0x201: {  	v45 =	vld [tilespmem:s9+$0x85E0]  }
0x202: {  	v47 =	vld [tilespmem:s9+$0x5F0];
	v46 =	vmul.f32 v39, v38;
	v3 =	vadd.f32 v43, v3  }
0x203: {  	v48 =	vld [tilespmem:s9+$0x85F0]  }
0x204: {  	v49 =	vmul.f32 v42, v41;
	v3 =	vadd.f32 v46, v3;
	_ =	sdelay $0x1  }
0x205: {  	v50 =	vmul.f32 v45, v44;
	v3 =	vadd.f32 v49, v3;
	_ =	sdelay $0x1  }
0x206: {  	v51 =	vmul.f32 v48, v47;
	v3 =	vadd.f32 v50, v3;
	_ =	sdelay $0x1  }
0x207: {  	s9 =	sshll.u32 s0, $0x7;
	s0 =	sor.u32 $0xB, s31;
	v3 =	vadd.f32 v51, v3  }
0x208: {  	s2 =	sand.u32 $0x3FFFFD00, s9;
	s9 =	sshll.u32 s0, $0x8  }
0x209: {  	s9 =	sand.u32 $0x7800, s9;
	[tilespmem:s2+$0x10080] =	vst v3  }
0x20a: {  	v3 =	vld [tilespmem:s9+$0x200]  }
0x20b: {  	v52 =	vld [tilespmem:s9+$0x8200]  }
0x20c: {  	v53 =	vld [tilespmem:s9+$0x210]  }
0x20d: {  	v54 =	vld [tilespmem:s9+$0x8210]  }
0x20e: {  	v55 =	vld [tilespmem:s9+$0x220]  }
0x20f: {  	v56 =	vld [tilespmem:s9+$0x8220]  }
0x210: {  	v57 =	vld [tilespmem:s9+$0x230];
	v3 =	vmul.f32 v52, v3  }
0x211: {  	v58 =	vld [tilespmem:s9+$0x8230]  }
0x212: {  	v59 =	vld [tilespmem:s9+$0x240];
	v5 =	vmul.f32 v54, v53;
	v3 =	vadd.f32 $0.0e+00, v3  }
0x213: {  	v60 =	vld [tilespmem:s9+$0x8240]  }
0x214: {  	v62 =	vld [tilespmem:s9+$0x250];
	v61 =	vmul.f32 v56, v55;
	v3 =	vadd.f32 v5, v3  }
0x215: {  	v63 =	vld [tilespmem:s9+$0x8250]  }
0x216: {  	v12 =	vld [tilespmem:s9+$0x260];
	v4 =	vmul.f32 v58, v57;
	v3 =	vadd.f32 v61, v3  }
0x217: {  	v13 =	vld [tilespmem:s9+$0x8260]  }
0x218: {  	v15 =	vld [tilespmem:s9+$0x270];
	v14 =	vmul.f32 v60, v59;
	v3 =	vadd.f32 v4, v3  }
0x219: {  	v16 =	vld [tilespmem:s9+$0x8270]  }
0x21a: {  	v18 =	vld [tilespmem:s9+$0x600];
	v17 =	vmul.f32 v63, v62;
	v3 =	vadd.f32 v14, v3  }
0x21b: {  	v19 =	vld [tilespmem:s9+$0x8600]  }
0x21c: {  	v21 =	vld [tilespmem:s9+$0x610];
	v20 =	vmul.f32 v13, v12;
	v3 =	vadd.f32 v17, v3  }
0x21d: {  	v22 =	vld [tilespmem:s9+$0x8610]  }
0x21e: {  	v24 =	vld [tilespmem:s9+$0x620];
	v23 =	vmul.f32 v16, v15;
	v3 =	vadd.f32 v20, v3  }
0x21f: {  	v25 =	vld [tilespmem:s9+$0x8620]  }
0x220: {  	v27 =	vld [tilespmem:s9+$0x630];
	v26 =	vmul.f32 v19, v18;
	v3 =	vadd.f32 v23, v3  }
0x221: {  	v28 =	vld [tilespmem:s9+$0x8630]  }
0x222: {  	v30 =	vld [tilespmem:s9+$0x640];
	v29 =	vmul.f32 v22, v21;
	v3 =	vadd.f32 v26, v3  }
0x223: {  	v31 =	vld [tilespmem:s9+$0x8640]  }
0x224: {  	v33 =	vld [tilespmem:s9+$0x650];
	v32 =	vmul.f32 v25, v24;
	v3 =	vadd.f32 v29, v3  }
0x225: {  	v34 =	vld [tilespmem:s9+$0x8650]  }
0x226: {  	v36 =	vld [tilespmem:s9+$0x660];
	v35 =	vmul.f32 v28, v27;
	v3 =	vadd.f32 v32, v3  }
0x227: {  	v37 =	vld [tilespmem:s9+$0x8660]  }
0x228: {  	v39 =	vld [tilespmem:s9+$0x670];
	v38 =	vmul.f32 v31, v30;
	v3 =	vadd.f32 v35, v3  }
0x229: {  	v40 =	vld [tilespmem:s9+$0x8670]  }
0x22a: {  	v41 =	vmul.f32 v34, v33;
	v3 =	vadd.f32 v38, v3;
	_ =	sdelay $0x1  }
0x22b: {  	v42 =	vmul.f32 v37, v36;
	v3 =	vadd.f32 v41, v3;
	_ =	sdelay $0x1  }
0x22c: {  	v43 =	vmul.f32 v40, v39;
	v3 =	vadd.f32 v42, v3;
	_ =	sdelay $0x1  }
0x22d: {  	s9 =	sshll.u32 s0, $0x7;
	s0 =	sor.u32 $0xC, s31;
	v3 =	vadd.f32 v43, v3  }
0x22e: {  	s2 =	sand.u32 $0x3FFFFD80, s9;
	s9 =	sshll.u32 s0, $0x8  }
0x22f: {  	[tilespmem:s2+$0x10080] =	vst v3;
	s2 =	sand.u32 $0x7800, s9  }
0x230: {  	v3 =	vld [tilespmem:s2+$0x280]  }
0x231: {  	v44 =	vld [tilespmem:s2+$0x8280]  }
0x232: {  	v45 =	vld [tilespmem:s2+$0x290]  }
0x233: {  	v46 =	vld [tilespmem:s2+$0x8290]  }
0x234: {  	v47 =	vld [tilespmem:s2+$0x2A0]  }
0x235: {  	v48 =	vld [tilespmem:s2+$0x82A0]  }
0x236: {  	v49 =	vld [tilespmem:s2+$0x2B0];
	v3 =	vmul.f32 v44, v3  }
0x237: {  	v50 =	vld [tilespmem:s2+$0x82B0]  }
0x238: {  	v51 =	vld [tilespmem:s2+$0x2C0];
	v5 =	vmul.f32 v46, v45;
	v3 =	vadd.f32 $0.0e+00, v3  }
0x239: {  	v52 =	vld [tilespmem:s2+$0x82C0]  }
0x23a: {  	v54 =	vld [tilespmem:s2+$0x2D0];
	v53 =	vmul.f32 v48, v47;
	v3 =	vadd.f32 v5, v3  }
0x23b: {  	v55 =	vld [tilespmem:s2+$0x82D0]  }
0x23c: {  	v56 =	vld [tilespmem:s2+$0x2E0];
	v4 =	vmul.f32 v50, v49;
	v3 =	vadd.f32 v53, v3  }
0x23d: {  	v57 =	vld [tilespmem:s2+$0x82E0]  }
0x23e: {  	v59 =	vld [tilespmem:s2+$0x2F0];
	v58 =	vmul.f32 v52, v51;
	v3 =	vadd.f32 v4, v3  }
0x23f: {  	v60 =	vld [tilespmem:s2+$0x82F0]  }
0x240: {  	v62 =	vld [tilespmem:s9+$0x280];
	v61 =	vmul.f32 v55, v54;
	v3 =	vadd.f32 v58, v3  }
0x241: {  	v63 =	vld [tilespmem:s9+$0x8280]  }
0x242: {  	v13 =	vld [tilespmem:s9+$0x290];
	v12 =	vmul.f32 v57, v56;
	v3 =	vadd.f32 v61, v3  }
0x243: {  	v14 =	vld [tilespmem:s9+$0x8290]  }
0x244: {  	v16 =	vld [tilespmem:s9+$0x2A0];
	v15 =	vmul.f32 v60, v59;
	v3 =	vadd.f32 v12, v3  }
0x245: {  	v17 =	vld [tilespmem:s9+$0x82A0]  }
0x246: {  	v19 =	vld [tilespmem:s9+$0x2B0];
	v18 =	vmul.f32 v63, v62;
	v3 =	vadd.f32 v15, v3  }
0x247: {  	v20 =	vld [tilespmem:s9+$0x82B0]  }
0x248: {  	v22 =	vld [tilespmem:s9+$0x2C0];
	v21 =	vmul.f32 v14, v13;
	v3 =	vadd.f32 v18, v3  }
0x249: {  	v23 =	vld [tilespmem:s9+$0x82C0]  }
0x24a: {  	v25 =	vld [tilespmem:s9+$0x2D0];
	v24 =	vmul.f32 v17, v16;
	v3 =	vadd.f32 v21, v3  }
0x24b: {  	v26 =	vld [tilespmem:s9+$0x82D0]  }
0x24c: {  	v28 =	vld [tilespmem:s9+$0x2E0];
	v27 =	vmul.f32 v20, v19;
	v3 =	vadd.f32 v24, v3  }
0x24d: {  	v29 =	vld [tilespmem:s9+$0x82E0]  }
0x24e: {  	v31 =	vld [tilespmem:s9+$0x2F0];
	v30 =	vmul.f32 v23, v22;
	v3 =	vadd.f32 v27, v3  }
0x24f: {  	v32 =	vld [tilespmem:s9+$0x82F0]  }
0x250: {  	v33 =	vmul.f32 v26, v25;
	v3 =	vadd.f32 v30, v3;
	_ =	sdelay $0x1  }
0x251: {  	v34 =	vmul.f32 v29, v28;
	v3 =	vadd.f32 v33, v3;
	_ =	sdelay $0x1  }
0x252: {  	v35 =	vmul.f32 v32, v31;
	v3 =	vadd.f32 v34, v3;
	_ =	sdelay $0x1  }
0x253: {  	s9 =	sshll.u32 s0, $0x7;
	s0 =	sor.u32 $0xD, s31;
	v3 =	vadd.f32 v35, v3  }
0x254: {  	s2 =	sand.u32 $0x3FFFFE00, s9;
	s9 =	sshll.u32 s0, $0x8  }
0x255: {  	s9 =	sand.u32 $0x7800, s9;
	[tilespmem:s2+$0x10080] =	vst v3  }
0x256: {  	v3 =	vld [tilespmem:s9+$0x300]  }
0x257: {  	v36 =	vld [tilespmem:s9+$0x8300]  }
0x258: {  	v37 =	vld [tilespmem:s9+$0x310]  }
0x259: {  	v38 =	vld [tilespmem:s9+$0x8310]  }
0x25a: {  	v39 =	vld [tilespmem:s9+$0x320]  }
0x25b: {  	v40 =	vld [tilespmem:s9+$0x8320]  }
0x25c: {  	v41 =	vld [tilespmem:s9+$0x330];
	v3 =	vmul.f32 v36, v3  }
0x25d: {  	v42 =	vld [tilespmem:s9+$0x8330]  }
0x25e: {  	v43 =	vld [tilespmem:s9+$0x340];
	v5 =	vmul.f32 v38, v37;
	v3 =	vadd.f32 $0.0e+00, v3  }
0x25f: {  	v44 =	vld [tilespmem:s9+$0x8340]  }
0x260: {  	v46 =	vld [tilespmem:s9+$0x350];
	v45 =	vmul.f32 v40, v39;
	v3 =	vadd.f32 v5, v3  }
0x261: {  	v47 =	vld [tilespmem:s9+$0x8350]  }
0x262: {  	v48 =	vld [tilespmem:s9+$0x360];
	v4 =	vmul.f32 v42, v41;
	v3 =	vadd.f32 v45, v3  }
0x263: {  	v49 =	vld [tilespmem:s9+$0x8360]  }
0x264: {  	v51 =	vld [tilespmem:s9+$0x370];
	v50 =	vmul.f32 v44, v43;
	v3 =	vadd.f32 v4, v3  }
0x265: {  	v52 =	vld [tilespmem:s9+$0x8370]  }
0x266: {  	v54 =	vld [tilespmem:s9+$0x700];
	v53 =	vmul.f32 v47, v46;
	v3 =	vadd.f32 v50, v3  }
0x267: {  	v55 =	vld [tilespmem:s9+$0x8700]  }
0x268: {  	v57 =	vld [tilespmem:s9+$0x710];
	v56 =	vmul.f32 v49, v48;
	v3 =	vadd.f32 v53, v3  }
0x269: {  	v58 =	vld [tilespmem:s9+$0x8710]  }
0x26a: {  	v60 =	vld [tilespmem:s9+$0x720];
	v59 =	vmul.f32 v52, v51;
	v3 =	vadd.f32 v56, v3  }
0x26b: {  	v61 =	vld [tilespmem:s9+$0x8720]  }
0x26c: {  	v63 =	vld [tilespmem:s9+$0x730];
	v62 =	vmul.f32 v55, v54;
	v3 =	vadd.f32 v59, v3  }
0x26d: {  	v12 =	vld [tilespmem:s9+$0x8730]  }
0x26e: {  	v14 =	vld [tilespmem:s9+$0x740];
	v13 =	vmul.f32 v58, v57;
	v3 =	vadd.f32 v62, v3  }
0x26f: {  	v15 =	vld [tilespmem:s9+$0x8740]  }
0x270: {  	v17 =	vld [tilespmem:s9+$0x750];
	v16 =	vmul.f32 v61, v60;
	v3 =	vadd.f32 v13, v3  }
0x271: {  	v18 =	vld [tilespmem:s9+$0x8750]  }
0x272: {  	v20 =	vld [tilespmem:s9+$0x760];
	v19 =	vmul.f32 v12, v63;
	v3 =	vadd.f32 v16, v3  }
0x273: {  	v21 =	vld [tilespmem:s9+$0x8760]  }
0x274: {  	v23 =	vld [tilespmem:s9+$0x770];
	v22 =	vmul.f32 v15, v14;
	v3 =	vadd.f32 v19, v3  }
0x275: {  	v24 =	vld [tilespmem:s9+$0x8770]  }
0x276: {  	v25 =	vmul.f32 v18, v17;
	v3 =	vadd.f32 v22, v3;
	_ =	sdelay $0x1  }
0x277: {  	v26 =	vmul.f32 v21, v20;
	v3 =	vadd.f32 v25, v3;
	_ =	sdelay $0x1  }
0x278: {  	v27 =	vmul.f32 v24, v23;
	v3 =	vadd.f32 v26, v3;
	_ =	sdelay $0x1  }
0x279: {  	s9 =	sshll.u32 s0, $0x7;
	s0 =	sor.u32 $0xE, s31;
	v3 =	vadd.f32 v27, v3  }
0x27a: {  	s2 =	sand.u32 $0x3FFFFE80, s9;
	s31 =	sshll.u32 s0, $0x8  }
0x27b: {  	s9 =	sand.u32 $0x7800, s31;
	[tilespmem:s2+$0x10080] =	vst v3  }
0x27c: {  	v3 =	vld [tilespmem:s9+$0x380]  }
0x27d: {  	v28 =	vld [tilespmem:s9+$0x8380]  }
0x27e: {  	v29 =	vld [tilespmem:s9+$0x390]  }
0x27f: {  	v30 =	vld [tilespmem:s9+$0x8390]  }
0x280: {  	v31 =	vld [tilespmem:s9+$0x3A0]  }
0x281: {  	v32 =	vld [tilespmem:s9+$0x83A0]  }
0x282: {  	v33 =	vld [tilespmem:s9+$0x3B0];
	v3 =	vmul.f32 v28, v3  }
0x283: {  	v34 =	vld [tilespmem:s9+$0x83B0]  }
0x284: {  	v35 =	vld [tilespmem:s9+$0x3C0];
	v5 =	vmul.f32 v30, v29;
	v3 =	vadd.f32 $0.0e+00, v3  }
0x285: {  	v36 =	vld [tilespmem:s9+$0x83C0]  }
0x286: {  	v38 =	vld [tilespmem:s9+$0x3D0];
	v37 =	vmul.f32 v32, v31;
	v3 =	vadd.f32 v5, v3  }
0x287: {  	v39 =	vld [tilespmem:s9+$0x83D0]  }
0x288: {  	v40 =	vld [tilespmem:s9+$0x3E0];
	v4 =	vmul.f32 v34, v33;
	v3 =	vadd.f32 v37, v3  }
0x289: {  	v41 =	vld [tilespmem:s9+$0x83E0]  }
0x28a: {  	v43 =	vld [tilespmem:s9+$0x3F0];
	v42 =	vmul.f32 v36, v35;
	v3 =	vadd.f32 v4, v3  }
0x28b: {  	s2 =	sor.u32 $0x780, s31;
	v44 =	vld [tilespmem:s9+$0x83F0]  }
0x28c: {  	s9 =	sor.u32 $0x700, s31;
	v46 =	vld [tilespmem:s2+$0x0];
	v45 =	vmul.f32 v39, v38;
	v3 =	vadd.f32 v42, v3  }
0x28d: {  	s2 =	sor.u32 $0x790, s31;
	v47 =	vld [tilespmem:s9+$0x8080]  }
0x28e: {  	s9 =	sor.u32 $0x710, s31;
	v49 =	vld [tilespmem:s2+$0x0];
	v48 =	vmul.f32 v41, v40;
	v3 =	vadd.f32 v45, v3  }
0x28f: {  	s2 =	sor.u32 $0x7A0, s31;
	v50 =	vld [tilespmem:s9+$0x8080]  }
0x290: {  	s9 =	sor.u32 $0x720, s31;
	v52 =	vld [tilespmem:s2+$0x0];
	v51 =	vmul.f32 v44, v43;
	v3 =	vadd.f32 v48, v3  }
0x291: {  	s2 =	sor.u32 $0x7B0, s31;
	v53 =	vld [tilespmem:s9+$0x8080]  }
0x292: {  	s9 =	sor.u32 $0x730, s31;
	v55 =	vld [tilespmem:s2+$0x0];
	v54 =	vmul.f32 v47, v46;
	v3 =	vadd.f32 v51, v3  }
0x293: {  	s2 =	sor.u32 $0x7C0, s31;
	v56 =	vld [tilespmem:s9+$0x8080]  }
0x294: {  	s9 =	sor.u32 $0x740, s31;
	v58 =	vld [tilespmem:s2+$0x0];
	v57 =	vmul.f32 v50, v49;
	v3 =	vadd.f32 v54, v3  }
0x295: {  	s2 =	sor.u32 $0x7D0, s31;
	v59 =	vld [tilespmem:s9+$0x8080]  }
0x296: {  	s9 =	sor.u32 $0x750, s31;
	v61 =	vld [tilespmem:s2+$0x0];
	v60 =	vmul.f32 v53, v52;
	v3 =	vadd.f32 v57, v3  }
0x297: {  	s2 =	sor.u32 $0x7E0, s31;
	v62 =	vld [tilespmem:s9+$0x8080]  }
0x298: {  	s9 =	sor.u32 $0x760, s31;
	v12 =	vld [tilespmem:s2+$0x0];
	v63 =	vmul.f32 v56, v55;
	v3 =	vadd.f32 v60, v3  }
0x299: {  	v13 =	vld [tilespmem:s9+$0x8080];
	s9 =	sor.u32 $0x7F0, s31  }
0x29a: {  	s31 =	sor.u32 $0x770, s31;
	v15 =	vld [tilespmem:s9+$0x0];
	v14 =	vmul.f32 v59, v58;
	v3 =	vadd.f32 v63, v3  }
0x29b: {  	v16 =	vld [tilespmem:s31+$0x8080]  }
0x29c: {  	v17 =	vmul.f32 v62, v61;
	v3 =	vadd.f32 v14, v3;
	_ =	sdelay $0x1  }
0x29d: {  	v18 =	vmul.f32 v13, v12;
	v3 =	vadd.f32 v17, v3;
	_ =	sdelay $0x1  }
0x29e: {  	v19 =	vmul.f32 v16, v15;
	v3 =	vadd.f32 v18, v3;
	_ =	sdelay $0x1  }
0x29f: {  	s9 =	sshll.u32 s0, $0x7;
	s0 =	sshllo.u32 s30, $0x4;
	v3 =	vadd.f32 v19, v3  }
0x2a0: {  	s31 =	sand.u32 $0x3FFFFF00, s9;
	s2 =	sshll.u32 s0, $0x8  }
0x2a1: {  	[tilespmem:s31+$0x10080] =	vst v3;
	s31 =	sand.u32 $0x7800, s2  }
0x2a2: {  	v3 =	vld [tilespmem:s31+$0x400]  }
0x2a3: {  	v20 =	vld [tilespmem:s31+$0x8400]  }
0x2a4: {  	v21 =	vld [tilespmem:s31+$0x410]  }
0x2a5: {  	v22 =	vld [tilespmem:s31+$0x8410]  }
0x2a6: {  	v23 =	vld [tilespmem:s31+$0x420]  }
0x2a7: {  	v24 =	vld [tilespmem:s31+$0x8420]  }
0x2a8: {  	v25 =	vld [tilespmem:s31+$0x430];
	v3 =	vmul.f32 v20, v3  }
0x2a9: {  	v26 =	vld [tilespmem:s31+$0x8430]  }
0x2aa: {  	v27 =	vld [tilespmem:s31+$0x440];
	v5 =	vmul.f32 v22, v21;
	v3 =	vadd.f32 $0.0e+00, v3  }
0x2ab: {  	v28 =	vld [tilespmem:s31+$0x8440]  }
0x2ac: {  	v30 =	vld [tilespmem:s31+$0x450];
	v29 =	vmul.f32 v24, v23;
	v3 =	vadd.f32 v5, v3  }
0x2ad: {  	v31 =	vld [tilespmem:s31+$0x8450]  }
0x2ae: {  	v32 =	vld [tilespmem:s31+$0x460];
	v4 =	vmul.f32 v26, v25;
	v3 =	vadd.f32 v29, v3  }
0x2af: {  	v33 =	vld [tilespmem:s31+$0x8460]  }
0x2b0: {  	v35 =	vld [tilespmem:s31+$0x470];
	v34 =	vmul.f32 v28, v27;
	v3 =	vadd.f32 v4, v3  }
0x2b1: {  	v36 =	vld [tilespmem:s31+$0x8470];
	s31 =	sor.u32 $0x780, s2  }
0x2b2: {  	v38 =	vld [tilespmem:s31+$0x80];
	v37 =	vmul.f32 v31, v30;
	v3 =	vadd.f32 v34, v3  }
0x2b3: {  	v39 =	vld [tilespmem:s31+$0x8080];
	s31 =	sor.u32 $0x790, s2  }
0x2b4: {  	v41 =	vld [tilespmem:s31+$0x80];
	v40 =	vmul.f32 v33, v32;
	v3 =	vadd.f32 v37, v3  }
0x2b5: {  	v42 =	vld [tilespmem:s31+$0x8080];
	s31 =	sor.u32 $0x7A0, s2  }
0x2b6: {  	v44 =	vld [tilespmem:s31+$0x80];
	v43 =	vmul.f32 v36, v35;
	v3 =	vadd.f32 v40, v3  }
0x2b7: {  	v45 =	vld [tilespmem:s31+$0x8080];
	s31 =	sor.u32 $0x7B0, s2  }
0x2b8: {  	v47 =	vld [tilespmem:s31+$0x80];
	v46 =	vmul.f32 v39, v38;
	v3 =	vadd.f32 v43, v3  }
0x2b9: {  	v48 =	vld [tilespmem:s31+$0x8080];
	s31 =	sor.u32 $0x7C0, s2  }
0x2ba: {  	v50 =	vld [tilespmem:s31+$0x80];
	v49 =	vmul.f32 v42, v41;
	v3 =	vadd.f32 v46, v3  }
0x2bb: {  	v51 =	vld [tilespmem:s31+$0x8080];
	s31 =	sor.u32 $0x7D0, s2  }
0x2bc: {  	v53 =	vld [tilespmem:s31+$0x80];
	v52 =	vmul.f32 v45, v44;
	v3 =	vadd.f32 v49, v3  }
0x2bd: {  	v54 =	vld [tilespmem:s31+$0x8080];
	s31 =	sor.u32 $0x7E0, s2  }
0x2be: {  	v56 =	vld [tilespmem:s31+$0x80];
	v55 =	vmul.f32 v48, v47;
	v3 =	vadd.f32 v52, v3  }
0x2bf: {  	s2 =	sor.u32 $0x7F0, s2;
	v57 =	vld [tilespmem:s31+$0x8080]  }
0x2c0: {  	v59 =	vld [tilespmem:s2+$0x80];
	v58 =	vmul.f32 v51, v50;
	v3 =	vadd.f32 v55, v3  }
0x2c1: {  	v60 =	vld [tilespmem:s2+$0x8080]  }
0x2c2: {  	v61 =	vmul.f32 v54, v53;
	v3 =	vadd.f32 v58, v3;
	_ =	sdelay $0x1  }
0x2c3: {  	v62 =	vmul.f32 v57, v56;
	v3 =	vadd.f32 v61, v3  }
0x2c4: {  	p0 =	sne.s32 s30, $0x7  }
.Ltmp0:
0x2c5: {  	v63 =	vmul.f32 v60, v59;
	v3 =	vadd.f32 v62, v3;
	(pc) =	sbr.rel @p0 .LBB2_2-.Ltmp0, $4  }
0x2c6: {  	_ = 	snop  }
0x2c7: {  	s0 =	sshll.u32 s0, $0x7;
	v3 =	vadd.f32 v63, v3  }
0x2c8: {  	s0 =	sand.u32 $0x3FFFFF80, s0  }
0x2c9: {  	s30 =	sadd.s32 $0x1, s30;
	[tilespmem:s0+$0x10080] =	vst v3  }
0x2ca: {  	s29 =	sadd.s32 $0x1, s29  }
0x2cb: {  	p0 =	sne.s32 s29, s7  }
.Ltmp1:
0x2cc: {  	_ = 	snop;
	(pc) =	sbr.rel @p0 .LBB2_1-.Ltmp1, $4  }
0x2cd: {  	[hbm4b:s6+s3] =	stream.linear.scatter [tilespmem:s28], [sflag:$0x2], $0x4000, $0x38;
	[tilespmem:$0x14080] =	vst v63  }
0x2ce: {  	_ =	swait.ge [sflag:s8], $0x4000  }
0x2cf: {  	[sflag:s8] =	ssyncset.done $0x0  }
0x2d0: {  	[sflag:s8] =	ssyncadd.s32 $0xFFFFC000  }
0x2d1: {  	_ =	sfence.sel $0x180000  }
0x2d2: {  	[bflag:$0x0] =	sbarrier.arrive $0xFFFF  }
0x2d3: {  	_ =	strace $0x90000047  }
0x2d4: {  	s0 =	stileid.u32;
	[bflag:$0x2] =	sbarrier.arrive $0xFFFF  }
0x2d5: {  	p0 =	sne.s32 s0, $0x0;
	s0 =	rddreg [dreg:$0x4]  }
0x2d6: {  	s0 =	sadd.s32 @!p0 $0x100000, s0  }
0x2d7: {  	[sflag:s0] =	ssyncadd.tile.s32 @!p0 $0x1;
	_ =	shalt  }
.Lfunc_end2:
_tile_overlayer_lowered:
.L_overlay_start_2:
0x2d8: {  	(tag) =	ssettag $0x2  }
0x2d9: {  	s0 =	rddreg [dreg:$0x0];
	s2 =	stileid.u32  }
0x2da: {  	s1 =	rddreg [dreg:$0x1];
	p0 =	sne.s32 s2, $0x0  }
0x2db: {  	s3 =	rddreg [dreg:$0x2];
	[bflag:$0x3] =	sbarrier.arrive $0xFFFF;
	s2 =	simm.s32 @!p0 $0x1C02  }
0x2dc: {  	[timem:s3], [sflag:s2] =	dma.local @!p0 [hbm:s0], s1  }
0x2dd: {  	s0 =	simm.s32 @!p0 $0x2  }
0x2de: {  	_ =	swait.ge @!p0 [sflag:s0], s1  }
0x2df: {  	s1 =	ssub.s32 @!p0 $0x0, s1;
	[sflag:s0] =	ssyncset.done @!p0 $0x0  }
0x2e0: {  	[sflag:s0] =	ssyncadd.s32 @!p0 s1  }
0x2e1: {  	[bflag:$0x3] =	sbarrier.arrive $0xFFFF  }
0x2e2: {  	_ =	shalt  }

</sc_bundles>
